<compile_context>
chip_gen: v7x
topology: tpu7x:2x2x1
jax: 0.10.2.dev20260603
libtpu: 0.0.44.dev20260713+nightly
codegen_flags: <defaults>
</compile_context>

<pallas_src>
import jax
import jax.numpy as jnp
import numpy as np
from jax import lax
from jax.experimental import pallas as pl
from jax.experimental.pallas import tpu as pltpu
from jax.experimental.pallas import tpu_sc as plsc

N = 10000
HID = 128
E = 320000
NC = 2
NS = 16
NW = NC * NS
LANES = 16

CHUNK = 128
CPT = 80
HALF = CPT // 2
ROWS_PAD = NW * CPT
EPAD = ROWS_PAD * CHUNK

ROWB = 80
TILE_ROWS = 640
NACC = N + ROWB

_mesh = plsc.VectorSubcoreMesh(
    core_axis_name="c", subcore_axis_name="s", num_cores=NC, num_subcores=NS
)


def _zero_fill(zbuf, width):
    def _fill(i, _):
        for j in range(width // LANES):
            zbuf[i, pl.ds(j * LANES, LANES)] = jnp.zeros((LANES,), jnp.float32)
        return 0

    lax.fori_loop(0, ROWB, _fill, 0)


def _zero_acc(zbuf, acc, s):
    row0 = s * TILE_ROWS
    nz = jnp.where(s == NS - 1, (NACC - (NS - 1) * TILE_ROWS) // ROWB,
                   TILE_ROWS // ROWB)

    def _zero(t, _):
        pltpu.sync_copy(zbuf, acc.at[pl.ds(row0 + t * ROWB, ROWB)])
        return 0

    lax.fori_loop(0, nz, _zero, 0)


def _dump_acc(acc, stage, out_hbm, c, s):
    row0 = s * TILE_ROWS
    nd = jnp.where(s == NS - 1, (N - (NS - 1) * TILE_ROWS) // ROWB,
                   TILE_ROWS // ROWB)

    def _dump(t, _):
        r0 = row0 + t * ROWB
        pltpu.sync_copy(acc.at[pl.ds(r0, ROWB)], stage)
        pltpu.sync_copy(stage, out_hbm.at[pl.ds(c * N + r0, ROWB)])
        return 0

    lax.fori_loop(0, nd, _dump, 0)


def _degree_body(dst_hbm, cnt_hbm, didx, ones_v, zbuf, acc):
    c = lax.axis_index("c")
    s = lax.axis_index("s")
    w = c * NS + s

    _zero_fill(zbuf, HID)

    def _fill(i, _):
        for j in range(HID // LANES):
            ones_v[i, pl.ds(j * LANES, LANES)] = jnp.ones((LANES,), jnp.float32)
        return 0

    lax.fori_loop(0, CHUNK, _fill, 0)

    _zero_acc(zbuf, acc, s)
    plsc.subcore_barrier()

    for h in range(CPT // HALF):
        pltpu.sync_copy(dst_hbm.at[pl.ds(w * CPT + h * HALF, HALF)], didx)

        def _body(t, _):
            pltpu.sync_copy(ones_v, acc.at[didx.at[t]], add=True)
            return 0

        lax.fori_loop(0, HALF, _body, 0)
    plsc.subcore_barrier()
    _dump_acc(acc, zbuf, cnt_hbm, c, s)


def _build_degree(interpret=False):
    return pl.kernel(
        _degree_body,
        out_type=jax.ShapeDtypeStruct((NC * N, HID), jnp.float32),
        mesh=_mesh,
        scratch_types=[
            pltpu.VMEM((HALF, CHUNK), jnp.int32),
            pltpu.VMEM((CHUNK, HID), jnp.float32),
            pltpu.VMEM((ROWB, HID), jnp.float32),
            pltpu.VMEM_SHARED((NACC, HID), jnp.float32),
        ],
        interpret=interpret,
    )


def _edges_body(src_hbm, dst_hbm, hp_hbm, out_hbm,
                sidx, didx, rows_a, rows_b, acc, sem_a, sem_b):
    c = lax.axis_index("c")
    s = lax.axis_index("s")
    w = c * NS + s

    def _fillz(i, _):
        for j in range(HID // LANES):
            rows_a[i, pl.ds(j * LANES, LANES)] = jnp.zeros((LANES,), jnp.float32)
        return 0

    lax.fori_loop(0, ROWB, _fillz, 0)
    _zero_acc(rows_a.at[pl.ds(0, ROWB)], acc, s)
    plsc.subcore_barrier()

    for h in range(CPT // HALF):
        pltpu.sync_copy(src_hbm.at[pl.ds(w * CPT + h * HALF, HALF)], sidx)
        pltpu.sync_copy(dst_hbm.at[pl.ds(w * CPT + h * HALF, HALF)], didx)

        pltpu.async_copy(hp_hbm.at[sidx.at[0]], rows_a, sem_a)
        pltpu.async_copy(hp_hbm.at[sidx.at[1]], rows_b, sem_b)

        def _body(t, _):
            j0 = 2 * t
            j1 = j0 + 1
            pltpu.make_async_copy(hp_hbm.at[sidx.at[0]], rows_a, sem_a).wait()
            pltpu.sync_copy(rows_a, acc.at[didx.at[j0]], add=True)

            @pl.when(j0 + 2 < HALF)
            def _():
                pltpu.async_copy(hp_hbm.at[sidx.at[j0 + 2]], rows_a, sem_a)

            pltpu.make_async_copy(hp_hbm.at[sidx.at[1]], rows_b, sem_b).wait()
            pltpu.sync_copy(rows_b, acc.at[didx.at[j1]], add=True)

            @pl.when(j1 + 2 < HALF)
            def _():
                pltpu.async_copy(hp_hbm.at[sidx.at[j1 + 2]], rows_b, sem_b)

            return 0

        lax.fori_loop(0, HALF // 2, _body, 0)
    plsc.subcore_barrier()
    _dump_acc(acc, rows_a.at[pl.ds(0, ROWB)], out_hbm, c, s)


def _build_edges(interpret=False):
    return pl.kernel(
        _edges_body,
        out_type=jax.ShapeDtypeStruct((NC * N, HID), jnp.float32),
        mesh=_mesh,
        scratch_types=[
            pltpu.VMEM((HALF, CHUNK), jnp.int32),
            pltpu.VMEM((HALF, CHUNK), jnp.int32),
            pltpu.VMEM((CHUNK, HID), jnp.float32),
            pltpu.VMEM((CHUNK, HID), jnp.float32),
            pltpu.VMEM_SHARED((NACC, HID), jnp.float32),
            pltpu.SemaphoreType.DMA,
            pltpu.SemaphoreType.DMA,
        ],
        interpret=interpret,
    )


_degree_sc = _build_degree()
_edges_sc = _build_edges()


BR = 1000


def _mm1_body(x_ref, w_ref, g_ref):
    g_ref[...] = jnp.dot(x_ref[...], w_ref[...],
                         preferred_element_type=jnp.float32)


_mm1 = pl.pallas_call(
    _mm1_body,
    grid=(N // BR,),
    in_specs=[
        pl.BlockSpec((BR, HID), lambda i: (i, 0)),
        pl.BlockSpec((HID, HID), lambda i: (0, 0)),
    ],
    out_specs=pl.BlockSpec((BR, HID), lambda i: (i, 0)),
    out_shape=jax.ShapeDtypeStruct((N, HID), jnp.float32),
)


def _scale1_body(g_ref, cnt_ref, h_ref, dis_ref):
    deg = cnt_ref[0][:, 0] + cnt_ref[1][:, 0] + 1.0
    dis = lax.rsqrt(deg)[:, None]
    h_ref[...] = g_ref[...] * dis
    dis_ref[...] = dis


_scale1 = pl.pallas_call(
    _scale1_body,
    grid=(N // BR,),
    in_specs=[
        pl.BlockSpec((BR, HID), lambda i: (i, 0)),
        pl.BlockSpec((NC, BR, HID), lambda i: (0, i, 0)),
    ],
    out_specs=[
        pl.BlockSpec((BR, HID), lambda i: (i, 0)),
        pl.BlockSpec((BR, 1), lambda i: (i, 0)),
    ],
    out_shape=[
        jax.ShapeDtypeStruct((N, HID), jnp.float32),
        jax.ShapeDtypeStruct((N, 1), jnp.float32),
    ],
)


def _dense2_body(a_ref, hp_ref, dis_ref, b_ref, w_ref, h_ref):
    dis = dis_ref[...]
    seg = a_ref[0] + a_ref[1] + hp_ref[...]
    x2 = jnp.maximum(seg * dis + b_ref[...], 0.0)
    h_ref[...] = jnp.dot(x2, w_ref[...], preferred_element_type=jnp.float32) * dis


_dense2 = pl.pallas_call(
    _dense2_body,
    grid=(N // BR,),
    in_specs=[
        pl.BlockSpec((NC, BR, HID), lambda i: (0, i, 0)),
        pl.BlockSpec((BR, HID), lambda i: (i, 0)),
        pl.BlockSpec((BR, 1), lambda i: (i, 0)),
        pl.BlockSpec((1, HID), lambda i: (0, 0)),
        pl.BlockSpec((HID, HID), lambda i: (0, 0)),
    ],
    out_specs=pl.BlockSpec((BR, HID), lambda i: (i, 0)),
    out_shape=jax.ShapeDtypeStruct((N, HID), jnp.float32),
)


def _dense3_body(a_ref, hp_ref, dis_ref, b_ref, o_ref):
    seg = a_ref[0] + a_ref[1] + hp_ref[...]
    o_ref[...] = jnp.maximum(seg * dis_ref[...] + b_ref[...], 0.0)


_dense3 = pl.pallas_call(
    _dense3_body,
    grid=(N // BR,),
    in_specs=[
        pl.BlockSpec((NC, BR, HID), lambda i: (0, i, 0)),
        pl.BlockSpec((BR, HID), lambda i: (i, 0)),
        pl.BlockSpec((BR, 1), lambda i: (i, 0)),
        pl.BlockSpec((1, HID), lambda i: (0, 0)),
    ],
    out_specs=pl.BlockSpec((BR, HID), lambda i: (i, 0)),
    out_shape=jax.ShapeDtypeStruct((N, HID), jnp.float32),
)


_PAD = EPAD - E
_FILL_SRC = np.arange(_PAD, dtype=np.int32) % N
_FILL_DST = N + np.arange(_PAD, dtype=np.int32) % ROWB


def kernel(edge_index, node_features, W1, b1, W2, b2):
    ei = edge_index.astype(jnp.int32)
    src = jnp.concatenate([ei[0], jnp.asarray(_FILL_SRC)]).reshape(ROWS_PAD, CHUNK)
    dst = jnp.concatenate([ei[1], jnp.asarray(_FILL_DST)]).reshape(ROWS_PAD, CHUNK)
    cnt = _degree_sc(dst).reshape(NC, N, HID)
    g1 = _mm1(node_features, W1)
    h1p, dis = _scale1(g1, cnt)
    a1 = _edges_sc(src, dst, h1p).reshape(NC, N, HID)
    h2p = _dense2(a1, h1p, dis, b1.reshape(1, HID), W2)
    a2 = _edges_sc(src, dst, h2p).reshape(NC, N, HID)
    return _dense3(a2, h2p, dis, b2.reshape(1, HID))

# --- scband reference (transcript-rebuilt; emitter-appended) ---
"""Pipeline reference for scband-prototype-gcn-3049426780611 (READ-ONLY COPY).

The authoritative reference and input builder live on the scoring server;
editing this copy changes nothing except your own understanding.
"""

import jax, jax.numpy as jnp
import numpy as np

NUM_NODES = 10000
HID = 128
N_EDGES = 320000


def gcn_conv(x, edge_index, W, b):
    # Faithful PyG GCNConv: add self-loops, symmetric degree normalization,
    # linear transform (no bias in lin), aggregate by sum, then add bias.
    src = edge_index[0]
    dst = edge_index[1]
    loop = jnp.arange(NUM_NODES, dtype=edge_index.dtype)
    src = jnp.concatenate([src, loop])
    dst = jnp.concatenate([dst, loop])
    deg = jnp.zeros((NUM_NODES,), jnp.float32).at[dst].add(1.0)
    deg_inv_sqrt = jnp.where(deg > 0, jax.lax.rsqrt(deg), 0.0)
    norm = deg_inv_sqrt[src] * deg_inv_sqrt[dst]
    h = x @ W
    msg = jnp.take(h, src, axis=0) * norm[:, None]
    out = jax.ops.segment_sum(msg, dst, num_segments=NUM_NODES)
    return out + b


def setup_inputs(seed: int = 0) -> dict:
    key = jax.random.key(seed)
    k0, k1, k2, k3 = jax.random.split(key, 4)
    edge_index = jax.random.randint(k0, (2, N_EDGES), 0, NUM_NODES, dtype=jnp.int64)
    node_features = jax.random.normal(k1, (NUM_NODES, HID), dtype=jnp.float32) * 0.02
    # Glorot-style init for GCNConv linear weights
    W1 = jax.random.normal(k2, (HID, HID), dtype=jnp.float32) * (1.0 / np.sqrt(HID))
    W2 = jax.random.normal(k3, (HID, HID), dtype=jnp.float32) * (1.0 / np.sqrt(HID))
    b1 = jnp.zeros((HID,), dtype=jnp.float32)
    b2 = jnp.zeros((HID,), dtype=jnp.float32)
    return {"edge_index": edge_index, "node_features": node_features,
            "W1": W1, "b1": b1, "W2": W2, "b2": b2}


def reference(edge_index, node_features, W1, b1, W2, b2):
    x = node_features
    x = jax.nn.relu(gcn_conv(x, edge_index, W1, b1))
    x = jax.nn.relu(gcn_conv(x, edge_index, W2, b2))
    return x

if __name__ == "__main__":
    import jax
    _d = setup_inputs()
    print(jax.jit(kernel)(*tuple(_d.values())))

</pallas_src>

<mosaic_0001>
#map = affine_map<(d0, d1) -> (0, 0)>
module attributes {stable_mosaic.version = 14 : i64} {
  func.func @_degree_body(%arg0: i32, %arg1: i32, %arg2: memref<2560x128xi32, #tpu.memory_space<hbm>>, %arg3: memref<20000x128xf32, #tpu.memory_space<hbm>>, %arg4: memref<40x128xi32, #tpu.memory_space<vmem>>, %arg5: memref<128x128xf32, #tpu.memory_space<vmem>>, %arg6: memref<80x128xf32, #tpu.memory_space<vmem>>, %arg7: memref<10080x128xf32, #tpu.memory_space<vmem_shared>>) attributes {dimension_semantics = [#tpu.dimension_semantics<core_parallel>, #tpu.dimension_semantics<subcore_parallel>], iteration_bounds = array<i64: 2, 16>, scalar_prefetch = 0 : i64, scratch_operands = 4 : i64, tpu.core_type = #tpu.core_type<sc_vector_subcore>, window_params = [{transform_indices = #map}, {transform_indices = #map}]} {
    %mul3A = arith.constant 16 : i32
    %mul3A_0 = arith.muli %arg0, %mul3A : i32
    %add3A = arith.addi %mul3A_0, %arg1 : i32
    %scan3A = arith.constant 0 : i32
    %scan3A_1 = arith.constant 0 : i32
    %scan3A_2 = arith.constant 80 : i32
    %scan3A_3 = arith.addi %scan3A_1, %scan3A_2 : i32
    %scan3A_4 = arith.constant 1 : i32
    %scan3A_5 = scf.for %scan3A_71 = %scan3A_1 to %scan3A_3 step %scan3A_4 iter_args(%scan3A_72 = %scan3A) -> (i32)  : i32 {
      %broadcast_in_dim3A = arith.constant 0.000000e+00 : f32
      %broadcast_in_dim3A_73 = vector.broadcast %broadcast_in_dim3A : f32 to vector<16xf32>
      %swap3A = arith.index_cast %scan3A_71 : i32 to index
      %swap3A_74 = arith.constant 0 : index
      %swap3A_75 = tpu.vector_load %arg6[%swap3A, %swap3A_74] {strides = array<i32>} : memref<80x128xf32, #tpu.memory_space<vmem>>, vector<1x16xf32>,
      %swap3A_76 = vector.shape_cast %swap3A_75 : vector<1x16xf32> to vector<16xf32>
      %swap3A_77 = vector.shape_cast %broadcast_in_dim3A_73 : vector<16xf32> to vector<1x16xf32>
      tpu.vector_store %arg6[%swap3A, %swap3A_74], %swap3A_77 {strides = array<i32>} : memref<80x128xf32, #tpu.memory_space<vmem>>, vector<1x16xf32>,
      %broadcast_in_dim3A_78 = arith.constant 0.000000e+00 : f32
      %broadcast_in_dim3A_79 = vector.broadcast %broadcast_in_dim3A_78 : f32 to vector<16xf32>
      %swap3A_80 = arith.index_cast %scan3A_71 : i32 to index
      %swap3A_81 = arith.constant 16 : index
      %swap3A_82 = tpu.vector_load %arg6[%swap3A_80, %swap3A_81] {strides = array<i32>} : memref<80x128xf32, #tpu.memory_space<vmem>>, vector<1x16xf32>,
      %swap3A_83 = vector.shape_cast %swap3A_82 : vector<1x16xf32> to vector<16xf32>
      %swap3A_84 = vector.shape_cast %broadcast_in_dim3A_79 : vector<16xf32> to vector<1x16xf32>
      tpu.vector_store %arg6[%swap3A_80, %swap3A_81], %swap3A_84 {strides = array<i32>} : memref<80x128xf32, #tpu.memory_space<vmem>>, vector<1x16xf32>,
      %broadcast_in_dim3A_85 = arith.constant 0.000000e+00 : f32
      %broadcast_in_dim3A_86 = vector.broadcast %broadcast_in_dim3A_85 : f32 to vector<16xf32>
      %swap3A_87 = arith.index_cast %scan3A_71 : i32 to index
      %swap3A_88 = arith.constant 32 : index
      %swap3A_89 = tpu.vector_load %arg6[%swap3A_87, %swap3A_88] {strides = array<i32>} : memref<80x128xf32, #tpu.memory_space<vmem>>, vector<1x16xf32>,
      %swap3A_90 = vector.shape_cast %swap3A_89 : vector<1x16xf32> to vector<16xf32>
      %swap3A_91 = vector.shape_cast %broadcast_in_dim3A_86 : vector<16xf32> to vector<1x16xf32>
      tpu.vector_store %arg6[%swap3A_87, %swap3A_88], %swap3A_91 {strides = array<i32>} : memref<80x128xf32, #tpu.memory_space<vmem>>, vector<1x16xf32>,
      %broadcast_in_dim3A_92 = arith.constant 0.000000e+00 : f32
      %broadcast_in_dim3A_93 = vector.broadcast %broadcast_in_dim3A_92 : f32 to vector<16xf32>
      %swap3A_94 = arith.index_cast %scan3A_71 : i32 to index
      %swap3A_95 = arith.constant 48 : index
      %swap3A_96 = tpu.vector_load %arg6[%swap3A_94, %swap3A_95] {strides = array<i32>} : memref<80x128xf32, #tpu.memory_space<vmem>>, vector<1x16xf32>,
      %swap3A_97 = vector.shape_cast %swap3A_96 : vector<1x16xf32> to vector<16xf32>
      %swap3A_98 = vector.shape_cast %broadcast_in_dim3A_93 : vector<16xf32> to vector<1x16xf32>
      tpu.vector_store %arg6[%swap3A_94, %swap3A_95], %swap3A_98 {strides = array<i32>} : memref<80x128xf32, #tpu.memory_space<vmem>>, vector<1x16xf32>,
      %broadcast_in_dim3A_99 = arith.constant 0.000000e+00 : f32
      %broadcast_in_dim3A_100 = vector.broadcast %broadcast_in_dim3A_99 : f32 to vector<16xf32>
      %swap3A_101 = arith.index_cast %scan3A_71 : i32 to index
      %swap3A_102 = arith.constant 64 : index
      %swap3A_103 = tpu.vector_load %arg6[%swap3A_101, %swap3A_102] {strides = array<i32>} : memref<80x128xf32, #tpu.memory_space<vmem>>, vector<1x16xf32>,
      %swap3A_104 = vector.shape_cast %swap3A_103 : vector<1x16xf32> to vector<16xf32>
      %swap3A_105 = vector.shape_cast %broadcast_in_dim3A_100 : vector<16xf32> to vector<1x16xf32>
      tpu.vector_store %arg6[%swap3A_101, %swap3A_102], %swap3A_105 {strides = array<i32>} : memref<80x128xf32, #tpu.memory_space<vmem>>, vector<1x16xf32>,
      %broadcast_in_dim3A_106 = arith.constant 0.000000e+00 : f32
      %broadcast_in_dim3A_107 = vector.broadcast %broadcast_in_dim3A_106 : f32 to vector<16xf32>
      %swap3A_108 = arith.index_cast %scan3A_71 : i32 to index
      %swap3A_109 = arith.constant 80 : index
      %swap3A_110 = tpu.vector_load %arg6[%swap3A_108, %swap3A_109] {strides = array<i32>} : memref<80x128xf32, #tpu.memory_space<vmem>>, vector<1x16xf32>,
      %swap3A_111 = vector.shape_cast %swap3A_110 : vector<1x16xf32> to vector<16xf32>
      %swap3A_112 = vector.shape_cast %broadcast_in_dim3A_107 : vector<16xf32> to vector<1x16xf32>
      tpu.vector_store %arg6[%swap3A_108, %swap3A_109], %swap3A_112 {strides = array<i32>} : memref<80x128xf32, #tpu.memory_space<vmem>>, vector<1x16xf32>,
      %broadcast_in_dim3A_113 = arith.constant 0.000000e+00 : f32
      %broadcast_in_dim3A_114 = vector.broadcast %broadcast_in_dim3A_113 : f32 to vector<16xf32>
      %swap3A_115 = arith.index_cast %scan3A_71 : i32 to index
      %swap3A_116 = arith.constant 96 : index
      %swap3A_117 = tpu.vector_load %arg6[%swap3A_115, %swap3A_116] {strides = array<i32>} : memref<80x128xf32, #tpu.memory_space<vmem>>, vector<1x16xf32>,
      %swap3A_118 = vector.shape_cast %swap3A_117 : vector<1x16xf32> to vector<16xf32>
      %swap3A_119 = vector.shape_cast %broadcast_in_dim3A_114 : vector<16xf32> to vector<1x16xf32>
      tpu.vector_store %arg6[%swap3A_115, %swap3A_116], %swap3A_119 {strides = array<i32>} : memref<80x128xf32, #tpu.memory_space<vmem>>, vector<1x16xf32>,
      %broadcast_in_dim3A_120 = arith.constant 0.000000e+00 : f32
      %broadcast_in_dim3A_121 = vector.broadcast %broadcast_in_dim3A_120 : f32 to vector<16xf32>
      %swap3A_122 = arith.index_cast %scan3A_71 : i32 to index
      %swap3A_123 = arith.constant 112 : index
      %swap3A_124 = tpu.vector_load %arg6[%swap3A_122, %swap3A_123] {strides = array<i32>} : memref<80x128xf32, #tpu.memory_space<vmem>>, vector<1x16xf32>,
      %swap3A_125 = vector.shape_cast %swap3A_124 : vector<1x16xf32> to vector<16xf32>
      %swap3A_126 = vector.shape_cast %broadcast_in_dim3A_121 : vector<16xf32> to vector<1x16xf32>
      tpu.vector_store %arg6[%swap3A_122, %swap3A_123], %swap3A_126 {strides = array<i32>} : memref<80x128xf32, #tpu.memory_space<vmem>>, vector<1x16xf32>,
      %scan3A_127 = arith.constant 0 : i32
      scf.yield %scan3A_127 : i32
    }
    %scan3A_6 = arith.constant 80 : i32
    %scan3A_7 = arith.constant 0 : i32
    %scan3A_8 = arith.constant 0 : i32
    %scan3A_9 = arith.constant 128 : i32
    %scan3A_10 = arith.addi %scan3A_8, %scan3A_9 : i32
    %scan3A_11 = arith.constant 1 : i32
    %scan3A_12 = scf.for %scan3A_71 = %scan3A_8 to %scan3A_10 step %scan3A_11 iter_args(%scan3A_72 = %scan3A_7) -> (i32)  : i32 {
      %broadcast_in_dim3A = arith.constant 1.000000e+00 : f32
      %broadcast_in_dim3A_73 = vector.broadcast %broadcast_in_dim3A : f32 to vector<16xf32>
      %swap3A = arith.index_cast %scan3A_71 : i32 to index
      %swap3A_74 = arith.constant 0 : index
      %swap3A_75 = tpu.vector_load %arg5[%swap3A, %swap3A_74] {strides = array<i32>} : memref<128x128xf32, #tpu.memory_space<vmem>>, vector<1x16xf32>,
      %swap3A_76 = vector.shape_cast %swap3A_75 : vector<1x16xf32> to vector<16xf32>
      %swap3A_77 = vector.shape_cast %broadcast_in_dim3A_73 : vector<16xf32> to vector<1x16xf32>
      tpu.vector_store %arg5[%swap3A, %swap3A_74], %swap3A_77 {strides = array<i32>} : memref<128x128xf32, #tpu.memory_space<vmem>>, vector<1x16xf32>,
      %broadcast_in_dim3A_78 = arith.constant 1.000000e+00 : f32
      %broadcast_in_dim3A_79 = vector.broadcast %broadcast_in_dim3A_78 : f32 to vector<16xf32>
      %swap3A_80 = arith.index_cast %scan3A_71 : i32 to index
      %swap3A_81 = arith.constant 16 : index
      %swap3A_82 = tpu.vector_load %arg5[%swap3A_80, %swap3A_81] {strides = array<i32>} : memref<128x128xf32, #tpu.memory_space<vmem>>, vector<1x16xf32>,
      %swap3A_83 = vector.shape_cast %swap3A_82 : vector<1x16xf32> to vector<16xf32>
      %swap3A_84 = vector.shape_cast %broadcast_in_dim3A_79 : vector<16xf32> to vector<1x16xf32>
      tpu.vector_store %arg5[%swap3A_80, %swap3A_81], %swap3A_84 {strides = array<i32>} : memref<128x128xf32, #tpu.memory_space<vmem>>, vector<1x16xf32>,
      %broadcast_in_dim3A_85 = arith.constant 1.000000e+00 : f32
      %broadcast_in_dim3A_86 = vector.broadcast %broadcast_in_dim3A_85 : f32 to vector<16xf32>
      %swap3A_87 = arith.index_cast %scan3A_71 : i32 to index
      %swap3A_88 = arith.constant 32 : index
      %swap3A_89 = tpu.vector_load %arg5[%swap3A_87, %swap3A_88] {strides = array<i32>} : memref<128x128xf32, #tpu.memory_space<vmem>>, vector<1x16xf32>,
      %swap3A_90 = vector.shape_cast %swap3A_89 : vector<1x16xf32> to vector<16xf32>
      %swap3A_91 = vector.shape_cast %broadcast_in_dim3A_86 : vector<16xf32> to vector<1x16xf32>
      tpu.vector_store %arg5[%swap3A_87, %swap3A_88], %swap3A_91 {strides = array<i32>} : memref<128x128xf32, #tpu.memory_space<vmem>>, vector<1x16xf32>,
      %broadcast_in_dim3A_92 = arith.constant 1.000000e+00 : f32
      %broadcast_in_dim3A_93 = vector.broadcast %broadcast_in_dim3A_92 : f32 to vector<16xf32>
      %swap3A_94 = arith.index_cast %scan3A_71 : i32 to index
      %swap3A_95 = arith.constant 48 : index
      %swap3A_96 = tpu.vector_load %arg5[%swap3A_94, %swap3A_95] {strides = array<i32>} : memref<128x128xf32, #tpu.memory_space<vmem>>, vector<1x16xf32>,
      %swap3A_97 = vector.shape_cast %swap3A_96 : vector<1x16xf32> to vector<16xf32>
      %swap3A_98 = vector.shape_cast %broadcast_in_dim3A_93 : vector<16xf32> to vector<1x16xf32>
      tpu.vector_store %arg5[%swap3A_94, %swap3A_95], %swap3A_98 {strides = array<i32>} : memref<128x128xf32, #tpu.memory_space<vmem>>, vector<1x16xf32>,
      %broadcast_in_dim3A_99 = arith.constant 1.000000e+00 : f32
      %broadcast_in_dim3A_100 = vector.broadcast %broadcast_in_dim3A_99 : f32 to vector<16xf32>
      %swap3A_101 = arith.index_cast %scan3A_71 : i32 to index
      %swap3A_102 = arith.constant 64 : index
      %swap3A_103 = tpu.vector_load %arg5[%swap3A_101, %swap3A_102] {strides = array<i32>} : memref<128x128xf32, #tpu.memory_space<vmem>>, vector<1x16xf32>,
      %swap3A_104 = vector.shape_cast %swap3A_103 : vector<1x16xf32> to vector<16xf32>
      %swap3A_105 = vector.shape_cast %broadcast_in_dim3A_100 : vector<16xf32> to vector<1x16xf32>
      tpu.vector_store %arg5[%swap3A_101, %swap3A_102], %swap3A_105 {strides = array<i32>} : memref<128x128xf32, #tpu.memory_space<vmem>>, vector<1x16xf32>,
      %broadcast_in_dim3A_106 = arith.constant 1.000000e+00 : f32
      %broadcast_in_dim3A_107 = vector.broadcast %broadcast_in_dim3A_106 : f32 to vector<16xf32>
      %swap3A_108 = arith.index_cast %scan3A_71 : i32 to index
      %swap3A_109 = arith.constant 80 : index
      %swap3A_110 = tpu.vector_load %arg5[%swap3A_108, %swap3A_109] {strides = array<i32>} : memref<128x128xf32, #tpu.memory_space<vmem>>, vector<1x16xf32>,
      %swap3A_111 = vector.shape_cast %swap3A_110 : vector<1x16xf32> to vector<16xf32>
      %swap3A_112 = vector.shape_cast %broadcast_in_dim3A_107 : vector<16xf32> to vector<1x16xf32>
      tpu.vector_store %arg5[%swap3A_108, %swap3A_109], %swap3A_112 {strides = array<i32>} : memref<128x128xf32, #tpu.memory_space<vmem>>, vector<1x16xf32>,
      %broadcast_in_dim3A_113 = arith.constant 1.000000e+00 : f32
      %broadcast_in_dim3A_114 = vector.broadcast %broadcast_in_dim3A_113 : f32 to vector<16xf32>
      %swap3A_115 = arith.index_cast %scan3A_71 : i32 to index
      %swap3A_116 = arith.constant 96 : index
      %swap3A_117 = tpu.vector_load %arg5[%swap3A_115, %swap3A_116] {strides = array<i32>} : memref<128x128xf32, #tpu.memory_space<vmem>>, vector<1x16xf32>,
      %swap3A_118 = vector.shape_cast %swap3A_117 : vector<1x16xf32> to vector<16xf32>
      %swap3A_119 = vector.shape_cast %broadcast_in_dim3A_114 : vector<16xf32> to vector<1x16xf32>
      tpu.vector_store %arg5[%swap3A_115, %swap3A_116], %swap3A_119 {strides = array<i32>} : memref<128x128xf32, #tpu.memory_space<vmem>>, vector<1x16xf32>,
      %broadcast_in_dim3A_120 = arith.constant 1.000000e+00 : f32
      %broadcast_in_dim3A_121 = vector.broadcast %broadcast_in_dim3A_120 : f32 to vector<16xf32>
      %swap3A_122 = arith.index_cast %scan3A_71 : i32 to index
      %swap3A_123 = arith.constant 112 : index
      %swap3A_124 = tpu.vector_load %arg5[%swap3A_122, %swap3A_123] {strides = array<i32>} : memref<128x128xf32, #tpu.memory_space<vmem>>, vector<1x16xf32>,
      %swap3A_125 = vector.shape_cast %swap3A_124 : vector<1x16xf32> to vector<16xf32>
      %swap3A_126 = vector.shape_cast %broadcast_in_dim3A_121 : vector<16xf32> to vector<1x16xf32>
      tpu.vector_store %arg5[%swap3A_122, %swap3A_123], %swap3A_126 {strides = array<i32>} : memref<128x128xf32, #tpu.memory_space<vmem>>, vector<1x16xf32>,
      %scan3A_127 = arith.constant 0 : i32
      scf.yield %scan3A_127 : i32
    }
    %scan3A_13 = arith.constant 128 : i32
    %mul3A_14 = arith.constant 640 : i32
    %mul3A_15 = arith.muli %arg1, %mul3A_14 : i32
    %eq3A = arith.constant 15 : i32
    %eq3A_16 = arith.cmpi eq, %arg1, %eq3A : i32
    %jit3A = arith.constant 6 : i32
    %jit3A_17 = arith.constant 8 : i32
    %select_n3A = arith.select %eq3A_16, %jit3A, %jit3A_17 : i32
    %while3A = arith.constant 0 : i32
    %while3A_18 = arith.constant 0 : i32
    %while3A_19 = arith.subi %select_n3A, %while3A : i32
    %while3A_20 = arith.addi %while3A, %while3A_19 : i32
    %while3A_21 = arith.constant 1 : i32
    %while3A_22 = arith.divsi %while3A_19, %while3A_21 : i32
    %while3A_23 = arith.muli %while3A_22, %while3A_21 : i32
    %while3A_24 = arith.addi %while3A, %while3A_23 : i32
    %while3A_25 = arith.constant 1 : i32
    %while3A_26 = scf.for %while3A_71 = %while3A to %while3A_24 step %while3A_25 iter_args(%while3A_72 = %while3A_18) -> (i32)  : i32 {
      %mul3A_73 = arith.constant 80 : i32
      %mul3A_74 = arith.muli %while3A_71, %mul3A_73 : i32
      %add3A_75 = arith.addi %mul3A_15, %mul3A_74 : i32
      "tpu.region"() ({
        %run_scoped3A = tpu.sem_alloc : memref<!tpu.dma_semaphore, #tpu.memory_space<semaphore_mem>>
        %dma_start3A = arith.constant 0 : i32
        %dma_start3A_77 = tpu.memref_slice %arg7[%add3A_75, %dma_start3A] : memref<10080x128xf32, #tpu.memory_space<vmem_shared>> -> memref<80x128xf32, #tpu.memory_space<vmem_shared>>
        %dma_start3A_78 = arith.constant 0 : i32
        %dma_start3A_79 = tpu.memref_slice %arg7[%add3A_75, %dma_start3A_78] : memref<10080x128xf32, #tpu.memory_space<vmem_shared>> -> memref<80x128xf32, #tpu.memory_space<vmem_shared>>
        tpu.enqueue_dma source(%arg6 : memref<80x128xf32, #tpu.memory_space<vmem>>) target(%dma_start3A_79 : memref<80x128xf32, #tpu.memory_space<vmem_shared>>) target_semaphore(%run_scoped3A : memref<!tpu.dma_semaphore, #tpu.memory_space<semaphore_mem>>)
        %dma_wait3A = arith.constant 0 : i32
        %dma_wait3A_80 = tpu.memref_slice %arg7[%add3A_75, %dma_wait3A] : memref<10080x128xf32, #tpu.memory_space<vmem_shared>> -> memref<80x128xf32, #tpu.memory_space<vmem_shared>>
        %dma_wait3A_81 = arith.constant 0 : i32
        %dma_wait3A_82 = tpu.memref_slice %arg7[%add3A_75, %dma_wait3A_81] : memref<10080x128xf32, #tpu.memory_space<vmem_shared>> -> memref<80x128xf32, #tpu.memory_space<vmem_shared>>
        tpu.wait_dma2 semaphore(%run_scoped3A : memref<!tpu.dma_semaphore, #tpu.memory_space<semaphore_mem>>) src(%arg6 : memref<80x128xf32, #tpu.memory_space<vmem>>) dst(%dma_wait3A_82 : memref<80x128xf32, #tpu.memory_space<vmem_shared>>)
        tpu.yield
      }) : () -> ()
      %while3A_76 = arith.constant 0 : i32
      scf.yield %while3A_76 : i32
    }
    %while3A_27 = arith.constant 1 : i32
    %while3A_28 = scf.for %while3A_71 = %while3A_24 to %while3A_20 step %while3A_27 iter_args(%while3A_72 = %while3A_26) -> (i32)  : i32 {
      %mul3A_73 = arith.constant 80 : i32
      %mul3A_74 = arith.muli %while3A_71, %mul3A_73 : i32
      %add3A_75 = arith.addi %mul3A_15, %mul3A_74 : i32
      "tpu.region"() ({
        %run_scoped3A = tpu.sem_alloc : memref<!tpu.dma_semaphore, #tpu.memory_space<semaphore_mem>>
        %dma_start3A = arith.constant 0 : i32
        %dma_start3A_77 = tpu.memref_slice %arg7[%add3A_75, %dma_start3A] : memref<10080x128xf32, #tpu.memory_space<vmem_shared>> -> memref<80x128xf32, #tpu.memory_space<vmem_shared>>
        %dma_start3A_78 = arith.constant 0 : i32
        %dma_start3A_79 = tpu.memref_slice %arg7[%add3A_75, %dma_start3A_78] : memref<10080x128xf32, #tpu.memory_space<vmem_shared>> -> memref<80x128xf32, #tpu.memory_space<vmem_shared>>
        tpu.enqueue_dma source(%arg6 : memref<80x128xf32, #tpu.memory_space<vmem>>) target(%dma_start3A_79 : memref<80x128xf32, #tpu.memory_space<vmem_shared>>) target_semaphore(%run_scoped3A : memref<!tpu.dma_semaphore, #tpu.memory_space<semaphore_mem>>)
        %dma_wait3A = arith.constant 0 : i32
        %dma_wait3A_80 = tpu.memref_slice %arg7[%add3A_75, %dma_wait3A] : memref<10080x128xf32, #tpu.memory_space<vmem_shared>> -> memref<80x128xf32, #tpu.memory_space<vmem_shared>>
        %dma_wait3A_81 = arith.constant 0 : i32
        %dma_wait3A_82 = tpu.memref_slice %arg7[%add3A_75, %dma_wait3A_81] : memref<10080x128xf32, #tpu.memory_space<vmem_shared>> -> memref<80x128xf32, #tpu.memory_space<vmem_shared>>
        tpu.wait_dma2 semaphore(%run_scoped3A : memref<!tpu.dma_semaphore, #tpu.memory_space<semaphore_mem>>) src(%arg6 : memref<80x128xf32, #tpu.memory_space<vmem>>) dst(%dma_wait3A_82 : memref<80x128xf32, #tpu.memory_space<vmem_shared>>)
        tpu.yield
      }) : () -> ()
      %while3A_76 = arith.constant 0 : i32
      scf.yield %while3A_76 : i32
    }
    %barrier3A = arith.constant 0 : index
    tpu.barrier barrier_id(%barrier3A)
    %mul3A_29 = arith.constant 80 : i32
    %mul3A_30 = arith.muli %add3A, %mul3A_29 : i32
    %add3A_31 = arith.constant 0 : i32
    %add3A_32 = arith.addi %mul3A_30, %add3A_31 : i32
    "tpu.region"() ({
      %run_scoped3A = tpu.sem_alloc : memref<!tpu.dma_semaphore, #tpu.memory_space<semaphore_mem>>
      %dma_start3A = arith.constant 0 : i32
      %dma_start3A_71 = tpu.memref_slice %arg2[%add3A_32, %dma_start3A] : memref<2560x128xi32, #tpu.memory_space<hbm>> -> memref<40x128xi32, #tpu.memory_space<hbm>>
      %dma_start3A_72 = arith.constant 0 : i32
      %dma_start3A_73 = tpu.memref_slice %arg2[%add3A_32, %dma_start3A_72] : memref<2560x128xi32, #tpu.memory_space<hbm>> -> memref<40x128xi32, #tpu.memory_space<hbm>>
      tpu.enqueue_dma source(%dma_start3A_73 : memref<40x128xi32, #tpu.memory_space<hbm>>) target(%arg4 : memref<40x128xi32, #tpu.memory_space<vmem>>) target_semaphore(%run_scoped3A : memref<!tpu.dma_semaphore, #tpu.memory_space<semaphore_mem>>)
      %dma_wait3A = arith.constant 0 : i32
      %dma_wait3A_74 = tpu.memref_slice %arg2[%add3A_32, %dma_wait3A] : memref<2560x128xi32, #tpu.memory_space<hbm>> -> memref<40x128xi32, #tpu.memory_space<hbm>>
      %dma_wait3A_75 = arith.constant 0 : i32
      %dma_wait3A_76 = tpu.memref_slice %arg2[%add3A_32, %dma_wait3A_75] : memref<2560x128xi32, #tpu.memory_space<hbm>> -> memref<40x128xi32, #tpu.memory_space<hbm>>
      tpu.wait_dma2 semaphore(%run_scoped3A : memref<!tpu.dma_semaphore, #tpu.memory_space<semaphore_mem>>) src(%dma_wait3A_76 : memref<40x128xi32, #tpu.memory_space<hbm>>) dst(%arg4 : memref<40x128xi32, #tpu.memory_space<vmem>>)
      tpu.yield
    }) : () -> ()
    %scan3A_33 = arith.constant 0 : i32
    %scan3A_34 = arith.constant 0 : i32
    %scan3A_35 = arith.constant 40 : i32
    %scan3A_36 = arith.addi %scan3A_34, %scan3A_35 : i32
    %scan3A_37 = arith.constant 1 : i32
    %scan3A_38 = scf.for %scan3A_71 = %scan3A_34 to %scan3A_36 step %scan3A_37 iter_args(%scan3A_72 = %scan3A_33) -> (i32)  : i32 {
      "tpu.region"() ({
        %run_scoped3A = tpu.sem_alloc : memref<!tpu.dma_semaphore, #tpu.memory_space<semaphore_mem>>
        %dma_start3A = arith.constant 0 : i32
        %dma_start3A_74 = tpu.memref_slice %arg4[%scan3A_71, %dma_start3A] : memref<40x128xi32, #tpu.memory_space<vmem>> -> memref<1x128xi32, #tpu.memory_space<vmem>>
        %dma_start3A_75 = tpu.memref_squeeze %dma_start3A_74 : memref<1x128xi32, #tpu.memory_space<vmem>> -> memref<128xi32, #tpu.memory_space<vmem>>
        %dma_start3A_76 = arith.constant 0 : i32
        %dma_start3A_77 = arith.constant 0 : i32
        %dma_start3A_78 = tpu.memref_slice %arg7[%dma_start3A_76, %dma_start3A_77] : memref<10080x128xf32, #tpu.memory_space<vmem_shared>> -> memref<10080x128xf32, #tpu.memory_space<vmem_shared>>
        tpu.enqueue_indirect_dma source(%arg5 : memref<128x128xf32, #tpu.memory_space<vmem>>) target(%dma_start3A_78 : memref<10080x128xf32, #tpu.memory_space<vmem_shared>>) offsets(%dma_start3A_75 : memref<128xi32, #tpu.memory_space<vmem>>) semaphore(%run_scoped3A : memref<!tpu.dma_semaphore, #tpu.memory_space<semaphore_mem>>) {add = true}
        %dma_wait3A = arith.constant 0 : i32
        %dma_wait3A_79 = tpu.memref_slice %arg4[%scan3A_71, %dma_wait3A] : memref<40x128xi32, #tpu.memory_space<vmem>> -> memref<1x128xi32, #tpu.memory_space<vmem>>
        %dma_wait3A_80 = tpu.memref_squeeze %dma_wait3A_79 : memref<1x128xi32, #tpu.memory_space<vmem>> -> memref<128xi32, #tpu.memory_space<vmem>>
        %dma_wait3A_81 = arith.constant 0 : i32
        %dma_wait3A_82 = arith.constant 0 : i32
        %dma_wait3A_83 = tpu.memref_slice %arg7[%dma_wait3A_81, %dma_wait3A_82] : memref<10080x128xf32, #tpu.memory_space<vmem_shared>> -> memref<10080x128xf32, #tpu.memory_space<vmem_shared>>
        tpu.wait_indirect_dma semaphore(%run_scoped3A : memref<!tpu.dma_semaphore, #tpu.memory_space<semaphore_mem>>) src(%arg5 : memref<128x128xf32, #tpu.memory_space<vmem>>) dst(%dma_wait3A_83 : memref<10080x128xf32, #tpu.memory_space<vmem_shared>>)
        tpu.yield
      }) : () -> ()
      %scan3A_73 = arith.constant 0 : i32
      scf.yield %scan3A_73 : i32
    }
    %scan3A_39 = arith.constant 40 : i32
    %mul3A_40 = arith.constant 80 : i32
    %mul3A_41 = arith.muli %add3A, %mul3A_40 : i32
    %add3A_42 = arith.constant 40 : i32
    %add3A_43 = arith.addi %mul3A_41, %add3A_42 : i32
    "tpu.region"() ({
      %run_scoped3A = tpu.sem_alloc : memref<!tpu.dma_semaphore, #tpu.memory_space<semaphore_mem>>
      %dma_start3A = arith.constant 0 : i32
      %dma_start3A_71 = tpu.memref_slice %arg2[%add3A_43, %dma_start3A] : memref<2560x128xi32, #tpu.memory_space<hbm>> -> memref<40x128xi32, #tpu.memory_space<hbm>>
      %dma_start3A_72 = arith.constant 0 : i32
      %dma_start3A_73 = tpu.memref_slice %arg2[%add3A_43, %dma_start3A_72] : memref<2560x128xi32, #tpu.memory_space<hbm>> -> memref<40x128xi32, #tpu.memory_space<hbm>>
      tpu.enqueue_dma source(%dma_start3A_73 : memref<40x128xi32, #tpu.memory_space<hbm>>) target(%arg4 : memref<40x128xi32, #tpu.memory_space<vmem>>) target_semaphore(%run_scoped3A : memref<!tpu.dma_semaphore, #tpu.memory_space<semaphore_mem>>)
      %dma_wait3A = arith.constant 0 : i32
      %dma_wait3A_74 = tpu.memref_slice %arg2[%add3A_43, %dma_wait3A] : memref<2560x128xi32, #tpu.memory_space<hbm>> -> memref<40x128xi32, #tpu.memory_space<hbm>>
      %dma_wait3A_75 = arith.constant 0 : i32
      %dma_wait3A_76 = tpu.memref_slice %arg2[%add3A_43, %dma_wait3A_75] : memref<2560x128xi32, #tpu.memory_space<hbm>> -> memref<40x128xi32, #tpu.memory_space<hbm>>
      tpu.wait_dma2 semaphore(%run_scoped3A : memref<!tpu.dma_semaphore, #tpu.memory_space<semaphore_mem>>) src(%dma_wait3A_76 : memref<40x128xi32, #tpu.memory_space<hbm>>) dst(%arg4 : memref<40x128xi32, #tpu.memory_space<vmem>>)
      tpu.yield
    }) : () -> ()
    %scan3A_44 = arith.constant 0 : i32
    %scan3A_45 = arith.constant 0 : i32
    %scan3A_46 = arith.constant 40 : i32
    %scan3A_47 = arith.addi %scan3A_45, %scan3A_46 : i32
    %scan3A_48 = arith.constant 1 : i32
    %scan3A_49 = scf.for %scan3A_71 = %scan3A_45 to %scan3A_47 step %scan3A_48 iter_args(%scan3A_72 = %scan3A_44) -> (i32)  : i32 {
      "tpu.region"() ({
        %run_scoped3A = tpu.sem_alloc : memref<!tpu.dma_semaphore, #tpu.memory_space<semaphore_mem>>
        %dma_start3A = arith.constant 0 : i32
        %dma_start3A_74 = tpu.memref_slice %arg4[%scan3A_71, %dma_start3A] : memref<40x128xi32, #tpu.memory_space<vmem>> -> memref<1x128xi32, #tpu.memory_space<vmem>>
        %dma_start3A_75 = tpu.memref_squeeze %dma_start3A_74 : memref<1x128xi32, #tpu.memory_space<vmem>> -> memref<128xi32, #tpu.memory_space<vmem>>
        %dma_start3A_76 = arith.constant 0 : i32
        %dma_start3A_77 = arith.constant 0 : i32
        %dma_start3A_78 = tpu.memref_slice %arg7[%dma_start3A_76, %dma_start3A_77] : memref<10080x128xf32, #tpu.memory_space<vmem_shared>> -> memref<10080x128xf32, #tpu.memory_space<vmem_shared>>
        tpu.enqueue_indirect_dma source(%arg5 : memref<128x128xf32, #tpu.memory_space<vmem>>) target(%dma_start3A_78 : memref<10080x128xf32, #tpu.memory_space<vmem_shared>>) offsets(%dma_start3A_75 : memref<128xi32, #tpu.memory_space<vmem>>) semaphore(%run_scoped3A : memref<!tpu.dma_semaphore, #tpu.memory_space<semaphore_mem>>) {add = true}
        %dma_wait3A = arith.constant 0 : i32
        %dma_wait3A_79 = tpu.memref_slice %arg4[%scan3A_71, %dma_wait3A] : memref<40x128xi32, #tpu.memory_space<vmem>> -> memref<1x128xi32, #tpu.memory_space<vmem>>
        %dma_wait3A_80 = tpu.memref_squeeze %dma_wait3A_79 : memref<1x128xi32, #tpu.memory_space<vmem>> -> memref<128xi32, #tpu.memory_space<vmem>>
        %dma_wait3A_81 = arith.constant 0 : i32
        %dma_wait3A_82 = arith.constant 0 : i32
        %dma_wait3A_83 = tpu.memref_slice %arg7[%dma_wait3A_81, %dma_wait3A_82] : memref<10080x128xf32, #tpu.memory_space<vmem_shared>> -> memref<10080x128xf32, #tpu.memory_space<vmem_shared>>
        tpu.wait_indirect_dma semaphore(%run_scoped3A : memref<!tpu.dma_semaphore, #tpu.memory_space<semaphore_mem>>) src(%arg5 : memref<128x128xf32, #tpu.memory_space<vmem>>) dst(%dma_wait3A_83 : memref<10080x128xf32, #tpu.memory_space<vmem_shared>>)
        tpu.yield
      }) : () -> ()
      %scan3A_73 = arith.constant 0 : i32
      scf.yield %scan3A_73 : i32
    }
    %scan3A_50 = arith.constant 40 : i32
    %barrier3A_51 = arith.constant 0 : index
    tpu.barrier barrier_id(%barrier3A_51)
    %mul3A_52 = arith.constant 640 : i32
    %mul3A_53 = arith.muli %arg1, %mul3A_52 : i32
    %eq3A_54 = arith.constant 15 : i32
    %eq3A_55 = arith.cmpi eq, %arg1, %eq3A_54 : i32
    %jit3A_56 = arith.constant 5 : i32
    %jit3A_57 = arith.constant 8 : i32
    %select_n3A_58 = arith.select %eq3A_55, %jit3A_56, %jit3A_57 : i32
    %while3A_59 = arith.constant 0 : i32
    %while3A_60 = arith.constant 0 : i32
    %while3A_61 = arith.subi %select_n3A_58, %while3A_59 : i32
    %while3A_62 = arith.addi %while3A_59, %while3A_61 : i32
    %while3A_63 = arith.constant 1 : i32
    %while3A_64 = arith.divsi %while3A_61, %while3A_63 : i32
    %while3A_65 = arith.muli %while3A_64, %while3A_63 : i32
    %while3A_66 = arith.addi %while3A_59, %while3A_65 : i32
    %while3A_67 = arith.constant 1 : i32
    %while3A_68 = scf.for %while3A_71 = %while3A_59 to %while3A_66 step %while3A_67 iter_args(%while3A_72 = %while3A_60) -> (i32)  : i32 {
      %mul3A_73 = arith.constant 80 : i32
      %mul3A_74 = arith.muli %while3A_71, %mul3A_73 : i32
      %add3A_75 = arith.addi %mul3A_53, %mul3A_74 : i32
      "tpu.region"() ({
        %run_scoped3A = tpu.sem_alloc : memref<!tpu.dma_semaphore, #tpu.memory_space<semaphore_mem>>
        %dma_start3A = arith.constant 0 : i32
        %dma_start3A_80 = tpu.memref_slice %arg7[%add3A_75, %dma_start3A] : memref<10080x128xf32, #tpu.memory_space<vmem_shared>> -> memref<80x128xf32, #tpu.memory_space<vmem_shared>>
        %dma_start3A_81 = arith.constant 0 : i32
        %dma_start3A_82 = tpu.memref_slice %arg7[%add3A_75, %dma_start3A_81] : memref<10080x128xf32, #tpu.memory_space<vmem_shared>> -> memref<80x128xf32, #tpu.memory_space<vmem_shared>>
        tpu.enqueue_dma source(%dma_start3A_82 : memref<80x128xf32, #tpu.memory_space<vmem_shared>>) target(%arg6 : memref<80x128xf32, #tpu.memory_space<vmem>>) target_semaphore(%run_scoped3A : memref<!tpu.dma_semaphore, #tpu.memory_space<semaphore_mem>>)
        %dma_wait3A = arith.constant 0 : i32
        %dma_wait3A_83 = tpu.memref_slice %arg7[%add3A_75, %dma_wait3A] : memref<10080x128xf32, #tpu.memory_space<vmem_shared>> -> memref<80x128xf32, #tpu.memory_space<vmem_shared>>
        %dma_wait3A_84 = arith.constant 0 : i32
        %dma_wait3A_85 = tpu.memref_slice %arg7[%add3A_75, %dma_wait3A_84] : memref<10080x128xf32, #tpu.memory_space<vmem_shared>> -> memref<80x128xf32, #tpu.memory_space<vmem_shared>>
        tpu.wait_dma2 semaphore(%run_scoped3A : memref<!tpu.dma_semaphore, #tpu.memory_space<semaphore_mem>>) src(%dma_wait3A_85 : memref<80x128xf32, #tpu.memory_space<vmem_shared>>) dst(%arg6 : memref<80x128xf32, #tpu.memory_space<vmem>>)
        tpu.yield
      }) : () -> ()
      %mul3A_76 = arith.constant 10000 : i32
      %mul3A_77 = arith.muli %arg0, %mul3A_76 : i32
      %add3A_78 = arith.addi %mul3A_77, %add3A_75 : i32
      "tpu.region"() ({
        %run_scoped3A = tpu.sem_alloc : memref<!tpu.dma_semaphore, #tpu.memory_space<semaphore_mem>>
        %dma_start3A = arith.constant 0 : i32
        %dma_start3A_80 = tpu.memref_slice %arg3[%add3A_78, %dma_start3A] : memref<20000x128xf32, #tpu.memory_space<hbm>> -> memref<80x128xf32, #tpu.memory_space<hbm>>
        %dma_start3A_81 = arith.constant 0 : i32
        %dma_start3A_82 = tpu.memref_slice %arg3[%add3A_78, %dma_start3A_81] : memref<20000x128xf32, #tpu.memory_space<hbm>> -> memref<80x128xf32, #tpu.memory_space<hbm>>
        tpu.enqueue_dma source(%arg6 : memref<80x128xf32, #tpu.memory_space<vmem>>) target(%dma_start3A_82 : memref<80x128xf32, #tpu.memory_space<hbm>>) target_semaphore(%run_scoped3A : memref<!tpu.dma_semaphore, #tpu.memory_space<semaphore_mem>>)
        %dma_wait3A = arith.constant 0 : i32
        %dma_wait3A_83 = tpu.memref_slice %arg3[%add3A_78, %dma_wait3A] : memref<20000x128xf32, #tpu.memory_space<hbm>> -> memref<80x128xf32, #tpu.memory_space<hbm>>
        %dma_wait3A_84 = arith.constant 0 : i32
        %dma_wait3A_85 = tpu.memref_slice %arg3[%add3A_78, %dma_wait3A_84] : memref<20000x128xf32, #tpu.memory_space<hbm>> -> memref<80x128xf32, #tpu.memory_space<hbm>>
        tpu.wait_dma2 semaphore(%run_scoped3A : memref<!tpu.dma_semaphore, #tpu.memory_space<semaphore_mem>>) src(%arg6 : memref<80x128xf32, #tpu.memory_space<vmem>>) dst(%dma_wait3A_85 : memref<80x128xf32, #tpu.memory_space<hbm>>)
        tpu.yield
      }) : () -> ()
      %while3A_79 = arith.constant 0 : i32
      scf.yield %while3A_79 : i32
    }
    %while3A_69 = arith.constant 1 : i32
    %while3A_70 = scf.for %while3A_71 = %while3A_66 to %while3A_62 step %while3A_69 iter_args(%while3A_72 = %while3A_68) -> (i32)  : i32 {
      %mul3A_73 = arith.constant 80 : i32
      %mul3A_74 = arith.muli %while3A_71, %mul3A_73 : i32
      %add3A_75 = arith.addi %mul3A_53, %mul3A_74 : i32
      "tpu.region"() ({
        %run_scoped3A = tpu.sem_alloc : memref<!tpu.dma_semaphore, #tpu.memory_space<semaphore_mem>>
        %dma_start3A = arith.constant 0 : i32
        %dma_start3A_80 = tpu.memref_slice %arg7[%add3A_75, %dma_start3A] : memref<10080x128xf32, #tpu.memory_space<vmem_shared>> -> memref<80x128xf32, #tpu.memory_space<vmem_shared>>
        %dma_start3A_81 = arith.constant 0 : i32
        %dma_start3A_82 = tpu.memref_slice %arg7[%add3A_75, %dma_start3A_81] : memref<10080x128xf32, #tpu.memory_space<vmem_shared>> -> memref<80x128xf32, #tpu.memory_space<vmem_shared>>
        tpu.enqueue_dma source(%dma_start3A_82 : memref<80x128xf32, #tpu.memory_space<vmem_shared>>) target(%arg6 : memref<80x128xf32, #tpu.memory_space<vmem>>) target_semaphore(%run_scoped3A : memref<!tpu.dma_semaphore, #tpu.memory_space<semaphore_mem>>)
        %dma_wait3A = arith.constant 0 : i32
        %dma_wait3A_83 = tpu.memref_slice %arg7[%add3A_75, %dma_wait3A] : memref<10080x128xf32, #tpu.memory_space<vmem_shared>> -> memref<80x128xf32, #tpu.memory_space<vmem_shared>>
        %dma_wait3A_84 = arith.constant 0 : i32
        %dma_wait3A_85 = tpu.memref_slice %arg7[%add3A_75, %dma_wait3A_84] : memref<10080x128xf32, #tpu.memory_space<vmem_shared>> -> memref<80x128xf32, #tpu.memory_space<vmem_shared>>
        tpu.wait_dma2 semaphore(%run_scoped3A : memref<!tpu.dma_semaphore, #tpu.memory_space<semaphore_mem>>) src(%dma_wait3A_85 : memref<80x128xf32, #tpu.memory_space<vmem_shared>>) dst(%arg6 : memref<80x128xf32, #tpu.memory_space<vmem>>)
        tpu.yield
      }) : () -> ()
      %mul3A_76 = arith.constant 10000 : i32
      %mul3A_77 = arith.muli %arg0, %mul3A_76 : i32
      %add3A_78 = arith.addi %mul3A_77, %add3A_75 : i32
      "tpu.region"() ({
        %run_scoped3A = tpu.sem_alloc : memref<!tpu.dma_semaphore, #tpu.memory_space<semaphore_mem>>
        %dma_start3A = arith.constant 0 : i32
        %dma_start3A_80 = tpu.memref_slice %arg3[%add3A_78, %dma_start3A] : memref<20000x128xf32, #tpu.memory_space<hbm>> -> memref<80x128xf32, #tpu.memory_space<hbm>>
        %dma_start3A_81 = arith.constant 0 : i32
        %dma_start3A_82 = tpu.memref_slice %arg3[%add3A_78, %dma_start3A_81] : memref<20000x128xf32, #tpu.memory_space<hbm>> -> memref<80x128xf32, #tpu.memory_space<hbm>>
        tpu.enqueue_dma source(%arg6 : memref<80x128xf32, #tpu.memory_space<vmem>>) target(%dma_start3A_82 : memref<80x128xf32, #tpu.memory_space<hbm>>) target_semaphore(%run_scoped3A : memref<!tpu.dma_semaphore, #tpu.memory_space<semaphore_mem>>)
        %dma_wait3A = arith.constant 0 : i32
        %dma_wait3A_83 = tpu.memref_slice %arg3[%add3A_78, %dma_wait3A] : memref<20000x128xf32, #tpu.memory_space<hbm>> -> memref<80x128xf32, #tpu.memory_space<hbm>>
        %dma_wait3A_84 = arith.constant 0 : i32
        %dma_wait3A_85 = tpu.memref_slice %arg3[%add3A_78, %dma_wait3A_84] : memref<20000x128xf32, #tpu.memory_space<hbm>> -> memref<80x128xf32, #tpu.memory_space<hbm>>
        tpu.wait_dma2 semaphore(%run_scoped3A : memref<!tpu.dma_semaphore, #tpu.memory_space<semaphore_mem>>) src(%arg6 : memref<80x128xf32, #tpu.memory_space<vmem>>) dst(%dma_wait3A_85 : memref<80x128xf32, #tpu.memory_space<hbm>>)
        tpu.yield
      }) : () -> ()
      %while3A_79 = arith.constant 0 : i32
      scf.yield %while3A_79 : i32
    }
    return
  }
}

#map = affine_map<(d0, d1) -> (0, 0)>
module attributes {stable_mosaic.version = 14 : i64} {
  func.func @_edges_body(%arg0: i32, %arg1: i32, %arg2: memref<2560x128xi32, #tpu.memory_space<hbm>>, %arg3: memref<2560x128xi32, #tpu.memory_space<hbm>>, %arg4: memref<10000x128xf32, #tpu.memory_space<hbm>>, %arg5: memref<20000x128xf32, #tpu.memory_space<hbm>>, %arg6: memref<40x128xi32, #tpu.memory_space<vmem>>, %arg7: memref<40x128xi32, #tpu.memory_space<vmem>>, %arg8: memref<128x128xf32, #tpu.memory_space<vmem>>, %arg9: memref<128x128xf32, #tpu.memory_space<vmem>>, %arg10: memref<10080x128xf32, #tpu.memory_space<vmem_shared>>, %arg11: memref<!tpu.dma_semaphore, #tpu.memory_space<semaphore_mem>>, %arg12: memref<!tpu.dma_semaphore, #tpu.memory_space<semaphore_mem>>) attributes {dimension_semantics = [#tpu.dimension_semantics<core_parallel>, #tpu.dimension_semantics<subcore_parallel>], iteration_bounds = array<i64: 2, 16>, scalar_prefetch = 0 : i64, scratch_operands = 7 : i64, tpu.core_type = #tpu.core_type<sc_vector_subcore>, window_params = [{transform_indices = #map}, {transform_indices = #map}, {transform_indices = #map}, {transform_indices = #map}]} {
    %mul3A = arith.constant 16 : i32
    %mul3A_0 = arith.muli %arg0, %mul3A : i32
    %add3A = arith.addi %mul3A_0, %arg1 : i32
    %scan3A = arith.constant 0 : i32
    %scan3A_1 = arith.constant 0 : i32
    %scan3A_2 = arith.constant 80 : i32
    %scan3A_3 = arith.addi %scan3A_1, %scan3A_2 : i32
    %scan3A_4 = arith.constant 1 : i32
    %scan3A_5 = scf.for %scan3A_99 = %scan3A_1 to %scan3A_3 step %scan3A_4 iter_args(%scan3A_100 = %scan3A) -> (i32)  : i32 {
      %broadcast_in_dim3A = arith.constant 0.000000e+00 : f32
      %broadcast_in_dim3A_101 = vector.broadcast %broadcast_in_dim3A : f32 to vector<16xf32>
      %swap3A = arith.index_cast %scan3A_99 : i32 to index
      %swap3A_102 = arith.constant 0 : index
      %swap3A_103 = tpu.vector_load %arg8[%swap3A, %swap3A_102] {strides = array<i32>} : memref<128x128xf32, #tpu.memory_space<vmem>>, vector<1x16xf32>,
      %swap3A_104 = vector.shape_cast %swap3A_103 : vector<1x16xf32> to vector<16xf32>
      %swap3A_105 = vector.shape_cast %broadcast_in_dim3A_101 : vector<16xf32> to vector<1x16xf32>
      tpu.vector_store %arg8[%swap3A, %swap3A_102], %swap3A_105 {strides = array<i32>} : memref<128x128xf32, #tpu.memory_space<vmem>>, vector<1x16xf32>,
      %broadcast_in_dim3A_106 = arith.constant 0.000000e+00 : f32
      %broadcast_in_dim3A_107 = vector.broadcast %broadcast_in_dim3A_106 : f32 to vector<16xf32>
      %swap3A_108 = arith.index_cast %scan3A_99 : i32 to index
      %swap3A_109 = arith.constant 16 : index
      %swap3A_110 = tpu.vector_load %arg8[%swap3A_108, %swap3A_109] {strides = array<i32>} : memref<128x128xf32, #tpu.memory_space<vmem>>, vector<1x16xf32>,
      %swap3A_111 = vector.shape_cast %swap3A_110 : vector<1x16xf32> to vector<16xf32>
      %swap3A_112 = vector.shape_cast %broadcast_in_dim3A_107 : vector<16xf32> to vector<1x16xf32>
      tpu.vector_store %arg8[%swap3A_108, %swap3A_109], %swap3A_112 {strides = array<i32>} : memref<128x128xf32, #tpu.memory_space<vmem>>, vector<1x16xf32>,
      %broadcast_in_dim3A_113 = arith.constant 0.000000e+00 : f32
      %broadcast_in_dim3A_114 = vector.broadcast %broadcast_in_dim3A_113 : f32 to vector<16xf32>
      %swap3A_115 = arith.index_cast %scan3A_99 : i32 to index
      %swap3A_116 = arith.constant 32 : index
      %swap3A_117 = tpu.vector_load %arg8[%swap3A_115, %swap3A_116] {strides = array<i32>} : memref<128x128xf32, #tpu.memory_space<vmem>>, vector<1x16xf32>,
      %swap3A_118 = vector.shape_cast %swap3A_117 : vector<1x16xf32> to vector<16xf32>
      %swap3A_119 = vector.shape_cast %broadcast_in_dim3A_114 : vector<16xf32> to vector<1x16xf32>
      tpu.vector_store %arg8[%swap3A_115, %swap3A_116], %swap3A_119 {strides = array<i32>} : memref<128x128xf32, #tpu.memory_space<vmem>>, vector<1x16xf32>,
      %broadcast_in_dim3A_120 = arith.constant 0.000000e+00 : f32
      %broadcast_in_dim3A_121 = vector.broadcast %broadcast_in_dim3A_120 : f32 to vector<16xf32>
      %swap3A_122 = arith.index_cast %scan3A_99 : i32 to index
      %swap3A_123 = arith.constant 48 : index
      %swap3A_124 = tpu.vector_load %arg8[%swap3A_122, %swap3A_123] {strides = array<i32>} : memref<128x128xf32, #tpu.memory_space<vmem>>, vector<1x16xf32>,
      %swap3A_125 = vector.shape_cast %swap3A_124 : vector<1x16xf32> to vector<16xf32>
      %swap3A_126 = vector.shape_cast %broadcast_in_dim3A_121 : vector<16xf32> to vector<1x16xf32>
      tpu.vector_store %arg8[%swap3A_122, %swap3A_123], %swap3A_126 {strides = array<i32>} : memref<128x128xf32, #tpu.memory_space<vmem>>, vector<1x16xf32>,
      %broadcast_in_dim3A_127 = arith.constant 0.000000e+00 : f32
      %broadcast_in_dim3A_128 = vector.broadcast %broadcast_in_dim3A_127 : f32 to vector<16xf32>
      %swap3A_129 = arith.index_cast %scan3A_99 : i32 to index
      %swap3A_130 = arith.constant 64 : index
      %swap3A_131 = tpu.vector_load %arg8[%swap3A_129, %swap3A_130] {strides = array<i32>} : memref<128x128xf32, #tpu.memory_space<vmem>>, vector<1x16xf32>,
      %swap3A_132 = vector.shape_cast %swap3A_131 : vector<1x16xf32> to vector<16xf32>
      %swap3A_133 = vector.shape_cast %broadcast_in_dim3A_128 : vector<16xf32> to vector<1x16xf32>
      tpu.vector_store %arg8[%swap3A_129, %swap3A_130], %swap3A_133 {strides = array<i32>} : memref<128x128xf32, #tpu.memory_space<vmem>>, vector<1x16xf32>,
      %broadcast_in_dim3A_134 = arith.constant 0.000000e+00 : f32
      %broadcast_in_dim3A_135 = vector.broadcast %broadcast_in_dim3A_134 : f32 to vector<16xf32>
      %swap3A_136 = arith.index_cast %scan3A_99 : i32 to index
      %swap3A_137 = arith.constant 80 : index
      %swap3A_138 = tpu.vector_load %arg8[%swap3A_136, %swap3A_137] {strides = array<i32>} : memref<128x128xf32, #tpu.memory_space<vmem>>, vector<1x16xf32>,
      %swap3A_139 = vector.shape_cast %swap3A_138 : vector<1x16xf32> to vector<16xf32>
      %swap3A_140 = vector.shape_cast %broadcast_in_dim3A_135 : vector<16xf32> to vector<1x16xf32>
      tpu.vector_store %arg8[%swap3A_136, %swap3A_137], %swap3A_140 {strides = array<i32>} : memref<128x128xf32, #tpu.memory_space<vmem>>, vector<1x16xf32>,
      %broadcast_in_dim3A_141 = arith.constant 0.000000e+00 : f32
      %broadcast_in_dim3A_142 = vector.broadcast %broadcast_in_dim3A_141 : f32 to vector<16xf32>
      %swap3A_143 = arith.index_cast %scan3A_99 : i32 to index
      %swap3A_144 = arith.constant 96 : index
      %swap3A_145 = tpu.vector_load %arg8[%swap3A_143, %swap3A_144] {strides = array<i32>} : memref<128x128xf32, #tpu.memory_space<vmem>>, vector<1x16xf32>,
      %swap3A_146 = vector.shape_cast %swap3A_145 : vector<1x16xf32> to vector<16xf32>
      %swap3A_147 = vector.shape_cast %broadcast_in_dim3A_142 : vector<16xf32> to vector<1x16xf32>
      tpu.vector_store %arg8[%swap3A_143, %swap3A_144], %swap3A_147 {strides = array<i32>} : memref<128x128xf32, #tpu.memory_space<vmem>>, vector<1x16xf32>,
      %broadcast_in_dim3A_148 = arith.constant 0.000000e+00 : f32
      %broadcast_in_dim3A_149 = vector.broadcast %broadcast_in_dim3A_148 : f32 to vector<16xf32>
      %swap3A_150 = arith.index_cast %scan3A_99 : i32 to index
      %swap3A_151 = arith.constant 112 : index
      %swap3A_152 = tpu.vector_load %arg8[%swap3A_150, %swap3A_151] {strides = array<i32>} : memref<128x128xf32, #tpu.memory_space<vmem>>, vector<1x16xf32>,
      %swap3A_153 = vector.shape_cast %swap3A_152 : vector<1x16xf32> to vector<16xf32>
      %swap3A_154 = vector.shape_cast %broadcast_in_dim3A_149 : vector<16xf32> to vector<1x16xf32>
      tpu.vector_store %arg8[%swap3A_150, %swap3A_151], %swap3A_154 {strides = array<i32>} : memref<128x128xf32, #tpu.memory_space<vmem>>, vector<1x16xf32>,
      %scan3A_155 = arith.constant 0 : i32
      scf.yield %scan3A_155 : i32
    }
    %scan3A_6 = arith.constant 80 : i32
    %mul3A_7 = arith.constant 640 : i32
    %mul3A_8 = arith.muli %arg1, %mul3A_7 : i32
    %eq3A = arith.constant 15 : i32
    %eq3A_9 = arith.cmpi eq, %arg1, %eq3A : i32
    %jit3A = arith.constant 6 : i32
    %jit3A_10 = arith.constant 8 : i32
    %select_n3A = arith.select %eq3A_9, %jit3A, %jit3A_10 : i32
    %while3A = arith.constant 0 : i32
    %while3A_11 = arith.constant 0 : i32
    %while3A_12 = arith.subi %select_n3A, %while3A : i32
    %while3A_13 = arith.addi %while3A, %while3A_12 : i32
    %while3A_14 = arith.constant 1 : i32
    %while3A_15 = arith.divsi %while3A_12, %while3A_14 : i32
    %while3A_16 = arith.muli %while3A_15, %while3A_14 : i32
    %while3A_17 = arith.addi %while3A, %while3A_16 : i32
    %while3A_18 = arith.constant 1 : i32
    %while3A_19 = scf.for %while3A_99 = %while3A to %while3A_17 step %while3A_18 iter_args(%while3A_100 = %while3A_11) -> (i32)  : i32 {
      %mul3A_101 = arith.constant 80 : i32
      %mul3A_102 = arith.muli %while3A_99, %mul3A_101 : i32
      %add3A_103 = arith.addi %mul3A_8, %mul3A_102 : i32
      "tpu.region"() ({
        %run_scoped3A = tpu.sem_alloc : memref<!tpu.dma_semaphore, #tpu.memory_space<semaphore_mem>>
        %dma_start3A_105 = arith.constant 0 : i32
        %dma_start3A_106 = arith.constant 0 : i32
        %dma_start3A_107 = tpu.memref_slice %arg8[%dma_start3A_105, %dma_start3A_106] : memref<128x128xf32, #tpu.memory_space<vmem>> -> memref<80x128xf32, #tpu.memory_space<vmem>>
        %dma_start3A_108 = arith.constant 0 : i32
        %dma_start3A_109 = tpu.memref_slice %arg10[%add3A_103, %dma_start3A_108] : memref<10080x128xf32, #tpu.memory_space<vmem_shared>> -> memref<80x128xf32, #tpu.memory_space<vmem_shared>>
        %dma_start3A_110 = arith.constant 0 : i32
        %dma_start3A_111 = tpu.memref_slice %arg10[%add3A_103, %dma_start3A_110] : memref<10080x128xf32, #tpu.memory_space<vmem_shared>> -> memref<80x128xf32, #tpu.memory_space<vmem_shared>>
        %dma_start3A_112 = arith.constant 0 : i32
        %dma_start3A_113 = arith.constant 0 : i32
        %dma_start3A_114 = tpu.memref_slice %arg8[%dma_start3A_112, %dma_start3A_113] : memref<128x128xf32, #tpu.memory_space<vmem>> -> memref<80x128xf32, #tpu.memory_space<vmem>>
        tpu.enqueue_dma source(%dma_start3A_114 : memref<80x128xf32, #tpu.memory_space<vmem>>) target(%dma_start3A_111 : memref<80x128xf32, #tpu.memory_space<vmem_shared>>) target_semaphore(%run_scoped3A : memref<!tpu.dma_semaphore, #tpu.memory_space<semaphore_mem>>)
        %dma_wait3A = arith.constant 0 : i32
        %dma_wait3A_115 = arith.constant 0 : i32
        %dma_wait3A_116 = tpu.memref_slice %arg8[%dma_wait3A, %dma_wait3A_115] : memref<128x128xf32, #tpu.memory_space<vmem>> -> memref<80x128xf32, #tpu.memory_space<vmem>>
        %dma_wait3A_117 = arith.constant 0 : i32
        %dma_wait3A_118 = tpu.memref_slice %arg10[%add3A_103, %dma_wait3A_117] : memref<10080x128xf32, #tpu.memory_space<vmem_shared>> -> memref<80x128xf32, #tpu.memory_space<vmem_shared>>
        %dma_wait3A_119 = arith.constant 0 : i32
        %dma_wait3A_120 = tpu.memref_slice %arg10[%add3A_103, %dma_wait3A_119] : memref<10080x128xf32, #tpu.memory_space<vmem_shared>> -> memref<80x128xf32, #tpu.memory_space<vmem_shared>>
        %dma_wait3A_121 = arith.constant 0 : i32
        %dma_wait3A_122 = arith.constant 0 : i32
        %dma_wait3A_123 = tpu.memref_slice %arg8[%dma_wait3A_121, %dma_wait3A_122] : memref<128x128xf32, #tpu.memory_space<vmem>> -> memref<80x128xf32, #tpu.memory_space<vmem>>
        tpu.wait_dma2 semaphore(%run_scoped3A : memref<!tpu.dma_semaphore, #tpu.memory_space<semaphore_mem>>) src(%dma_wait3A_123 : memref<80x128xf32, #tpu.memory_space<vmem>>) dst(%dma_wait3A_120 : memref<80x128xf32, #tpu.memory_space<vmem_shared>>)
        tpu.yield
      }) : () -> ()
      %while3A_104 = arith.constant 0 : i32
      scf.yield %while3A_104 : i32
    }
    %while3A_20 = arith.constant 1 : i32
    %while3A_21 = scf.for %while3A_99 = %while3A_17 to %while3A_13 step %while3A_20 iter_args(%while3A_100 = %while3A_19) -> (i32)  : i32 {
      %mul3A_101 = arith.constant 80 : i32
      %mul3A_102 = arith.muli %while3A_99, %mul3A_101 : i32
      %add3A_103 = arith.addi %mul3A_8, %mul3A_102 : i32
      "tpu.region"() ({
        %run_scoped3A = tpu.sem_alloc : memref<!tpu.dma_semaphore, #tpu.memory_space<semaphore_mem>>
        %dma_start3A_105 = arith.constant 0 : i32
        %dma_start3A_106 = arith.constant 0 : i32
        %dma_start3A_107 = tpu.memref_slice %arg8[%dma_start3A_105, %dma_start3A_106] : memref<128x128xf32, #tpu.memory_space<vmem>> -> memref<80x128xf32, #tpu.memory_space<vmem>>
        %dma_start3A_108 = arith.constant 0 : i32
        %dma_start3A_109 = tpu.memref_slice %arg10[%add3A_103, %dma_start3A_108] : memref<10080x128xf32, #tpu.memory_space<vmem_shared>> -> memref<80x128xf32, #tpu.memory_space<vmem_shared>>
        %dma_start3A_110 = arith.constant 0 : i32
        %dma_start3A_111 = tpu.memref_slice %arg10[%add3A_103, %dma_start3A_110] : memref<10080x128xf32, #tpu.memory_space<vmem_shared>> -> memref<80x128xf32, #tpu.memory_space<vmem_shared>>
        %dma_start3A_112 = arith.constant 0 : i32
        %dma_start3A_113 = arith.constant 0 : i32
        %dma_start3A_114 = tpu.memref_slice %arg8[%dma_start3A_112, %dma_start3A_113] : memref<128x128xf32, #tpu.memory_space<vmem>> -> memref<80x128xf32, #tpu.memory_space<vmem>>
        tpu.enqueue_dma source(%dma_start3A_114 : memref<80x128xf32, #tpu.memory_space<vmem>>) target(%dma_start3A_111 : memref<80x128xf32, #tpu.memory_space<vmem_shared>>) target_semaphore(%run_scoped3A : memref<!tpu.dma_semaphore, #tpu.memory_space<semaphore_mem>>)
        %dma_wait3A = arith.constant 0 : i32
        %dma_wait3A_115 = arith.constant 0 : i32
        %dma_wait3A_116 = tpu.memref_slice %arg8[%dma_wait3A, %dma_wait3A_115] : memref<128x128xf32, #tpu.memory_space<vmem>> -> memref<80x128xf32, #tpu.memory_space<vmem>>
        %dma_wait3A_117 = arith.constant 0 : i32
        %dma_wait3A_118 = tpu.memref_slice %arg10[%add3A_103, %dma_wait3A_117] : memref<10080x128xf32, #tpu.memory_space<vmem_shared>> -> memref<80x128xf32, #tpu.memory_space<vmem_shared>>
        %dma_wait3A_119 = arith.constant 0 : i32
        %dma_wait3A_120 = tpu.memref_slice %arg10[%add3A_103, %dma_wait3A_119] : memref<10080x128xf32, #tpu.memory_space<vmem_shared>> -> memref<80x128xf32, #tpu.memory_space<vmem_shared>>
        %dma_wait3A_121 = arith.constant 0 : i32
        %dma_wait3A_122 = arith.constant 0 : i32
        %dma_wait3A_123 = tpu.memref_slice %arg8[%dma_wait3A_121, %dma_wait3A_122] : memref<128x128xf32, #tpu.memory_space<vmem>> -> memref<80x128xf32, #tpu.memory_space<vmem>>
        tpu.wait_dma2 semaphore(%run_scoped3A : memref<!tpu.dma_semaphore, #tpu.memory_space<semaphore_mem>>) src(%dma_wait3A_123 : memref<80x128xf32, #tpu.memory_space<vmem>>) dst(%dma_wait3A_120 : memref<80x128xf32, #tpu.memory_space<vmem_shared>>)
        tpu.yield
      }) : () -> ()
      %while3A_104 = arith.constant 0 : i32
      scf.yield %while3A_104 : i32
    }
    %barrier3A = arith.constant 0 : index
    tpu.barrier barrier_id(%barrier3A)
    %mul3A_22 = arith.constant 80 : i32
    %mul3A_23 = arith.muli %add3A, %mul3A_22 : i32
    %add3A_24 = arith.constant 0 : i32
    %add3A_25 = arith.addi %mul3A_23, %add3A_24 : i32
    "tpu.region"() ({
      %run_scoped3A = tpu.sem_alloc : memref<!tpu.dma_semaphore, #tpu.memory_space<semaphore_mem>>
      %dma_start3A_99 = arith.constant 0 : i32
      %dma_start3A_100 = tpu.memref_slice %arg2[%add3A_25, %dma_start3A_99] : memref<2560x128xi32, #tpu.memory_space<hbm>> -> memref<40x128xi32, #tpu.memory_space<hbm>>
      %dma_start3A_101 = arith.constant 0 : i32
      %dma_start3A_102 = tpu.memref_slice %arg2[%add3A_25, %dma_start3A_101] : memref<2560x128xi32, #tpu.memory_space<hbm>> -> memref<40x128xi32, #tpu.memory_space<hbm>>
      tpu.enqueue_dma source(%dma_start3A_102 : memref<40x128xi32, #tpu.memory_space<hbm>>) target(%arg6 : memref<40x128xi32, #tpu.memory_space<vmem>>) target_semaphore(%run_scoped3A : memref<!tpu.dma_semaphore, #tpu.memory_space<semaphore_mem>>)
      %dma_wait3A = arith.constant 0 : i32
      %dma_wait3A_103 = tpu.memref_slice %arg2[%add3A_25, %dma_wait3A] : memref<2560x128xi32, #tpu.memory_space<hbm>> -> memref<40x128xi32, #tpu.memory_space<hbm>>
      %dma_wait3A_104 = arith.constant 0 : i32
      %dma_wait3A_105 = tpu.memref_slice %arg2[%add3A_25, %dma_wait3A_104] : memref<2560x128xi32, #tpu.memory_space<hbm>> -> memref<40x128xi32, #tpu.memory_space<hbm>>
      tpu.wait_dma2 semaphore(%run_scoped3A : memref<!tpu.dma_semaphore, #tpu.memory_space<semaphore_mem>>) src(%dma_wait3A_105 : memref<40x128xi32, #tpu.memory_space<hbm>>) dst(%arg6 : memref<40x128xi32, #tpu.memory_space<vmem>>)
      tpu.yield
    }) : () -> ()
    %mul3A_26 = arith.constant 80 : i32
    %mul3A_27 = arith.muli %add3A, %mul3A_26 : i32
    %add3A_28 = arith.constant 0 : i32
    %add3A_29 = arith.addi %mul3A_27, %add3A_28 : i32
    "tpu.region"() ({
      %run_scoped3A = tpu.sem_alloc : memref<!tpu.dma_semaphore, #tpu.memory_space<semaphore_mem>>
      %dma_start3A_99 = arith.constant 0 : i32
      %dma_start3A_100 = tpu.memref_slice %arg3[%add3A_29, %dma_start3A_99] : memref<2560x128xi32, #tpu.memory_space<hbm>> -> memref<40x128xi32, #tpu.memory_space<hbm>>
      %dma_start3A_101 = arith.constant 0 : i32
      %dma_start3A_102 = tpu.memref_slice %arg3[%add3A_29, %dma_start3A_101] : memref<2560x128xi32, #tpu.memory_space<hbm>> -> memref<40x128xi32, #tpu.memory_space<hbm>>
      tpu.enqueue_dma source(%dma_start3A_102 : memref<40x128xi32, #tpu.memory_space<hbm>>) target(%arg7 : memref<40x128xi32, #tpu.memory_space<vmem>>) target_semaphore(%run_scoped3A : memref<!tpu.dma_semaphore, #tpu.memory_space<semaphore_mem>>)
      %dma_wait3A = arith.constant 0 : i32
      %dma_wait3A_103 = tpu.memref_slice %arg3[%add3A_29, %dma_wait3A] : memref<2560x128xi32, #tpu.memory_space<hbm>> -> memref<40x128xi32, #tpu.memory_space<hbm>>
      %dma_wait3A_104 = arith.constant 0 : i32
      %dma_wait3A_105 = tpu.memref_slice %arg3[%add3A_29, %dma_wait3A_104] : memref<2560x128xi32, #tpu.memory_space<hbm>> -> memref<40x128xi32, #tpu.memory_space<hbm>>
      tpu.wait_dma2 semaphore(%run_scoped3A : memref<!tpu.dma_semaphore, #tpu.memory_space<semaphore_mem>>) src(%dma_wait3A_105 : memref<40x128xi32, #tpu.memory_space<hbm>>) dst(%arg7 : memref<40x128xi32, #tpu.memory_space<vmem>>)
      tpu.yield
    }) : () -> ()
    %dma_start3A = arith.constant 0 : i32
    %dma_start3A_30 = arith.constant 0 : i32
    %dma_start3A_31 = tpu.memref_slice %arg6[%dma_start3A, %dma_start3A_30] : memref<40x128xi32, #tpu.memory_space<vmem>> -> memref<1x128xi32, #tpu.memory_space<vmem>>
    %dma_start3A_32 = tpu.memref_squeeze %dma_start3A_31 : memref<1x128xi32, #tpu.memory_space<vmem>> -> memref<128xi32, #tpu.memory_space<vmem>>
    %dma_start3A_33 = arith.constant 0 : i32
    %dma_start3A_34 = arith.constant 0 : i32
    %dma_start3A_35 = tpu.memref_slice %arg4[%dma_start3A_33, %dma_start3A_34] : memref<10000x128xf32, #tpu.memory_space<hbm>> -> memref<10000x128xf32, #tpu.memory_space<hbm>>
    tpu.enqueue_indirect_dma source(%dma_start3A_35 : memref<10000x128xf32, #tpu.memory_space<hbm>>) target(%arg8 : memref<128x128xf32, #tpu.memory_space<vmem>>) offsets(%dma_start3A_32 : memref<128xi32, #tpu.memory_space<vmem>>) semaphore(%arg11 : memref<!tpu.dma_semaphore, #tpu.memory_space<semaphore_mem>>)
    %dma_start3A_36 = arith.constant 1 : i32
    %dma_start3A_37 = arith.constant 0 : i32
    %dma_start3A_38 = tpu.memref_slice %arg6[%dma_start3A_36, %dma_start3A_37] : memref<40x128xi32, #tpu.memory_space<vmem>> -> memref<1x128xi32, #tpu.memory_space<vmem>>
    %dma_start3A_39 = tpu.memref_squeeze %dma_start3A_38 : memref<1x128xi32, #tpu.memory_space<vmem>> -> memref<128xi32, #tpu.memory_space<vmem>>
    %dma_start3A_40 = arith.constant 0 : i32
    %dma_start3A_41 = arith.constant 0 : i32
    %dma_start3A_42 = tpu.memref_slice %arg4[%dma_start3A_40, %dma_start3A_41] : memref<10000x128xf32, #tpu.memory_space<hbm>> -> memref<10000x128xf32, #tpu.memory_space<hbm>>
    tpu.enqueue_indirect_dma source(%dma_start3A_42 : memref<10000x128xf32, #tpu.memory_space<hbm>>) target(%arg9 : memref<128x128xf32, #tpu.memory_space<vmem>>) offsets(%dma_start3A_39 : memref<128xi32, #tpu.memory_space<vmem>>) semaphore(%arg12 : memref<!tpu.dma_semaphore, #tpu.memory_space<semaphore_mem>>)
    %scan3A_43 = arith.constant 0 : i32
    %scan3A_44 = arith.constant 0 : i32
    %scan3A_45 = arith.constant 20 : i32
    %scan3A_46 = arith.addi %scan3A_44, %scan3A_45 : i32
    %scan3A_47 = arith.constant 1 : i32
    %scan3A_48 = scf.for %scan3A_99 = %scan3A_44 to %scan3A_46 step %scan3A_47 iter_args(%scan3A_100 = %scan3A_43) -> (i32)  : i32 {
      %mul3A_101 = arith.constant 2 : i32
      %mul3A_102 = arith.muli %mul3A_101, %scan3A_99 : i32
      %add3A_103 = arith.constant 1 : i32
      %add3A_104 = arith.addi %mul3A_102, %add3A_103 : i32
      %dma_wait3A = arith.constant 0 : i32
      %dma_wait3A_105 = arith.constant 0 : i32
      %dma_wait3A_106 = tpu.memref_slice %arg6[%dma_wait3A, %dma_wait3A_105] : memref<40x128xi32, #tpu.memory_space<vmem>> -> memref<1x128xi32, #tpu.memory_space<vmem>>
      %dma_wait3A_107 = tpu.memref_squeeze %dma_wait3A_106 : memref<1x128xi32, #tpu.memory_space<vmem>> -> memref<128xi32, #tpu.memory_space<vmem>>
      %dma_wait3A_108 = arith.constant 0 : i32
      %dma_wait3A_109 = arith.constant 0 : i32
      %dma_wait3A_110 = tpu.memref_slice %arg4[%dma_wait3A_108, %dma_wait3A_109] : memref<10000x128xf32, #tpu.memory_space<hbm>> -> memref<10000x128xf32, #tpu.memory_space<hbm>>
      tpu.wait_indirect_dma semaphore(%arg11 : memref<!tpu.dma_semaphore, #tpu.memory_space<semaphore_mem>>) src(%dma_wait3A_110 : memref<10000x128xf32, #tpu.memory_space<hbm>>) dst(%arg8 : memref<128x128xf32, #tpu.memory_space<vmem>>)
      "tpu.region"() ({
        %run_scoped3A = tpu.sem_alloc : memref<!tpu.dma_semaphore, #tpu.memory_space<semaphore_mem>>
        %dma_start3A_130 = arith.constant 0 : i32
        %dma_start3A_131 = tpu.memref_slice %arg7[%mul3A_102, %dma_start3A_130] : memref<40x128xi32, #tpu.memory_space<vmem>> -> memref<1x128xi32, #tpu.memory_space<vmem>>
        %dma_start3A_132 = tpu.memref_squeeze %dma_start3A_131 : memref<1x128xi32, #tpu.memory_space<vmem>> -> memref<128xi32, #tpu.memory_space<vmem>>
        %dma_start3A_133 = arith.constant 0 : i32
        %dma_start3A_134 = arith.constant 0 : i32
        %dma_start3A_135 = tpu.memref_slice %arg10[%dma_start3A_133, %dma_start3A_134] : memref<10080x128xf32, #tpu.memory_space<vmem_shared>> -> memref<10080x128xf32, #tpu.memory_space<vmem_shared>>
        tpu.enqueue_indirect_dma source(%arg8 : memref<128x128xf32, #tpu.memory_space<vmem>>) target(%dma_start3A_135 : memref<10080x128xf32, #tpu.memory_space<vmem_shared>>) offsets(%dma_start3A_132 : memref<128xi32, #tpu.memory_space<vmem>>) semaphore(%run_scoped3A : memref<!tpu.dma_semaphore, #tpu.memory_space<semaphore_mem>>) {add = true}
        %dma_wait3A_136 = arith.constant 0 : i32
        %dma_wait3A_137 = tpu.memref_slice %arg7[%mul3A_102, %dma_wait3A_136] : memref<40x128xi32, #tpu.memory_space<vmem>> -> memref<1x128xi32, #tpu.memory_space<vmem>>
        %dma_wait3A_138 = tpu.memref_squeeze %dma_wait3A_137 : memref<1x128xi32, #tpu.memory_space<vmem>> -> memref<128xi32, #tpu.memory_space<vmem>>
        %dma_wait3A_139 = arith.constant 0 : i32
        %dma_wait3A_140 = arith.constant 0 : i32
        %dma_wait3A_141 = tpu.memref_slice %arg10[%dma_wait3A_139, %dma_wait3A_140] : memref<10080x128xf32, #tpu.memory_space<vmem_shared>> -> memref<10080x128xf32, #tpu.memory_space<vmem_shared>>
        tpu.wait_indirect_dma semaphore(%run_scoped3A : memref<!tpu.dma_semaphore, #tpu.memory_space<semaphore_mem>>) src(%arg8 : memref<128x128xf32, #tpu.memory_space<vmem>>) dst(%dma_wait3A_141 : memref<10080x128xf32, #tpu.memory_space<vmem_shared>>)
        tpu.yield
      }) : () -> ()
      %add3A_111 = arith.constant 2 : i32
      %add3A_112 = arith.addi %mul3A_102, %add3A_111 : i32
      %lt3A = arith.constant 40 : i32
      %lt3A_113 = arith.cmpi slt, %add3A_112, %lt3A : i32
      %convert_element_type3A = arith.extui %lt3A_113 : i1 to i32
      %cond3A = arith.constant 0 : i32
      %cond3A_114 = arith.cmpi ne, %convert_element_type3A, %cond3A : i32
      scf.if %cond3A_114 {
        %add3A_130 = arith.constant 2 : i32
        %add3A_131 = arith.addi %mul3A_102, %add3A_130 : i32
        %dma_start3A_132 = arith.constant 0 : i32
        %dma_start3A_133 = tpu.memref_slice %arg6[%add3A_131, %dma_start3A_132] : memref<40x128xi32, #tpu.memory_space<vmem>> -> memref<1x128xi32, #tpu.memory_space<vmem>>
        %dma_start3A_134 = tpu.memref_squeeze %dma_start3A_133 : memref<1x128xi32, #tpu.memory_space<vmem>> -> memref<128xi32, #tpu.memory_space<vmem>>
        %dma_start3A_135 = arith.constant 0 : i32
        %dma_start3A_136 = arith.constant 0 : i32
        %dma_start3A_137 = tpu.memref_slice %arg4[%dma_start3A_135, %dma_start3A_136] : memref<10000x128xf32, #tpu.memory_space<hbm>> -> memref<10000x128xf32, #tpu.memory_space<hbm>>
        tpu.enqueue_indirect_dma source(%dma_start3A_137 : memref<10000x128xf32, #tpu.memory_space<hbm>>) target(%arg8 : memref<128x128xf32, #tpu.memory_space<vmem>>) offsets(%dma_start3A_134 : memref<128xi32, #tpu.memory_space<vmem>>) semaphore(%arg11 : memref<!tpu.dma_semaphore, #tpu.memory_space<semaphore_mem>>)
      } else {
      }
      %dma_wait3A_115 = arith.constant 1 : i32
      %dma_wait3A_116 = arith.constant 0 : i32
      %dma_wait3A_117 = tpu.memref_slice %arg6[%dma_wait3A_115, %dma_wait3A_116] : memref<40x128xi32, #tpu.memory_space<vmem>> -> memref<1x128xi32, #tpu.memory_space<vmem>>
      %dma_wait3A_118 = tpu.memref_squeeze %dma_wait3A_117 : memref<1x128xi32, #tpu.memory_space<vmem>> -> memref<128xi32, #tpu.memory_space<vmem>>
      %dma_wait3A_119 = arith.constant 0 : i32
      %dma_wait3A_120 = arith.constant 0 : i32
      %dma_wait3A_121 = tpu.memref_slice %arg4[%dma_wait3A_119, %dma_wait3A_120] : memref<10000x128xf32, #tpu.memory_space<hbm>> -> memref<10000x128xf32, #tpu.memory_space<hbm>>
      tpu.wait_indirect_dma semaphore(%arg12 : memref<!tpu.dma_semaphore, #tpu.memory_space<semaphore_mem>>) src(%dma_wait3A_121 : memref<10000x128xf32, #tpu.memory_space<hbm>>) dst(%arg9 : memref<128x128xf32, #tpu.memory_space<vmem>>)
      "tpu.region"() ({
        %run_scoped3A = tpu.sem_alloc : memref<!tpu.dma_semaphore, #tpu.memory_space<semaphore_mem>>
        %dma_start3A_130 = arith.constant 0 : i32
        %dma_start3A_131 = tpu.memref_slice %arg7[%add3A_104, %dma_start3A_130] : memref<40x128xi32, #tpu.memory_space<vmem>> -> memref<1x128xi32, #tpu.memory_space<vmem>>
        %dma_start3A_132 = tpu.memref_squeeze %dma_start3A_131 : memref<1x128xi32, #tpu.memory_space<vmem>> -> memref<128xi32, #tpu.memory_space<vmem>>
        %dma_start3A_133 = arith.constant 0 : i32
        %dma_start3A_134 = arith.constant 0 : i32
        %dma_start3A_135 = tpu.memref_slice %arg10[%dma_start3A_133, %dma_start3A_134] : memref<10080x128xf32, #tpu.memory_space<vmem_shared>> -> memref<10080x128xf32, #tpu.memory_space<vmem_shared>>
        tpu.enqueue_indirect_dma source(%arg9 : memref<128x128xf32, #tpu.memory_space<vmem>>) target(%dma_start3A_135 : memref<10080x128xf32, #tpu.memory_space<vmem_shared>>) offsets(%dma_start3A_132 : memref<128xi32, #tpu.memory_space<vmem>>) semaphore(%run_scoped3A : memref<!tpu.dma_semaphore, #tpu.memory_space<semaphore_mem>>) {add = true}
        %dma_wait3A_136 = arith.constant 0 : i32
        %dma_wait3A_137 = tpu.memref_slice %arg7[%add3A_104, %dma_wait3A_136] : memref<40x128xi32, #tpu.memory_space<vmem>> -> memref<1x128xi32, #tpu.memory_space<vmem>>
        %dma_wait3A_138 = tpu.memref_squeeze %dma_wait3A_137 : memref<1x128xi32, #tpu.memory_space<vmem>> -> memref<128xi32, #tpu.memory_space<vmem>>
        %dma_wait3A_139 = arith.constant 0 : i32
        %dma_wait3A_140 = arith.constant 0 : i32
        %dma_wait3A_141 = tpu.memref_slice %arg10[%dma_wait3A_139, %dma_wait3A_140] : memref<10080x128xf32, #tpu.memory_space<vmem_shared>> -> memref<10080x128xf32, #tpu.memory_space<vmem_shared>>
        tpu.wait_indirect_dma semaphore(%run_scoped3A : memref<!tpu.dma_semaphore, #tpu.memory_space<semaphore_mem>>) src(%arg9 : memref<128x128xf32, #tpu.memory_space<vmem>>) dst(%dma_wait3A_141 : memref<10080x128xf32, #tpu.memory_space<vmem_shared>>)
        tpu.yield
      }) : () -> ()
      %add3A_122 = arith.constant 2 : i32
      %add3A_123 = arith.addi %add3A_104, %add3A_122 : i32
      %lt3A_124 = arith.constant 40 : i32
      %lt3A_125 = arith.cmpi slt, %add3A_123, %lt3A_124 : i32
      %convert_element_type3A_126 = arith.extui %lt3A_125 : i1 to i32
      %cond3A_127 = arith.constant 0 : i32
      %cond3A_128 = arith.cmpi ne, %convert_element_type3A_126, %cond3A_127 : i32
      scf.if %cond3A_128 {
        %add3A_130 = arith.constant 2 : i32
        %add3A_131 = arith.addi %add3A_104, %add3A_130 : i32
        %dma_start3A_132 = arith.constant 0 : i32
        %dma_start3A_133 = tpu.memref_slice %arg6[%add3A_131, %dma_start3A_132] : memref<40x128xi32, #tpu.memory_space<vmem>> -> memref<1x128xi32, #tpu.memory_space<vmem>>
        %dma_start3A_134 = tpu.memref_squeeze %dma_start3A_133 : memref<1x128xi32, #tpu.memory_space<vmem>> -> memref<128xi32, #tpu.memory_space<vmem>>
        %dma_start3A_135 = arith.constant 0 : i32
        %dma_start3A_136 = arith.constant 0 : i32
        %dma_start3A_137 = tpu.memref_slice %arg4[%dma_start3A_135, %dma_start3A_136] : memref<10000x128xf32, #tpu.memory_space<hbm>> -> memref<10000x128xf32, #tpu.memory_space<hbm>>
        tpu.enqueue_indirect_dma source(%dma_start3A_137 : memref<10000x128xf32, #tpu.memory_space<hbm>>) target(%arg9 : memref<128x128xf32, #tpu.memory_space<vmem>>) offsets(%dma_start3A_134 : memref<128xi32, #tpu.memory_space<vmem>>) semaphore(%arg12 : memref<!tpu.dma_semaphore, #tpu.memory_space<semaphore_mem>>)
      } else {
      }
      %scan3A_129 = arith.constant 0 : i32
      scf.yield %scan3A_129 : i32
    }
    %scan3A_49 = arith.constant 20 : i32
    %mul3A_50 = arith.constant 80 : i32
    %mul3A_51 = arith.muli %add3A, %mul3A_50 : i32
    %add3A_52 = arith.constant 40 : i32
    %add3A_53 = arith.addi %mul3A_51, %add3A_52 : i32
    "tpu.region"() ({
      %run_scoped3A = tpu.sem_alloc : memref<!tpu.dma_semaphore, #tpu.memory_space<semaphore_mem>>
      %dma_start3A_99 = arith.constant 0 : i32
      %dma_start3A_100 = tpu.memref_slice %arg2[%add3A_53, %dma_start3A_99] : memref<2560x128xi32, #tpu.memory_space<hbm>> -> memref<40x128xi32, #tpu.memory_space<hbm>>
      %dma_start3A_101 = arith.constant 0 : i32
      %dma_start3A_102 = tpu.memref_slice %arg2[%add3A_53, %dma_start3A_101] : memref<2560x128xi32, #tpu.memory_space<hbm>> -> memref<40x128xi32, #tpu.memory_space<hbm>>
      tpu.enqueue_dma source(%dma_start3A_102 : memref<40x128xi32, #tpu.memory_space<hbm>>) target(%arg6 : memref<40x128xi32, #tpu.memory_space<vmem>>) target_semaphore(%run_scoped3A : memref<!tpu.dma_semaphore, #tpu.memory_space<semaphore_mem>>)
      %dma_wait3A = arith.constant 0 : i32
      %dma_wait3A_103 = tpu.memref_slice %arg2[%add3A_53, %dma_wait3A] : memref<2560x128xi32, #tpu.memory_space<hbm>> -> memref<40x128xi32, #tpu.memory_space<hbm>>
      %dma_wait3A_104 = arith.constant 0 : i32
      %dma_wait3A_105 = tpu.memref_slice %arg2[%add3A_53, %dma_wait3A_104] : memref<2560x128xi32, #tpu.memory_space<hbm>> -> memref<40x128xi32, #tpu.memory_space<hbm>>
      tpu.wait_dma2 semaphore(%run_scoped3A : memref<!tpu.dma_semaphore, #tpu.memory_space<semaphore_mem>>) src(%dma_wait3A_105 : memref<40x128xi32, #tpu.memory_space<hbm>>) dst(%arg6 : memref<40x128xi32, #tpu.memory_space<vmem>>)
      tpu.yield
    }) : () -> ()
    %mul3A_54 = arith.constant 80 : i32
    %mul3A_55 = arith.muli %add3A, %mul3A_54 : i32
    %add3A_56 = arith.constant 40 : i32
    %add3A_57 = arith.addi %mul3A_55, %add3A_56 : i32
    "tpu.region"() ({
      %run_scoped3A = tpu.sem_alloc : memref<!tpu.dma_semaphore, #tpu.memory_space<semaphore_mem>>
      %dma_start3A_99 = arith.constant 0 : i32
      %dma_start3A_100 = tpu.memref_slice %arg3[%add3A_57, %dma_start3A_99] : memref<2560x128xi32, #tpu.memory_space<hbm>> -> memref<40x128xi32, #tpu.memory_space<hbm>>
      %dma_start3A_101 = arith.constant 0 : i32
      %dma_start3A_102 = tpu.memref_slice %arg3[%add3A_57, %dma_start3A_101] : memref<2560x128xi32, #tpu.memory_space<hbm>> -> memref<40x128xi32, #tpu.memory_space<hbm>>
      tpu.enqueue_dma source(%dma_start3A_102 : memref<40x128xi32, #tpu.memory_space<hbm>>) target(%arg7 : memref<40x128xi32, #tpu.memory_space<vmem>>) target_semaphore(%run_scoped3A : memref<!tpu.dma_semaphore, #tpu.memory_space<semaphore_mem>>)
      %dma_wait3A = arith.constant 0 : i32
      %dma_wait3A_103 = tpu.memref_slice %arg3[%add3A_57, %dma_wait3A] : memref<2560x128xi32, #tpu.memory_space<hbm>> -> memref<40x128xi32, #tpu.memory_space<hbm>>
      %dma_wait3A_104 = arith.constant 0 : i32
      %dma_wait3A_105 = tpu.memref_slice %arg3[%add3A_57, %dma_wait3A_104] : memref<2560x128xi32, #tpu.memory_space<hbm>> -> memref<40x128xi32, #tpu.memory_space<hbm>>
      tpu.wait_dma2 semaphore(%run_scoped3A : memref<!tpu.dma_semaphore, #tpu.memory_space<semaphore_mem>>) src(%dma_wait3A_105 : memref<40x128xi32, #tpu.memory_space<hbm>>) dst(%arg7 : memref<40x128xi32, #tpu.memory_space<vmem>>)
      tpu.yield
    }) : () -> ()
    %dma_start3A_58 = arith.constant 0 : i32
    %dma_start3A_59 = arith.constant 0 : i32
    %dma_start3A_60 = tpu.memref_slice %arg6[%dma_start3A_58, %dma_start3A_59] : memref<40x128xi32, #tpu.memory_space<vmem>> -> memref<1x128xi32, #tpu.memory_space<vmem>>
    %dma_start3A_61 = tpu.memref_squeeze %dma_start3A_60 : memref<1x128xi32, #tpu.memory_space<vmem>> -> memref<128xi32, #tpu.memory_space<vmem>>
    %dma_start3A_62 = arith.constant 0 : i32
    %dma_start3A_63 = arith.constant 0 : i32
    %dma_start3A_64 = tpu.memref_slice %arg4[%dma_start3A_62, %dma_start3A_63] : memref<10000x128xf32, #tpu.memory_space<hbm>> -> memref<10000x128xf32, #tpu.memory_space<hbm>>
    tpu.enqueue_indirect_dma source(%dma_start3A_64 : memref<10000x128xf32, #tpu.memory_space<hbm>>) target(%arg8 : memref<128x128xf32, #tpu.memory_space<vmem>>) offsets(%dma_start3A_61 : memref<128xi32, #tpu.memory_space<vmem>>) semaphore(%arg11 : memref<!tpu.dma_semaphore, #tpu.memory_space<semaphore_mem>>)
    %dma_start3A_65 = arith.constant 1 : i32
    %dma_start3A_66 = arith.constant 0 : i32
    %dma_start3A_67 = tpu.memref_slice %arg6[%dma_start3A_65, %dma_start3A_66] : memref<40x128xi32, #tpu.memory_space<vmem>> -> memref<1x128xi32, #tpu.memory_space<vmem>>
    %dma_start3A_68 = tpu.memref_squeeze %dma_start3A_67 : memref<1x128xi32, #tpu.memory_space<vmem>> -> memref<128xi32, #tpu.memory_space<vmem>>
    %dma_start3A_69 = arith.constant 0 : i32
    %dma_start3A_70 = arith.constant 0 : i32
    %dma_start3A_71 = tpu.memref_slice %arg4[%dma_start3A_69, %dma_start3A_70] : memref<10000x128xf32, #tpu.memory_space<hbm>> -> memref<10000x128xf32, #tpu.memory_space<hbm>>
    tpu.enqueue_indirect_dma source(%dma_start3A_71 : memref<10000x128xf32, #tpu.memory_space<hbm>>) target(%arg9 : memref<128x128xf32, #tpu.memory_space<vmem>>) offsets(%dma_start3A_68 : memref<128xi32, #tpu.memory_space<vmem>>) semaphore(%arg12 : memref<!tpu.dma_semaphore, #tpu.memory_space<semaphore_mem>>)
    %scan3A_72 = arith.constant 0 : i32
    %scan3A_73 = arith.constant 0 : i32
    %scan3A_74 = arith.constant 20 : i32
    %scan3A_75 = arith.addi %scan3A_73, %scan3A_74 : i32
    %scan3A_76 = arith.constant 1 : i32
    %scan3A_77 = scf.for %scan3A_99 = %scan3A_73 to %scan3A_75 step %scan3A_76 iter_args(%scan3A_100 = %scan3A_72) -> (i32)  : i32 {
      %mul3A_101 = arith.constant 2 : i32
      %mul3A_102 = arith.muli %mul3A_101, %scan3A_99 : i32
      %add3A_103 = arith.constant 1 : i32
      %add3A_104 = arith.addi %mul3A_102, %add3A_103 : i32
      %dma_wait3A = arith.constant 0 : i32
      %dma_wait3A_105 = arith.constant 0 : i32
      %dma_wait3A_106 = tpu.memref_slice %arg6[%dma_wait3A, %dma_wait3A_105] : memref<40x128xi32, #tpu.memory_space<vmem>> -> memref<1x128xi32, #tpu.memory_space<vmem>>
      %dma_wait3A_107 = tpu.memref_squeeze %dma_wait3A_106 : memref<1x128xi32, #tpu.memory_space<vmem>> -> memref<128xi32, #tpu.memory_space<vmem>>
      %dma_wait3A_108 = arith.constant 0 : i32
      %dma_wait3A_109 = arith.constant 0 : i32
      %dma_wait3A_110 = tpu.memref_slice %arg4[%dma_wait3A_108, %dma_wait3A_109] : memref<10000x128xf32, #tpu.memory_space<hbm>> -> memref<10000x128xf32, #tpu.memory_space<hbm>>
      tpu.wait_indirect_dma semaphore(%arg11 : memref<!tpu.dma_semaphore, #tpu.memory_space<semaphore_mem>>) src(%dma_wait3A_110 : memref<10000x128xf32, #tpu.memory_space<hbm>>) dst(%arg8 : memref<128x128xf32, #tpu.memory_space<vmem>>)
      "tpu.region"() ({
        %run_scoped3A = tpu.sem_alloc : memref<!tpu.dma_semaphore, #tpu.memory_space<semaphore_mem>>
        %dma_start3A_130 = arith.constant 0 : i32
        %dma_start3A_131 = tpu.memref_slice %arg7[%mul3A_102, %dma_start3A_130] : memref<40x128xi32, #tpu.memory_space<vmem>> -> memref<1x128xi32, #tpu.memory_space<vmem>>
        %dma_start3A_132 = tpu.memref_squeeze %dma_start3A_131 : memref<1x128xi32, #tpu.memory_space<vmem>> -> memref<128xi32, #tpu.memory_space<vmem>>
        %dma_start3A_133 = arith.constant 0 : i32
        %dma_start3A_134 = arith.constant 0 : i32
        %dma_start3A_135 = tpu.memref_slice %arg10[%dma_start3A_133, %dma_start3A_134] : memref<10080x128xf32, #tpu.memory_space<vmem_shared>> -> memref<10080x128xf32, #tpu.memory_space<vmem_shared>>
        tpu.enqueue_indirect_dma source(%arg8 : memref<128x128xf32, #tpu.memory_space<vmem>>) target(%dma_start3A_135 : memref<10080x128xf32, #tpu.memory_space<vmem_shared>>) offsets(%dma_start3A_132 : memref<128xi32, #tpu.memory_space<vmem>>) semaphore(%run_scoped3A : memref<!tpu.dma_semaphore, #tpu.memory_space<semaphore_mem>>) {add = true}
        %dma_wait3A_136 = arith.constant 0 : i32
        %dma_wait3A_137 = tpu.memref_slice %arg7[%mul3A_102, %dma_wait3A_136] : memref<40x128xi32, #tpu.memory_space<vmem>> -> memref<1x128xi32, #tpu.memory_space<vmem>>
        %dma_wait3A_138 = tpu.memref_squeeze %dma_wait3A_137 : memref<1x128xi32, #tpu.memory_space<vmem>> -> memref<128xi32, #tpu.memory_space<vmem>>
        %dma_wait3A_139 = arith.constant 0 : i32
        %dma_wait3A_140 = arith.constant 0 : i32
        %dma_wait3A_141 = tpu.memref_slice %arg10[%dma_wait3A_139, %dma_wait3A_140] : memref<10080x128xf32, #tpu.memory_space<vmem_shared>> -> memref<10080x128xf32, #tpu.memory_space<vmem_shared>>
        tpu.wait_indirect_dma semaphore(%run_scoped3A : memref<!tpu.dma_semaphore, #tpu.memory_space<semaphore_mem>>) src(%arg8 : memref<128x128xf32, #tpu.memory_space<vmem>>) dst(%dma_wait3A_141 : memref<10080x128xf32, #tpu.memory_space<vmem_shared>>)
        tpu.yield
      }) : () -> ()
      %add3A_111 = arith.constant 2 : i32
      %add3A_112 = arith.addi %mul3A_102, %add3A_111 : i32
      %lt3A = arith.constant 40 : i32
      %lt3A_113 = arith.cmpi slt, %add3A_112, %lt3A : i32
      %convert_element_type3A = arith.extui %lt3A_113 : i1 to i32
      %cond3A = arith.constant 0 : i32
      %cond3A_114 = arith.cmpi ne, %convert_element_type3A, %cond3A : i32
      scf.if %cond3A_114 {
        %add3A_130 = arith.constant 2 : i32
        %add3A_131 = arith.addi %mul3A_102, %add3A_130 : i32
        %dma_start3A_132 = arith.constant 0 : i32
        %dma_start3A_133 = tpu.memref_slice %arg6[%add3A_131, %dma_start3A_132] : memref<40x128xi32, #tpu.memory_space<vmem>> -> memref<1x128xi32, #tpu.memory_space<vmem>>
        %dma_start3A_134 = tpu.memref_squeeze %dma_start3A_133 : memref<1x128xi32, #tpu.memory_space<vmem>> -> memref<128xi32, #tpu.memory_space<vmem>>
        %dma_start3A_135 = arith.constant 0 : i32
        %dma_start3A_136 = arith.constant 0 : i32
        %dma_start3A_137 = tpu.memref_slice %arg4[%dma_start3A_135, %dma_start3A_136] : memref<10000x128xf32, #tpu.memory_space<hbm>> -> memref<10000x128xf32, #tpu.memory_space<hbm>>
        tpu.enqueue_indirect_dma source(%dma_start3A_137 : memref<10000x128xf32, #tpu.memory_space<hbm>>) target(%arg8 : memref<128x128xf32, #tpu.memory_space<vmem>>) offsets(%dma_start3A_134 : memref<128xi32, #tpu.memory_space<vmem>>) semaphore(%arg11 : memref<!tpu.dma_semaphore, #tpu.memory_space<semaphore_mem>>)
      } else {
      }
      %dma_wait3A_115 = arith.constant 1 : i32
      %dma_wait3A_116 = arith.constant 0 : i32
      %dma_wait3A_117 = tpu.memref_slice %arg6[%dma_wait3A_115, %dma_wait3A_116] : memref<40x128xi32, #tpu.memory_space<vmem>> -> memref<1x128xi32, #tpu.memory_space<vmem>>
      %dma_wait3A_118 = tpu.memref_squeeze %dma_wait3A_117 : memref<1x128xi32, #tpu.memory_space<vmem>> -> memref<128xi32, #tpu.memory_space<vmem>>
      %dma_wait3A_119 = arith.constant 0 : i32
      %dma_wait3A_120 = arith.constant 0 : i32
      %dma_wait3A_121 = tpu.memref_slice %arg4[%dma_wait3A_119, %dma_wait3A_120] : memref<10000x128xf32, #tpu.memory_space<hbm>> -> memref<10000x128xf32, #tpu.memory_space<hbm>>
      tpu.wait_indirect_dma semaphore(%arg12 : memref<!tpu.dma_semaphore, #tpu.memory_space<semaphore_mem>>) src(%dma_wait3A_121 : memref<10000x128xf32, #tpu.memory_space<hbm>>) dst(%arg9 : memref<128x128xf32, #tpu.memory_space<vmem>>)
      "tpu.region"() ({
        %run_scoped3A = tpu.sem_alloc : memref<!tpu.dma_semaphore, #tpu.memory_space<semaphore_mem>>
        %dma_start3A_130 = arith.constant 0 : i32
        %dma_start3A_131 = tpu.memref_slice %arg7[%add3A_104, %dma_start3A_130] : memref<40x128xi32, #tpu.memory_space<vmem>> -> memref<1x128xi32, #tpu.memory_space<vmem>>
        %dma_start3A_132 = tpu.memref_squeeze %dma_start3A_131 : memref<1x128xi32, #tpu.memory_space<vmem>> -> memref<128xi32, #tpu.memory_space<vmem>>
        %dma_start3A_133 = arith.constant 0 : i32
        %dma_start3A_134 = arith.constant 0 : i32
        %dma_start3A_135 = tpu.memref_slice %arg10[%dma_start3A_133, %dma_start3A_134] : memref<10080x128xf32, #tpu.memory_space<vmem_shared>> -> memref<10080x128xf32, #tpu.memory_space<vmem_shared>>
        tpu.enqueue_indirect_dma source(%arg9 : memref<128x128xf32, #tpu.memory_space<vmem>>) target(%dma_start3A_135 : memref<10080x128xf32, #tpu.memory_space<vmem_shared>>) offsets(%dma_start3A_132 : memref<128xi32, #tpu.memory_space<vmem>>) semaphore(%run_scoped3A : memref<!tpu.dma_semaphore, #tpu.memory_space<semaphore_mem>>) {add = true}
        %dma_wait3A_136 = arith.constant 0 : i32
        %dma_wait3A_137 = tpu.memref_slice %arg7[%add3A_104, %dma_wait3A_136] : memref<40x128xi32, #tpu.memory_space<vmem>> -> memref<1x128xi32, #tpu.memory_space<vmem>>
        %dma_wait3A_138 = tpu.memref_squeeze %dma_wait3A_137 : memref<1x128xi32, #tpu.memory_space<vmem>> -> memref<128xi32, #tpu.memory_space<vmem>>
        %dma_wait3A_139 = arith.constant 0 : i32
        %dma_wait3A_140 = arith.constant 0 : i32
        %dma_wait3A_141 = tpu.memref_slice %arg10[%dma_wait3A_139, %dma_wait3A_140] : memref<10080x128xf32, #tpu.memory_space<vmem_shared>> -> memref<10080x128xf32, #tpu.memory_space<vmem_shared>>
        tpu.wait_indirect_dma semaphore(%run_scoped3A : memref<!tpu.dma_semaphore, #tpu.memory_space<semaphore_mem>>) src(%arg9 : memref<128x128xf32, #tpu.memory_space<vmem>>) dst(%dma_wait3A_141 : memref<10080x128xf32, #tpu.memory_space<vmem_shared>>)
        tpu.yield
      }) : () -> ()
      %add3A_122 = arith.constant 2 : i32
      %add3A_123 = arith.addi %add3A_104, %add3A_122 : i32
      %lt3A_124 = arith.constant 40 : i32
      %lt3A_125 = arith.cmpi slt, %add3A_123, %lt3A_124 : i32
      %convert_element_type3A_126 = arith.extui %lt3A_125 : i1 to i32
      %cond3A_127 = arith.constant 0 : i32
      %cond3A_128 = arith.cmpi ne, %convert_element_type3A_126, %cond3A_127 : i32
      scf.if %cond3A_128 {
        %add3A_130 = arith.constant 2 : i32
        %add3A_131 = arith.addi %add3A_104, %add3A_130 : i32
        %dma_start3A_132 = arith.constant 0 : i32
        %dma_start3A_133 = tpu.memref_slice %arg6[%add3A_131, %dma_start3A_132] : memref<40x128xi32, #tpu.memory_space<vmem>> -> memref<1x128xi32, #tpu.memory_space<vmem>>
        %dma_start3A_134 = tpu.memref_squeeze %dma_start3A_133 : memref<1x128xi32, #tpu.memory_space<vmem>> -> memref<128xi32, #tpu.memory_space<vmem>>
        %dma_start3A_135 = arith.constant 0 : i32
        %dma_start3A_136 = arith.constant 0 : i32
        %dma_start3A_137 = tpu.memref_slice %arg4[%dma_start3A_135, %dma_start3A_136] : memref<10000x128xf32, #tpu.memory_space<hbm>> -> memref<10000x128xf32, #tpu.memory_space<hbm>>
        tpu.enqueue_indirect_dma source(%dma_start3A_137 : memref<10000x128xf32, #tpu.memory_space<hbm>>) target(%arg9 : memref<128x128xf32, #tpu.memory_space<vmem>>) offsets(%dma_start3A_134 : memref<128xi32, #tpu.memory_space<vmem>>) semaphore(%arg12 : memref<!tpu.dma_semaphore, #tpu.memory_space<semaphore_mem>>)
      } else {
      }
      %scan3A_129 = arith.constant 0 : i32
      scf.yield %scan3A_129 : i32
    }
    %scan3A_78 = arith.constant 20 : i32
    %barrier3A_79 = arith.constant 0 : index
    tpu.barrier barrier_id(%barrier3A_79)
    %mul3A_80 = arith.constant 640 : i32
    %mul3A_81 = arith.muli %arg1, %mul3A_80 : i32
    %eq3A_82 = arith.constant 15 : i32
    %eq3A_83 = arith.cmpi eq, %arg1, %eq3A_82 : i32
    %jit3A_84 = arith.constant 5 : i32
    %jit3A_85 = arith.constant 8 : i32
    %select_n3A_86 = arith.select %eq3A_83, %jit3A_84, %jit3A_85 : i32
    %while3A_87 = arith.constant 0 : i32
    %while3A_88 = arith.constant 0 : i32
    %while3A_89 = arith.subi %select_n3A_86, %while3A_87 : i32
    %while3A_90 = arith.addi %while3A_87, %while3A_89 : i32
    %while3A_91 = arith.constant 1 : i32
    %while3A_92 = arith.divsi %while3A_89, %while3A_91 : i32
    %while3A_93 = arith.muli %while3A_92, %while3A_91 : i32
    %while3A_94 = arith.addi %while3A_87, %while3A_93 : i32
    %while3A_95 = arith.constant 1 : i32
    %while3A_96 = scf.for %while3A_99 = %while3A_87 to %while3A_94 step %while3A_95 iter_args(%while3A_100 = %while3A_88) -> (i32)  : i32 {
      %mul3A_101 = arith.constant 80 : i32
      %mul3A_102 = arith.muli %while3A_99, %mul3A_101 : i32
      %add3A_103 = arith.addi %mul3A_81, %mul3A_102 : i32
      "tpu.region"() ({
        %run_scoped3A = tpu.sem_alloc : memref<!tpu.dma_semaphore, #tpu.memory_space<semaphore_mem>>
        %dma_start3A_108 = arith.constant 0 : i32
        %dma_start3A_109 = arith.constant 0 : i32
        %dma_start3A_110 = tpu.memref_slice %arg8[%dma_start3A_108, %dma_start3A_109] : memref<128x128xf32, #tpu.memory_space<vmem>> -> memref<80x128xf32, #tpu.memory_space<vmem>>
        %dma_start3A_111 = arith.constant 0 : i32
        %dma_start3A_112 = tpu.memref_slice %arg10[%add3A_103, %dma_start3A_111] : memref<10080x128xf32, #tpu.memory_space<vmem_shared>> -> memref<80x128xf32, #tpu.memory_space<vmem_shared>>
        %dma_start3A_113 = arith.constant 0 : i32
        %dma_start3A_114 = arith.constant 0 : i32
        %dma_start3A_115 = tpu.memref_slice %arg8[%dma_start3A_113, %dma_start3A_114] : memref<128x128xf32, #tpu.memory_space<vmem>> -> memref<80x128xf32, #tpu.memory_space<vmem>>
        %dma_start3A_116 = arith.constant 0 : i32
        %dma_start3A_117 = tpu.memref_slice %arg10[%add3A_103, %dma_start3A_116] : memref<10080x128xf32, #tpu.memory_space<vmem_shared>> -> memref<80x128xf32, #tpu.memory_space<vmem_shared>>
        tpu.enqueue_dma source(%dma_start3A_117 : memref<80x128xf32, #tpu.memory_space<vmem_shared>>) target(%dma_start3A_115 : memref<80x128xf32, #tpu.memory_space<vmem>>) target_semaphore(%run_scoped3A : memref<!tpu.dma_semaphore, #tpu.memory_space<semaphore_mem>>)
        %dma_wait3A = arith.constant 0 : i32
        %dma_wait3A_118 = arith.constant 0 : i32
        %dma_wait3A_119 = tpu.memref_slice %arg8[%dma_wait3A, %dma_wait3A_118] : memref<128x128xf32, #tpu.memory_space<vmem>> -> memref<80x128xf32, #tpu.memory_space<vmem>>
        %dma_wait3A_120 = arith.constant 0 : i32
        %dma_wait3A_121 = tpu.memref_slice %arg10[%add3A_103, %dma_wait3A_120] : memref<10080x128xf32, #tpu.memory_space<vmem_shared>> -> memref<80x128xf32, #tpu.memory_space<vmem_shared>>
        %dma_wait3A_122 = arith.constant 0 : i32
        %dma_wait3A_123 = arith.constant 0 : i32
        %dma_wait3A_124 = tpu.memref_slice %arg8[%dma_wait3A_122, %dma_wait3A_123] : memref<128x128xf32, #tpu.memory_space<vmem>> -> memref<80x128xf32, #tpu.memory_space<vmem>>
        %dma_wait3A_125 = arith.constant 0 : i32
        %dma_wait3A_126 = tpu.memref_slice %arg10[%add3A_103, %dma_wait3A_125] : memref<10080x128xf32, #tpu.memory_space<vmem_shared>> -> memref<80x128xf32, #tpu.memory_space<vmem_shared>>
        tpu.wait_dma2 semaphore(%run_scoped3A : memref<!tpu.dma_semaphore, #tpu.memory_space<semaphore_mem>>) src(%dma_wait3A_126 : memref<80x128xf32, #tpu.memory_space<vmem_shared>>) dst(%dma_wait3A_124 : memref<80x128xf32, #tpu.memory_space<vmem>>)
        tpu.yield
      }) : () -> ()
      %mul3A_104 = arith.constant 10000 : i32
      %mul3A_105 = arith.muli %arg0, %mul3A_104 : i32
      %add3A_106 = arith.addi %mul3A_105, %add3A_103 : i32
      "tpu.region"() ({
        %run_scoped3A = tpu.sem_alloc : memref<!tpu.dma_semaphore, #tpu.memory_space<semaphore_mem>>
        %dma_start3A_108 = arith.constant 0 : i32
        %dma_start3A_109 = arith.constant 0 : i32
        %dma_start3A_110 = tpu.memref_slice %arg8[%dma_start3A_108, %dma_start3A_109] : memref<128x128xf32, #tpu.memory_space<vmem>> -> memref<80x128xf32, #tpu.memory_space<vmem>>
        %dma_start3A_111 = arith.constant 0 : i32
        %dma_start3A_112 = tpu.memref_slice %arg5[%add3A_106, %dma_start3A_111] : memref<20000x128xf32, #tpu.memory_space<hbm>> -> memref<80x128xf32, #tpu.memory_space<hbm>>
        %dma_start3A_113 = arith.constant 0 : i32
        %dma_start3A_114 = tpu.memref_slice %arg5[%add3A_106, %dma_start3A_113] : memref<20000x128xf32, #tpu.memory_space<hbm>> -> memref<80x128xf32, #tpu.memory_space<hbm>>
        %dma_start3A_115 = arith.constant 0 : i32
        %dma_start3A_116 = arith.constant 0 : i32
        %dma_start3A_117 = tpu.memref_slice %arg8[%dma_start3A_115, %dma_start3A_116] : memref<128x128xf32, #tpu.memory_space<vmem>> -> memref<80x128xf32, #tpu.memory_space<vmem>>
        tpu.enqueue_dma source(%dma_start3A_117 : memref<80x128xf32, #tpu.memory_space<vmem>>) target(%dma_start3A_114 : memref<80x128xf32, #tpu.memory_space<hbm>>) target_semaphore(%run_scoped3A : memref<!tpu.dma_semaphore, #tpu.memory_space<semaphore_mem>>)
        %dma_wait3A = arith.constant 0 : i32
        %dma_wait3A_118 = arith.constant 0 : i32
        %dma_wait3A_119 = tpu.memref_slice %arg8[%dma_wait3A, %dma_wait3A_118] : memref<128x128xf32, #tpu.memory_space<vmem>> -> memref<80x128xf32, #tpu.memory_space<vmem>>
        %dma_wait3A_120 = arith.constant 0 : i32
        %dma_wait3A_121 = tpu.memref_slice %arg5[%add3A_106, %dma_wait3A_120] : memref<20000x128xf32, #tpu.memory_space<hbm>> -> memref<80x128xf32, #tpu.memory_space<hbm>>
        %dma_wait3A_122 = arith.constant 0 : i32
        %dma_wait3A_123 = tpu.memref_slice %arg5[%add3A_106, %dma_wait3A_122] : memref<20000x128xf32, #tpu.memory_space<hbm>> -> memref<80x128xf32, #tpu.memory_space<hbm>>
        %dma_wait3A_124 = arith.constant 0 : i32
        %dma_wait3A_125 = arith.constant 0 : i32
        %dma_wait3A_126 = tpu.memref_slice %arg8[%dma_wait3A_124, %dma_wait3A_125] : memref<128x128xf32, #tpu.memory_space<vmem>> -> memref<80x128xf32, #tpu.memory_space<vmem>>
        tpu.wait_dma2 semaphore(%run_scoped3A : memref<!tpu.dma_semaphore, #tpu.memory_space<semaphore_mem>>) src(%dma_wait3A_126 : memref<80x128xf32, #tpu.memory_space<vmem>>) dst(%dma_wait3A_123 : memref<80x128xf32, #tpu.memory_space<hbm>>)
        tpu.yield
      }) : () -> ()
      %while3A_107 = arith.constant 0 : i32
      scf.yield %while3A_107 : i32
    }
    %while3A_97 = arith.constant 1 : i32
    %while3A_98 = scf.for %while3A_99 = %while3A_94 to %while3A_90 step %while3A_97 iter_args(%while3A_100 = %while3A_96) -> (i32)  : i32 {
      %mul3A_101 = arith.constant 80 : i32
      %mul3A_102 = arith.muli %while3A_99, %mul3A_101 : i32
      %add3A_103 = arith.addi %mul3A_81, %mul3A_102 : i32
      "tpu.region"() ({
        %run_scoped3A = tpu.sem_alloc : memref<!tpu.dma_semaphore, #tpu.memory_space<semaphore_mem>>
        %dma_start3A_108 = arith.constant 0 : i32
        %dma_start3A_109 = arith.constant 0 : i32
        %dma_start3A_110 = tpu.memref_slice %arg8[%dma_start3A_108, %dma_start3A_109] : memref<128x128xf32, #tpu.memory_space<vmem>> -> memref<80x128xf32, #tpu.memory_space<vmem>>
        %dma_start3A_111 = arith.constant 0 : i32
        %dma_start3A_112 = tpu.memref_slice %arg10[%add3A_103, %dma_start3A_111] : memref<10080x128xf32, #tpu.memory_space<vmem_shared>> -> memref<80x128xf32, #tpu.memory_space<vmem_shared>>
        %dma_start3A_113 = arith.constant 0 : i32
        %dma_start3A_114 = arith.constant 0 : i32
        %dma_start3A_115 = tpu.memref_slice %arg8[%dma_start3A_113, %dma_start3A_114] : memref<128x128xf32, #tpu.memory_space<vmem>> -> memref<80x128xf32, #tpu.memory_space<vmem>>
        %dma_start3A_116 = arith.constant 0 : i32
        %dma_start3A_117 = tpu.memref_slice %arg10[%add3A_103, %dma_start3A_116] : memref<10080x128xf32, #tpu.memory_space<vmem_shared>> -> memref<80x128xf32, #tpu.memory_space<vmem_shared>>
        tpu.enqueue_dma source(%dma_start3A_117 : memref<80x128xf32, #tpu.memory_space<vmem_shared>>) target(%dma_start3A_115 : memref<80x128xf32, #tpu.memory_space<vmem>>) target_semaphore(%run_scoped3A : memref<!tpu.dma_semaphore, #tpu.memory_space<semaphore_mem>>)
        %dma_wait3A = arith.constant 0 : i32
        %dma_wait3A_118 = arith.constant 0 : i32
        %dma_wait3A_119 = tpu.memref_slice %arg8[%dma_wait3A, %dma_wait3A_118] : memref<128x128xf32, #tpu.memory_space<vmem>> -> memref<80x128xf32, #tpu.memory_space<vmem>>
        %dma_wait3A_120 = arith.constant 0 : i32
        %dma_wait3A_121 = tpu.memref_slice %arg10[%add3A_103, %dma_wait3A_120] : memref<10080x128xf32, #tpu.memory_space<vmem_shared>> -> memref<80x128xf32, #tpu.memory_space<vmem_shared>>
        %dma_wait3A_122 = arith.constant 0 : i32
        %dma_wait3A_123 = arith.constant 0 : i32
        %dma_wait3A_124 = tpu.memref_slice %arg8[%dma_wait3A_122, %dma_wait3A_123] : memref<128x128xf32, #tpu.memory_space<vmem>> -> memref<80x128xf32, #tpu.memory_space<vmem>>
        %dma_wait3A_125 = arith.constant 0 : i32
        %dma_wait3A_126 = tpu.memref_slice %arg10[%add3A_103, %dma_wait3A_125] : memref<10080x128xf32, #tpu.memory_space<vmem_shared>> -> memref<80x128xf32, #tpu.memory_space<vmem_shared>>
        tpu.wait_dma2 semaphore(%run_scoped3A : memref<!tpu.dma_semaphore, #tpu.memory_space<semaphore_mem>>) src(%dma_wait3A_126 : memref<80x128xf32, #tpu.memory_space<vmem_shared>>) dst(%dma_wait3A_124 : memref<80x128xf32, #tpu.memory_space<vmem>>)
        tpu.yield
      }) : () -> ()
      %mul3A_104 = arith.constant 10000 : i32
      %mul3A_105 = arith.muli %arg0, %mul3A_104 : i32
      %add3A_106 = arith.addi %mul3A_105, %add3A_103 : i32
      "tpu.region"() ({
        %run_scoped3A = tpu.sem_alloc : memref<!tpu.dma_semaphore, #tpu.memory_space<semaphore_mem>>
        %dma_start3A_108 = arith.constant 0 : i32
        %dma_start3A_109 = arith.constant 0 : i32
        %dma_start3A_110 = tpu.memref_slice %arg8[%dma_start3A_108, %dma_start3A_109] : memref<128x128xf32, #tpu.memory_space<vmem>> -> memref<80x128xf32, #tpu.memory_space<vmem>>
        %dma_start3A_111 = arith.constant 0 : i32
        %dma_start3A_112 = tpu.memref_slice %arg5[%add3A_106, %dma_start3A_111] : memref<20000x128xf32, #tpu.memory_space<hbm>> -> memref<80x128xf32, #tpu.memory_space<hbm>>
        %dma_start3A_113 = arith.constant 0 : i32
        %dma_start3A_114 = tpu.memref_slice %arg5[%add3A_106, %dma_start3A_113] : memref<20000x128xf32, #tpu.memory_space<hbm>> -> memref<80x128xf32, #tpu.memory_space<hbm>>
        %dma_start3A_115 = arith.constant 0 : i32
        %dma_start3A_116 = arith.constant 0 : i32
        %dma_start3A_117 = tpu.memref_slice %arg8[%dma_start3A_115, %dma_start3A_116] : memref<128x128xf32, #tpu.memory_space<vmem>> -> memref<80x128xf32, #tpu.memory_space<vmem>>
        tpu.enqueue_dma source(%dma_start3A_117 : memref<80x128xf32, #tpu.memory_space<vmem>>) target(%dma_start3A_114 : memref<80x128xf32, #tpu.memory_space<hbm>>) target_semaphore(%run_scoped3A : memref<!tpu.dma_semaphore, #tpu.memory_space<semaphore_mem>>)
        %dma_wait3A = arith.constant 0 : i32
        %dma_wait3A_118 = arith.constant 0 : i32
        %dma_wait3A_119 = tpu.memref_slice %arg8[%dma_wait3A, %dma_wait3A_118] : memref<128x128xf32, #tpu.memory_space<vmem>> -> memref<80x128xf32, #tpu.memory_space<vmem>>
        %dma_wait3A_120 = arith.constant 0 : i32
        %dma_wait3A_121 = tpu.memref_slice %arg5[%add3A_106, %dma_wait3A_120] : memref<20000x128xf32, #tpu.memory_space<hbm>> -> memref<80x128xf32, #tpu.memory_space<hbm>>
        %dma_wait3A_122 = arith.constant 0 : i32
        %dma_wait3A_123 = tpu.memref_slice %arg5[%add3A_106, %dma_wait3A_122] : memref<20000x128xf32, #tpu.memory_space<hbm>> -> memref<80x128xf32, #tpu.memory_space<hbm>>
        %dma_wait3A_124 = arith.constant 0 : i32
        %dma_wait3A_125 = arith.constant 0 : i32
        %dma_wait3A_126 = tpu.memref_slice %arg8[%dma_wait3A_124, %dma_wait3A_125] : memref<128x128xf32, #tpu.memory_space<vmem>> -> memref<80x128xf32, #tpu.memory_space<vmem>>
        tpu.wait_dma2 semaphore(%run_scoped3A : memref<!tpu.dma_semaphore, #tpu.memory_space<semaphore_mem>>) src(%dma_wait3A_126 : memref<80x128xf32, #tpu.memory_space<vmem>>) dst(%dma_wait3A_123 : memref<80x128xf32, #tpu.memory_space<hbm>>)
        tpu.yield
      }) : () -> ()
      %while3A_107 = arith.constant 0 : i32
      scf.yield %while3A_107 : i32
    }
    return
  }
}

#map = affine_map<(d0, d1) -> (0, 0)>
module attributes {stable_mosaic.version = 14 : i64} {
  func.func @_edges_body(%arg0: i32, %arg1: i32, %arg2: memref<2560x128xi32, #tpu.memory_space<hbm>>, %arg3: memref<2560x128xi32, #tpu.memory_space<hbm>>, %arg4: memref<10000x128xf32, #tpu.memory_space<hbm>>, %arg5: memref<20000x128xf32, #tpu.memory_space<hbm>>, %arg6: memref<40x128xi32, #tpu.memory_space<vmem>>, %arg7: memref<40x128xi32, #tpu.memory_space<vmem>>, %arg8: memref<128x128xf32, #tpu.memory_space<vmem>>, %arg9: memref<128x128xf32, #tpu.memory_space<vmem>>, %arg10: memref<10080x128xf32, #tpu.memory_space<vmem_shared>>, %arg11: memref<!tpu.dma_semaphore, #tpu.memory_space<semaphore_mem>>, %arg12: memref<!tpu.dma_semaphore, #tpu.memory_space<semaphore_mem>>) attributes {dimension_semantics = [#tpu.dimension_semantics<core_parallel>, #tpu.dimension_semantics<subcore_parallel>], iteration_bounds = array<i64: 2, 16>, scalar_prefetch = 0 : i64, scratch_operands = 7 : i64, tpu.core_type = #tpu.core_type<sc_vector_subcore>, window_params = [{transform_indices = #map}, {transform_indices = #map}, {transform_indices = #map}, {transform_indices = #map}]} {
    %mul3A = arith.constant 16 : i32
    %mul3A_0 = arith.muli %arg0, %mul3A : i32
    %add3A = arith.addi %mul3A_0, %arg1 : i32
    %scan3A = arith.constant 0 : i32
    %scan3A_1 = arith.constant 0 : i32
    %scan3A_2 = arith.constant 80 : i32
    %scan3A_3 = arith.addi %scan3A_1, %scan3A_2 : i32
    %scan3A_4 = arith.constant 1 : i32
    %scan3A_5 = scf.for %scan3A_99 = %scan3A_1 to %scan3A_3 step %scan3A_4 iter_args(%scan3A_100 = %scan3A) -> (i32)  : i32 {
      %broadcast_in_dim3A = arith.constant 0.000000e+00 : f32
      %broadcast_in_dim3A_101 = vector.broadcast %broadcast_in_dim3A : f32 to vector<16xf32>
      %swap3A = arith.index_cast %scan3A_99 : i32 to index
      %swap3A_102 = arith.constant 0 : index
      %swap3A_103 = tpu.vector_load %arg8[%swap3A, %swap3A_102] {strides = array<i32>} : memref<128x128xf32, #tpu.memory_space<vmem>>, vector<1x16xf32>,
      %swap3A_104 = vector.shape_cast %swap3A_103 : vector<1x16xf32> to vector<16xf32>
      %swap3A_105 = vector.shape_cast %broadcast_in_dim3A_101 : vector<16xf32> to vector<1x16xf32>
      tpu.vector_store %arg8[%swap3A, %swap3A_102], %swap3A_105 {strides = array<i32>} : memref<128x128xf32, #tpu.memory_space<vmem>>, vector<1x16xf32>,
      %broadcast_in_dim3A_106 = arith.constant 0.000000e+00 : f32
      %broadcast_in_dim3A_107 = vector.broadcast %broadcast_in_dim3A_106 : f32 to vector<16xf32>
      %swap3A_108 = arith.index_cast %scan3A_99 : i32 to index
      %swap3A_109 = arith.constant 16 : index
      %swap3A_110 = tpu.vector_load %arg8[%swap3A_108, %swap3A_109] {strides = array<i32>} : memref<128x128xf32, #tpu.memory_space<vmem>>, vector<1x16xf32>,
      %swap3A_111 = vector.shape_cast %swap3A_110 : vector<1x16xf32> to vector<16xf32>
      %swap3A_112 = vector.shape_cast %broadcast_in_dim3A_107 : vector<16xf32> to vector<1x16xf32>
      tpu.vector_store %arg8[%swap3A_108, %swap3A_109], %swap3A_112 {strides = array<i32>} : memref<128x128xf32, #tpu.memory_space<vmem>>, vector<1x16xf32>,
      %broadcast_in_dim3A_113 = arith.constant 0.000000e+00 : f32
      %broadcast_in_dim3A_114 = vector.broadcast %broadcast_in_dim3A_113 : f32 to vector<16xf32>
      %swap3A_115 = arith.index_cast %scan3A_99 : i32 to index
      %swap3A_116 = arith.constant 32 : index
      %swap3A_117 = tpu.vector_load %arg8[%swap3A_115, %swap3A_116] {strides = array<i32>} : memref<128x128xf32, #tpu.memory_space<vmem>>, vector<1x16xf32>,
      %swap3A_118 = vector.shape_cast %swap3A_117 : vector<1x16xf32> to vector<16xf32>
      %swap3A_119 = vector.shape_cast %broadcast_in_dim3A_114 : vector<16xf32> to vector<1x16xf32>
      tpu.vector_store %arg8[%swap3A_115, %swap3A_116], %swap3A_119 {strides = array<i32>} : memref<128x128xf32, #tpu.memory_space<vmem>>, vector<1x16xf32>,
      %broadcast_in_dim3A_120 = arith.constant 0.000000e+00 : f32
      %broadcast_in_dim3A_121 = vector.broadcast %broadcast_in_dim3A_120 : f32 to vector<16xf32>
      %swap3A_122 = arith.index_cast %scan3A_99 : i32 to index
      %swap3A_123 = arith.constant 48 : index
      %swap3A_124 = tpu.vector_load %arg8[%swap3A_122, %swap3A_123] {strides = array<i32>} : memref<128x128xf32, #tpu.memory_space<vmem>>, vector<1x16xf32>,
      %swap3A_125 = vector.shape_cast %swap3A_124 : vector<1x16xf32> to vector<16xf32>
      %swap3A_126 = vector.shape_cast %broadcast_in_dim3A_121 : vector<16xf32> to vector<1x16xf32>
      tpu.vector_store %arg8[%swap3A_122, %swap3A_123], %swap3A_126 {strides = array<i32>} : memref<128x128xf32, #tpu.memory_space<vmem>>, vector<1x16xf32>,
      %broadcast_in_dim3A_127 = arith.constant 0.000000e+00 : f32
      %broadcast_in_dim3A_128 = vector.broadcast %broadcast_in_dim3A_127 : f32 to vector<16xf32>
      %swap3A_129 = arith.index_cast %scan3A_99 : i32 to index
      %swap3A_130 = arith.constant 64 : index
      %swap3A_131 = tpu.vector_load %arg8[%swap3A_129, %swap3A_130] {strides = array<i32>} : memref<128x128xf32, #tpu.memory_space<vmem>>, vector<1x16xf32>,
      %swap3A_132 = vector.shape_cast %swap3A_131 : vector<1x16xf32> to vector<16xf32>
      %swap3A_133 = vector.shape_cast %broadcast_in_dim3A_128 : vector<16xf32> to vector<1x16xf32>
      tpu.vector_store %arg8[%swap3A_129, %swap3A_130], %swap3A_133 {strides = array<i32>} : memref<128x128xf32, #tpu.memory_space<vmem>>, vector<1x16xf32>,
      %broadcast_in_dim3A_134 = arith.constant 0.000000e+00 : f32
      %broadcast_in_dim3A_135 = vector.broadcast %broadcast_in_dim3A_134 : f32 to vector<16xf32>
      %swap3A_136 = arith.index_cast %scan3A_99 : i32 to index
      %swap3A_137 = arith.constant 80 : index
      %swap3A_138 = tpu.vector_load %arg8[%swap3A_136, %swap3A_137] {strides = array<i32>} : memref<128x128xf32, #tpu.memory_space<vmem>>, vector<1x16xf32>,
      %swap3A_139 = vector.shape_cast %swap3A_138 : vector<1x16xf32> to vector<16xf32>
      %swap3A_140 = vector.shape_cast %broadcast_in_dim3A_135 : vector<16xf32> to vector<1x16xf32>
      tpu.vector_store %arg8[%swap3A_136, %swap3A_137], %swap3A_140 {strides = array<i32>} : memref<128x128xf32, #tpu.memory_space<vmem>>, vector<1x16xf32>,
      %broadcast_in_dim3A_141 = arith.constant 0.000000e+00 : f32
      %broadcast_in_dim3A_142 = vector.broadcast %broadcast_in_dim3A_141 : f32 to vector<16xf32>
      %swap3A_143 = arith.index_cast %scan3A_99 : i32 to index
      %swap3A_144 = arith.constant 96 : index
      %swap3A_145 = tpu.vector_load %arg8[%swap3A_143, %swap3A_144] {strides = array<i32>} : memref<128x128xf32, #tpu.memory_space<vmem>>, vector<1x16xf32>,
      %swap3A_146 = vector.shape_cast %swap3A_145 : vector<1x16xf32> to vector<16xf32>
      %swap3A_147 = vector.shape_cast %broadcast_in_dim3A_142 : vector<16xf32> to vector<1x16xf32>
      tpu.vector_store %arg8[%swap3A_143, %swap3A_144], %swap3A_147 {strides = array<i32>} : memref<128x128xf32, #tpu.memory_space<vmem>>, vector<1x16xf32>,
      %broadcast_in_dim3A_148 = arith.constant 0.000000e+00 : f32
      %broadcast_in_dim3A_149 = vector.broadcast %broadcast_in_dim3A_148 : f32 to vector<16xf32>
      %swap3A_150 = arith.index_cast %scan3A_99 : i32 to index
      %swap3A_151 = arith.constant 112 : index
      %swap3A_152 = tpu.vector_load %arg8[%swap3A_150, %swap3A_151] {strides = array<i32>} : memref<128x128xf32, #tpu.memory_space<vmem>>, vector<1x16xf32>,
      %swap3A_153 = vector.shape_cast %swap3A_152 : vector<1x16xf32> to vector<16xf32>
      %swap3A_154 = vector.shape_cast %broadcast_in_dim3A_149 : vector<16xf32> to vector<1x16xf32>
      tpu.vector_store %arg8[%swap3A_150, %swap3A_151], %swap3A_154 {strides = array<i32>} : memref<128x128xf32, #tpu.memory_space<vmem>>, vector<1x16xf32>,
      %scan3A_155 = arith.constant 0 : i32
      scf.yield %scan3A_155 : i32
    }
    %scan3A_6 = arith.constant 80 : i32
    %mul3A_7 = arith.constant 640 : i32
    %mul3A_8 = arith.muli %arg1, %mul3A_7 : i32
    %eq3A = arith.constant 15 : i32
    %eq3A_9 = arith.cmpi eq, %arg1, %eq3A : i32
    %jit3A = arith.constant 6 : i32
    %jit3A_10 = arith.constant 8 : i32
    %select_n3A = arith.select %eq3A_9, %jit3A, %jit3A_10 : i32
    %while3A = arith.constant 0 : i32
    %while3A_11 = arith.constant 0 : i32
    %while3A_12 = arith.subi %select_n3A, %while3A : i32
    %while3A_13 = arith.addi %while3A, %while3A_12 : i32
    %while3A_14 = arith.constant 1 : i32
    %while3A_15 = arith.divsi %while3A_12, %while3A_14 : i32
    %while3A_16 = arith.muli %while3A_15, %while3A_14 : i32
    %while3A_17 = arith.addi %while3A, %while3A_16 : i32
    %while3A_18 = arith.constant 1 : i32
    %while3A_19 = scf.for %while3A_99 = %while3A to %while3A_17 step %while3A_18 iter_args(%while3A_100 = %while3A_11) -> (i32)  : i32 {
      %mul3A_101 = arith.constant 80 : i32
      %mul3A_102 = arith.muli %while3A_99, %mul3A_101 : i32
      %add3A_103 = arith.addi %mul3A_8, %mul3A_102 : i32
      "tpu.region"() ({
        %run_scoped3A = tpu.sem_alloc : memref<!tpu.dma_semaphore, #tpu.memory_space<semaphore_mem>>
        %dma_start3A_105 = arith.constant 0 : i32
        %dma_start3A_106 = arith.constant 0 : i32
        %dma_start3A_107 = tpu.memref_slice %arg8[%dma_start3A_105, %dma_start3A_106] : memref<128x128xf32, #tpu.memory_space<vmem>> -> memref<80x128xf32, #tpu.memory_space<vmem>>
        %dma_start3A_108 = arith.constant 0 : i32
        %dma_start3A_109 = tpu.memref_slice %arg10[%add3A_103, %dma_start3A_108] : memref<10080x128xf32, #tpu.memory_space<vmem_shared>> -> memref<80x128xf32, #tpu.memory_space<vmem_shared>>
        %dma_start3A_110 = arith.constant 0 : i32
        %dma_start3A_111 = tpu.memref_slice %arg10[%add3A_103, %dma_start3A_110] : memref<10080x128xf32, #tpu.memory_space<vmem_shared>> -> memref<80x128xf32, #tpu.memory_space<vmem_shared>>
        %dma_start3A_112 = arith.constant 0 : i32
        %dma_start3A_113 = arith.constant 0 : i32
        %dma_start3A_114 = tpu.memref_slice %arg8[%dma_start3A_112, %dma_start3A_113] : memref<128x128xf32, #tpu.memory_space<vmem>> -> memref<80x128xf32, #tpu.memory_space<vmem>>
        tpu.enqueue_dma source(%dma_start3A_114 : memref<80x128xf32, #tpu.memory_space<vmem>>) target(%dma_start3A_111 : memref<80x128xf32, #tpu.memory_space<vmem_shared>>) target_semaphore(%run_scoped3A : memref<!tpu.dma_semaphore, #tpu.memory_space<semaphore_mem>>)
        %dma_wait3A = arith.constant 0 : i32
        %dma_wait3A_115 = arith.constant 0 : i32
        %dma_wait3A_116 = tpu.memref_slice %arg8[%dma_wait3A, %dma_wait3A_115] : memref<128x128xf32, #tpu.memory_space<vmem>> -> memref<80x128xf32, #tpu.memory_space<vmem>>
        %dma_wait3A_117 = arith.constant 0 : i32
        %dma_wait3A_118 = tpu.memref_slice %arg10[%add3A_103, %dma_wait3A_117] : memref<10080x128xf32, #tpu.memory_space<vmem_shared>> -> memref<80x128xf32, #tpu.memory_space<vmem_shared>>
        %dma_wait3A_119 = arith.constant 0 : i32
        %dma_wait3A_120 = tpu.memref_slice %arg10[%add3A_103, %dma_wait3A_119] : memref<10080x128xf32, #tpu.memory_space<vmem_shared>> -> memref<80x128xf32, #tpu.memory_space<vmem_shared>>
        %dma_wait3A_121 = arith.constant 0 : i32
        %dma_wait3A_122 = arith.constant 0 : i32
        %dma_wait3A_123 = tpu.memref_slice %arg8[%dma_wait3A_121, %dma_wait3A_122] : memref<128x128xf32, #tpu.memory_space<vmem>> -> memref<80x128xf32, #tpu.memory_space<vmem>>
        tpu.wait_dma2 semaphore(%run_scoped3A : memref<!tpu.dma_semaphore, #tpu.memory_space<semaphore_mem>>) src(%dma_wait3A_123 : memref<80x128xf32, #tpu.memory_space<vmem>>) dst(%dma_wait3A_120 : memref<80x128xf32, #tpu.memory_space<vmem_shared>>)
        tpu.yield
      }) : () -> ()
      %while3A_104 = arith.constant 0 : i32
      scf.yield %while3A_104 : i32
    }
    %while3A_20 = arith.constant 1 : i32
    %while3A_21 = scf.for %while3A_99 = %while3A_17 to %while3A_13 step %while3A_20 iter_args(%while3A_100 = %while3A_19) -> (i32)  : i32 {
      %mul3A_101 = arith.constant 80 : i32
      %mul3A_102 = arith.muli %while3A_99, %mul3A_101 : i32
      %add3A_103 = arith.addi %mul3A_8, %mul3A_102 : i32
      "tpu.region"() ({
        %run_scoped3A = tpu.sem_alloc : memref<!tpu.dma_semaphore, #tpu.memory_space<semaphore_mem>>
        %dma_start3A_105 = arith.constant 0 : i32
        %dma_start3A_106 = arith.constant 0 : i32
        %dma_start3A_107 = tpu.memref_slice %arg8[%dma_start3A_105, %dma_start3A_106] : memref<128x128xf32, #tpu.memory_space<vmem>> -> memref<80x128xf32, #tpu.memory_space<vmem>>
        %dma_start3A_108 = arith.constant 0 : i32
        %dma_start3A_109 = tpu.memref_slice %arg10[%add3A_103, %dma_start3A_108] : memref<10080x128xf32, #tpu.memory_space<vmem_shared>> -> memref<80x128xf32, #tpu.memory_space<vmem_shared>>
        %dma_start3A_110 = arith.constant 0 : i32
        %dma_start3A_111 = tpu.memref_slice %arg10[%add3A_103, %dma_start3A_110] : memref<10080x128xf32, #tpu.memory_space<vmem_shared>> -> memref<80x128xf32, #tpu.memory_space<vmem_shared>>
        %dma_start3A_112 = arith.constant 0 : i32
        %dma_start3A_113 = arith.constant 0 : i32
        %dma_start3A_114 = tpu.memref_slice %arg8[%dma_start3A_112, %dma_start3A_113] : memref<128x128xf32, #tpu.memory_space<vmem>> -> memref<80x128xf32, #tpu.memory_space<vmem>>
        tpu.enqueue_dma source(%dma_start3A_114 : memref<80x128xf32, #tpu.memory_space<vmem>>) target(%dma_start3A_111 : memref<80x128xf32, #tpu.memory_space<vmem_shared>>) target_semaphore(%run_scoped3A : memref<!tpu.dma_semaphore, #tpu.memory_space<semaphore_mem>>)
        %dma_wait3A = arith.constant 0 : i32
        %dma_wait3A_115 = arith.constant 0 : i32
        %dma_wait3A_116 = tpu.memref_slice %arg8[%dma_wait3A, %dma_wait3A_115] : memref<128x128xf32, #tpu.memory_space<vmem>> -> memref<80x128xf32, #tpu.memory_space<vmem>>
        %dma_wait3A_117 = arith.constant 0 : i32
        %dma_wait3A_118 = tpu.memref_slice %arg10[%add3A_103, %dma_wait3A_117] : memref<10080x128xf32, #tpu.memory_space<vmem_shared>> -> memref<80x128xf32, #tpu.memory_space<vmem_shared>>
        %dma_wait3A_119 = arith.constant 0 : i32
        %dma_wait3A_120 = tpu.memref_slice %arg10[%add3A_103, %dma_wait3A_119] : memref<10080x128xf32, #tpu.memory_space<vmem_shared>> -> memref<80x128xf32, #tpu.memory_space<vmem_shared>>
        %dma_wait3A_121 = arith.constant 0 : i32
        %dma_wait3A_122 = arith.constant 0 : i32
        %dma_wait3A_123 = tpu.memref_slice %arg8[%dma_wait3A_121, %dma_wait3A_122] : memref<128x128xf32, #tpu.memory_space<vmem>> -> memref<80x128xf32, #tpu.memory_space<vmem>>
        tpu.wait_dma2 semaphore(%run_scoped3A : memref<!tpu.dma_semaphore, #tpu.memory_space<semaphore_mem>>) src(%dma_wait3A_123 : memref<80x128xf32, #tpu.memory_space<vmem>>) dst(%dma_wait3A_120 : memref<80x128xf32, #tpu.memory_space<vmem_shared>>)
        tpu.yield
      }) : () -> ()
      %while3A_104 = arith.constant 0 : i32
      scf.yield %while3A_104 : i32
    }
    %barrier3A = arith.constant 0 : index
    tpu.barrier barrier_id(%barrier3A)
    %mul3A_22 = arith.constant 80 : i32
    %mul3A_23 = arith.muli %add3A, %mul3A_22 : i32
    %add3A_24 = arith.constant 0 : i32
    %add3A_25 = arith.addi %mul3A_23, %add3A_24 : i32
    "tpu.region"() ({
      %run_scoped3A = tpu.sem_alloc : memref<!tpu.dma_semaphore, #tpu.memory_space<semaphore_mem>>
      %dma_start3A_99 = arith.constant 0 : i32
      %dma_start3A_100 = tpu.memref_slice %arg2[%add3A_25, %dma_start3A_99] : memref<2560x128xi32, #tpu.memory_space<hbm>> -> memref<40x128xi32, #tpu.memory_space<hbm>>
      %dma_start3A_101 = arith.constant 0 : i32
      %dma_start3A_102 = tpu.memref_slice %arg2[%add3A_25, %dma_start3A_101] : memref<2560x128xi32, #tpu.memory_space<hbm>> -> memref<40x128xi32, #tpu.memory_space<hbm>>
      tpu.enqueue_dma source(%dma_start3A_102 : memref<40x128xi32, #tpu.memory_space<hbm>>) target(%arg6 : memref<40x128xi32, #tpu.memory_space<vmem>>) target_semaphore(%run_scoped3A : memref<!tpu.dma_semaphore, #tpu.memory_space<semaphore_mem>>)
      %dma_wait3A = arith.constant 0 : i32
      %dma_wait3A_103 = tpu.memref_slice %arg2[%add3A_25, %dma_wait3A] : memref<2560x128xi32, #tpu.memory_space<hbm>> -> memref<40x128xi32, #tpu.memory_space<hbm>>
      %dma_wait3A_104 = arith.constant 0 : i32
      %dma_wait3A_105 = tpu.memref_slice %arg2[%add3A_25, %dma_wait3A_104] : memref<2560x128xi32, #tpu.memory_space<hbm>> -> memref<40x128xi32, #tpu.memory_space<hbm>>
      tpu.wait_dma2 semaphore(%run_scoped3A : memref<!tpu.dma_semaphore, #tpu.memory_space<semaphore_mem>>) src(%dma_wait3A_105 : memref<40x128xi32, #tpu.memory_space<hbm>>) dst(%arg6 : memref<40x128xi32, #tpu.memory_space<vmem>>)
      tpu.yield
    }) : () -> ()
    %mul3A_26 = arith.constant 80 : i32
    %mul3A_27 = arith.muli %add3A, %mul3A_26 : i32
    %add3A_28 = arith.constant 0 : i32
    %add3A_29 = arith.addi %mul3A_27, %add3A_28 : i32
    "tpu.region"() ({
      %run_scoped3A = tpu.sem_alloc : memref<!tpu.dma_semaphore, #tpu.memory_space<semaphore_mem>>
      %dma_start3A_99 = arith.constant 0 : i32
      %dma_start3A_100 = tpu.memref_slice %arg3[%add3A_29, %dma_start3A_99] : memref<2560x128xi32, #tpu.memory_space<hbm>> -> memref<40x128xi32, #tpu.memory_space<hbm>>
      %dma_start3A_101 = arith.constant 0 : i32
      %dma_start3A_102 = tpu.memref_slice %arg3[%add3A_29, %dma_start3A_101] : memref<2560x128xi32, #tpu.memory_space<hbm>> -> memref<40x128xi32, #tpu.memory_space<hbm>>
      tpu.enqueue_dma source(%dma_start3A_102 : memref<40x128xi32, #tpu.memory_space<hbm>>) target(%arg7 : memref<40x128xi32, #tpu.memory_space<vmem>>) target_semaphore(%run_scoped3A : memref<!tpu.dma_semaphore, #tpu.memory_space<semaphore_mem>>)
      %dma_wait3A = arith.constant 0 : i32
      %dma_wait3A_103 = tpu.memref_slice %arg3[%add3A_29, %dma_wait3A] : memref<2560x128xi32, #tpu.memory_space<hbm>> -> memref<40x128xi32, #tpu.memory_space<hbm>>
      %dma_wait3A_104 = arith.constant 0 : i32
      %dma_wait3A_105 = tpu.memref_slice %arg3[%add3A_29, %dma_wait3A_104] : memref<2560x128xi32, #tpu.memory_space<hbm>> -> memref<40x128xi32, #tpu.memory_space<hbm>>
      tpu.wait_dma2 semaphore(%run_scoped3A : memref<!tpu.dma_semaphore, #tpu.memory_space<semaphore_mem>>) src(%dma_wait3A_105 : memref<40x128xi32, #tpu.memory_space<hbm>>) dst(%arg7 : memref<40x128xi32, #tpu.memory_space<vmem>>)
      tpu.yield
    }) : () -> ()
    %dma_start3A = arith.constant 0 : i32
    %dma_start3A_30 = arith.constant 0 : i32
    %dma_start3A_31 = tpu.memref_slice %arg6[%dma_start3A, %dma_start3A_30] : memref<40x128xi32, #tpu.memory_space<vmem>> -> memref<1x128xi32, #tpu.memory_space<vmem>>
    %dma_start3A_32 = tpu.memref_squeeze %dma_start3A_31 : memref<1x128xi32, #tpu.memory_space<vmem>> -> memref<128xi32, #tpu.memory_space<vmem>>
    %dma_start3A_33 = arith.constant 0 : i32
    %dma_start3A_34 = arith.constant 0 : i32
    %dma_start3A_35 = tpu.memref_slice %arg4[%dma_start3A_33, %dma_start3A_34] : memref<10000x128xf32, #tpu.memory_space<hbm>> -> memref<10000x128xf32, #tpu.memory_space<hbm>>
    tpu.enqueue_indirect_dma source(%dma_start3A_35 : memref<10000x128xf32, #tpu.memory_space<hbm>>) target(%arg8 : memref<128x128xf32, #tpu.memory_space<vmem>>) offsets(%dma_start3A_32 : memref<128xi32, #tpu.memory_space<vmem>>) semaphore(%arg11 : memref<!tpu.dma_semaphore, #tpu.memory_space<semaphore_mem>>)
    %dma_start3A_36 = arith.constant 1 : i32
    %dma_start3A_37 = arith.constant 0 : i32
    %dma_start3A_38 = tpu.memref_slice %arg6[%dma_start3A_36, %dma_start3A_37] : memref<40x128xi32, #tpu.memory_space<vmem>> -> memref<1x128xi32, #tpu.memory_space<vmem>>
    %dma_start3A_39 = tpu.memref_squeeze %dma_start3A_38 : memref<1x128xi32, #tpu.memory_space<vmem>> -> memref<128xi32, #tpu.memory_space<vmem>>
    %dma_start3A_40 = arith.constant 0 : i32
    %dma_start3A_41 = arith.constant 0 : i32
    %dma_start3A_42 = tpu.memref_slice %arg4[%dma_start3A_40, %dma_start3A_41] : memref<10000x128xf32, #tpu.memory_space<hbm>> -> memref<10000x128xf32, #tpu.memory_space<hbm>>
    tpu.enqueue_indirect_dma source(%dma_start3A_42 : memref<10000x128xf32, #tpu.memory_space<hbm>>) target(%arg9 : memref<128x128xf32, #tpu.memory_space<vmem>>) offsets(%dma_start3A_39 : memref<128xi32, #tpu.memory_space<vmem>>) semaphore(%arg12 : memref<!tpu.dma_semaphore, #tpu.memory_space<semaphore_mem>>)
    %scan3A_43 = arith.constant 0 : i32
    %scan3A_44 = arith.constant 0 : i32
    %scan3A_45 = arith.constant 20 : i32
    %scan3A_46 = arith.addi %scan3A_44, %scan3A_45 : i32
    %scan3A_47 = arith.constant 1 : i32
    %scan3A_48 = scf.for %scan3A_99 = %scan3A_44 to %scan3A_46 step %scan3A_47 iter_args(%scan3A_100 = %scan3A_43) -> (i32)  : i32 {
      %mul3A_101 = arith.constant 2 : i32
      %mul3A_102 = arith.muli %mul3A_101, %scan3A_99 : i32
      %add3A_103 = arith.constant 1 : i32
      %add3A_104 = arith.addi %mul3A_102, %add3A_103 : i32
      %dma_wait3A = arith.constant 0 : i32
      %dma_wait3A_105 = arith.constant 0 : i32
      %dma_wait3A_106 = tpu.memref_slice %arg6[%dma_wait3A, %dma_wait3A_105] : memref<40x128xi32, #tpu.memory_space<vmem>> -> memref<1x128xi32, #tpu.memory_space<vmem>>
      %dma_wait3A_107 = tpu.memref_squeeze %dma_wait3A_106 : memref<1x128xi32, #tpu.memory_space<vmem>> -> memref<128xi32, #tpu.memory_space<vmem>>
      %dma_wait3A_108 = arith.constant 0 : i32
      %dma_wait3A_109 = arith.constant 0 : i32
      %dma_wait3A_110 = tpu.memref_slice %arg4[%dma_wait3A_108, %dma_wait3A_109] : memref<10000x128xf32, #tpu.memory_space<hbm>> -> memref<10000x128xf32, #tpu.memory_space<hbm>>
      tpu.wait_indirect_dma semaphore(%arg11 : memref<!tpu.dma_semaphore, #tpu.memory_space<semaphore_mem>>) src(%dma_wait3A_110 : memref<10000x128xf32, #tpu.memory_space<hbm>>) dst(%arg8 : memref<128x128xf32, #tpu.memory_space<vmem>>)
      "tpu.region"() ({
        %run_scoped3A = tpu.sem_alloc : memref<!tpu.dma_semaphore, #tpu.memory_space<semaphore_mem>>
        %dma_start3A_130 = arith.constant 0 : i32
        %dma_start3A_131 = tpu.memref_slice %arg7[%mul3A_102, %dma_start3A_130] : memref<40x128xi32, #tpu.memory_space<vmem>> -> memref<1x128xi32, #tpu.memory_space<vmem>>
        %dma_start3A_132 = tpu.memref_squeeze %dma_start3A_131 : memref<1x128xi32, #tpu.memory_space<vmem>> -> memref<128xi32, #tpu.memory_space<vmem>>
        %dma_start3A_133 = arith.constant 0 : i32
        %dma_start3A_134 = arith.constant 0 : i32
        %dma_start3A_135 = tpu.memref_slice %arg10[%dma_start3A_133, %dma_start3A_134] : memref<10080x128xf32, #tpu.memory_space<vmem_shared>> -> memref<10080x128xf32, #tpu.memory_space<vmem_shared>>
        tpu.enqueue_indirect_dma source(%arg8 : memref<128x128xf32, #tpu.memory_space<vmem>>) target(%dma_start3A_135 : memref<10080x128xf32, #tpu.memory_space<vmem_shared>>) offsets(%dma_start3A_132 : memref<128xi32, #tpu.memory_space<vmem>>) semaphore(%run_scoped3A : memref<!tpu.dma_semaphore, #tpu.memory_space<semaphore_mem>>) {add = true}
        %dma_wait3A_136 = arith.constant 0 : i32
        %dma_wait3A_137 = tpu.memref_slice %arg7[%mul3A_102, %dma_wait3A_136] : memref<40x128xi32, #tpu.memory_space<vmem>> -> memref<1x128xi32, #tpu.memory_space<vmem>>
        %dma_wait3A_138 = tpu.memref_squeeze %dma_wait3A_137 : memref<1x128xi32, #tpu.memory_space<vmem>> -> memref<128xi32, #tpu.memory_space<vmem>>
        %dma_wait3A_139 = arith.constant 0 : i32
        %dma_wait3A_140 = arith.constant 0 : i32
        %dma_wait3A_141 = tpu.memref_slice %arg10[%dma_wait3A_139, %dma_wait3A_140] : memref<10080x128xf32, #tpu.memory_space<vmem_shared>> -> memref<10080x128xf32, #tpu.memory_space<vmem_shared>>
        tpu.wait_indirect_dma semaphore(%run_scoped3A : memref<!tpu.dma_semaphore, #tpu.memory_space<semaphore_mem>>) src(%arg8 : memref<128x128xf32, #tpu.memory_space<vmem>>) dst(%dma_wait3A_141 : memref<10080x128xf32, #tpu.memory_space<vmem_shared>>)
        tpu.yield
      }) : () -> ()
      %add3A_111 = arith.constant 2 : i32
      %add3A_112 = arith.addi %mul3A_102, %add3A_111 : i32
      %lt3A = arith.constant 40 : i32
      %lt3A_113 = arith.cmpi slt, %add3A_112, %lt3A : i32
      %convert_element_type3A = arith.extui %lt3A_113 : i1 to i32
      %cond3A = arith.constant 0 : i32
      %cond3A_114 = arith.cmpi ne, %convert_element_type3A, %cond3A : i32
      scf.if %cond3A_114 {
        %add3A_130 = arith.constant 2 : i32
        %add3A_131 = arith.addi %mul3A_102, %add3A_130 : i32
        %dma_start3A_132 = arith.constant 0 : i32
        %dma_start3A_133 = tpu.memref_slice %arg6[%add3A_131, %dma_start3A_132] : memref<40x128xi32, #tpu.memory_space<vmem>> -> memref<1x128xi32, #tpu.memory_space<vmem>>
        %dma_start3A_134 = tpu.memref_squeeze %dma_start3A_133 : memref<1x128xi32, #tpu.memory_space<vmem>> -> memref<128xi32, #tpu.memory_space<vmem>>
        %dma_start3A_135 = arith.constant 0 : i32
        %dma_start3A_136 = arith.constant 0 : i32
        %dma_start3A_137 = tpu.memref_slice %arg4[%dma_start3A_135, %dma_start3A_136] : memref<10000x128xf32, #tpu.memory_space<hbm>> -> memref<10000x128xf32, #tpu.memory_space<hbm>>
        tpu.enqueue_indirect_dma source(%dma_start3A_137 : memref<10000x128xf32, #tpu.memory_space<hbm>>) target(%arg8 : memref<128x128xf32, #tpu.memory_space<vmem>>) offsets(%dma_start3A_134 : memref<128xi32, #tpu.memory_space<vmem>>) semaphore(%arg11 : memref<!tpu.dma_semaphore, #tpu.memory_space<semaphore_mem>>)
      } else {
      }
      %dma_wait3A_115 = arith.constant 1 : i32
      %dma_wait3A_116 = arith.constant 0 : i32
      %dma_wait3A_117 = tpu.memref_slice %arg6[%dma_wait3A_115, %dma_wait3A_116] : memref<40x128xi32, #tpu.memory_space<vmem>> -> memref<1x128xi32, #tpu.memory_space<vmem>>
      %dma_wait3A_118 = tpu.memref_squeeze %dma_wait3A_117 : memref<1x128xi32, #tpu.memory_space<vmem>> -> memref<128xi32, #tpu.memory_space<vmem>>
      %dma_wait3A_119 = arith.constant 0 : i32
      %dma_wait3A_120 = arith.constant 0 : i32
      %dma_wait3A_121 = tpu.memref_slice %arg4[%dma_wait3A_119, %dma_wait3A_120] : memref<10000x128xf32, #tpu.memory_space<hbm>> -> memref<10000x128xf32, #tpu.memory_space<hbm>>
      tpu.wait_indirect_dma semaphore(%arg12 : memref<!tpu.dma_semaphore, #tpu.memory_space<semaphore_mem>>) src(%dma_wait3A_121 : memref<10000x128xf32, #tpu.memory_space<hbm>>) dst(%arg9 : memref<128x128xf32, #tpu.memory_space<vmem>>)
      "tpu.region"() ({
        %run_scoped3A = tpu.sem_alloc : memref<!tpu.dma_semaphore, #tpu.memory_space<semaphore_mem>>
        %dma_start3A_130 = arith.constant 0 : i32
        %dma_start3A_131 = tpu.memref_slice %arg7[%add3A_104, %dma_start3A_130] : memref<40x128xi32, #tpu.memory_space<vmem>> -> memref<1x128xi32, #tpu.memory_space<vmem>>
        %dma_start3A_132 = tpu.memref_squeeze %dma_start3A_131 : memref<1x128xi32, #tpu.memory_space<vmem>> -> memref<128xi32, #tpu.memory_space<vmem>>
        %dma_start3A_133 = arith.constant 0 : i32
        %dma_start3A_134 = arith.constant 0 : i32
        %dma_start3A_135 = tpu.memref_slice %arg10[%dma_start3A_133, %dma_start3A_134] : memref<10080x128xf32, #tpu.memory_space<vmem_shared>> -> memref<10080x128xf32, #tpu.memory_space<vmem_shared>>
        tpu.enqueue_indirect_dma source(%arg9 : memref<128x128xf32, #tpu.memory_space<vmem>>) target(%dma_start3A_135 : memref<10080x128xf32, #tpu.memory_space<vmem_shared>>) offsets(%dma_start3A_132 : memref<128xi32, #tpu.memory_space<vmem>>) semaphore(%run_scoped3A : memref<!tpu.dma_semaphore, #tpu.memory_space<semaphore_mem>>) {add = true}
        %dma_wait3A_136 = arith.constant 0 : i32
        %dma_wait3A_137 = tpu.memref_slice %arg7[%add3A_104, %dma_wait3A_136] : memref<40x128xi32, #tpu.memory_space<vmem>> -> memref<1x128xi32, #tpu.memory_space<vmem>>
        %dma_wait3A_138 = tpu.memref_squeeze %dma_wait3A_137 : memref<1x128xi32, #tpu.memory_space<vmem>> -> memref<128xi32, #tpu.memory_space<vmem>>
        %dma_wait3A_139 = arith.constant 0 : i32
        %dma_wait3A_140 = arith.constant 0 : i32
        %dma_wait3A_141 = tpu.memref_slice %arg10[%dma_wait3A_139, %dma_wait3A_140] : memref<10080x128xf32, #tpu.memory_space<vmem_shared>> -> memref<10080x128xf32, #tpu.memory_space<vmem_shared>>
        tpu.wait_indirect_dma semaphore(%run_scoped3A : memref<!tpu.dma_semaphore, #tpu.memory_space<semaphore_mem>>) src(%arg9 : memref<128x128xf32, #tpu.memory_space<vmem>>) dst(%dma_wait3A_141 : memref<10080x128xf32, #tpu.memory_space<vmem_shared>>)
        tpu.yield
      }) : () -> ()
      %add3A_122 = arith.constant 2 : i32
      %add3A_123 = arith.addi %add3A_104, %add3A_122 : i32
      %lt3A_124 = arith.constant 40 : i32
      %lt3A_125 = arith.cmpi slt, %add3A_123, %lt3A_124 : i32
      %convert_element_type3A_126 = arith.extui %lt3A_125 : i1 to i32
      %cond3A_127 = arith.constant 0 : i32
      %cond3A_128 = arith.cmpi ne, %convert_element_type3A_126, %cond3A_127 : i32
      scf.if %cond3A_128 {
        %add3A_130 = arith.constant 2 : i32
        %add3A_131 = arith.addi %add3A_104, %add3A_130 : i32
        %dma_start3A_132 = arith.constant 0 : i32
        %dma_start3A_133 = tpu.memref_slice %arg6[%add3A_131, %dma_start3A_132] : memref<40x128xi32, #tpu.memory_space<vmem>> -> memref<1x128xi32, #tpu.memory_space<vmem>>
        %dma_start3A_134 = tpu.memref_squeeze %dma_start3A_133 : memref<1x128xi32, #tpu.memory_space<vmem>> -> memref<128xi32, #tpu.memory_space<vmem>>
        %dma_start3A_135 = arith.constant 0 : i32
        %dma_start3A_136 = arith.constant 0 : i32
        %dma_start3A_137 = tpu.memref_slice %arg4[%dma_start3A_135, %dma_start3A_136] : memref<10000x128xf32, #tpu.memory_space<hbm>> -> memref<10000x128xf32, #tpu.memory_space<hbm>>
        tpu.enqueue_indirect_dma source(%dma_start3A_137 : memref<10000x128xf32, #tpu.memory_space<hbm>>) target(%arg9 : memref<128x128xf32, #tpu.memory_space<vmem>>) offsets(%dma_start3A_134 : memref<128xi32, #tpu.memory_space<vmem>>) semaphore(%arg12 : memref<!tpu.dma_semaphore, #tpu.memory_space<semaphore_mem>>)
      } else {
      }
      %scan3A_129 = arith.constant 0 : i32
      scf.yield %scan3A_129 : i32
    }
    %scan3A_49 = arith.constant 20 : i32
    %mul3A_50 = arith.constant 80 : i32
    %mul3A_51 = arith.muli %add3A, %mul3A_50 : i32
    %add3A_52 = arith.constant 40 : i32
    %add3A_53 = arith.addi %mul3A_51, %add3A_52 : i32
    "tpu.region"() ({
      %run_scoped3A = tpu.sem_alloc : memref<!tpu.dma_semaphore, #tpu.memory_space<semaphore_mem>>
      %dma_start3A_99 = arith.constant 0 : i32
      %dma_start3A_100 = tpu.memref_slice %arg2[%add3A_53, %dma_start3A_99] : memref<2560x128xi32, #tpu.memory_space<hbm>> -> memref<40x128xi32, #tpu.memory_space<hbm>>
      %dma_start3A_101 = arith.constant 0 : i32
      %dma_start3A_102 = tpu.memref_slice %arg2[%add3A_53, %dma_start3A_101] : memref<2560x128xi32, #tpu.memory_space<hbm>> -> memref<40x128xi32, #tpu.memory_space<hbm>>
      tpu.enqueue_dma source(%dma_start3A_102 : memref<40x128xi32, #tpu.memory_space<hbm>>) target(%arg6 : memref<40x128xi32, #tpu.memory_space<vmem>>) target_semaphore(%run_scoped3A : memref<!tpu.dma_semaphore, #tpu.memory_space<semaphore_mem>>)
      %dma_wait3A = arith.constant 0 : i32
      %dma_wait3A_103 = tpu.memref_slice %arg2[%add3A_53, %dma_wait3A] : memref<2560x128xi32, #tpu.memory_space<hbm>> -> memref<40x128xi32, #tpu.memory_space<hbm>>
      %dma_wait3A_104 = arith.constant 0 : i32
      %dma_wait3A_105 = tpu.memref_slice %arg2[%add3A_53, %dma_wait3A_104] : memref<2560x128xi32, #tpu.memory_space<hbm>> -> memref<40x128xi32, #tpu.memory_space<hbm>>
      tpu.wait_dma2 semaphore(%run_scoped3A : memref<!tpu.dma_semaphore, #tpu.memory_space<semaphore_mem>>) src(%dma_wait3A_105 : memref<40x128xi32, #tpu.memory_space<hbm>>) dst(%arg6 : memref<40x128xi32, #tpu.memory_space<vmem>>)
      tpu.yield
    }) : () -> ()
    %mul3A_54 = arith.constant 80 : i32
    %mul3A_55 = arith.muli %add3A, %mul3A_54 : i32
    %add3A_56 = arith.constant 40 : i32
    %add3A_57 = arith.addi %mul3A_55, %add3A_56 : i32
    "tpu.region"() ({
      %run_scoped3A = tpu.sem_alloc : memref<!tpu.dma_semaphore, #tpu.memory_space<semaphore_mem>>
      %dma_start3A_99 = arith.constant 0 : i32
      %dma_start3A_100 = tpu.memref_slice %arg3[%add3A_57, %dma_start3A_99] : memref<2560x128xi32, #tpu.memory_space<hbm>> -> memref<40x128xi32, #tpu.memory_space<hbm>>
      %dma_start3A_101 = arith.constant 0 : i32
      %dma_start3A_102 = tpu.memref_slice %arg3[%add3A_57, %dma_start3A_101] : memref<2560x128xi32, #tpu.memory_space<hbm>> -> memref<40x128xi32, #tpu.memory_space<hbm>>
      tpu.enqueue_dma source(%dma_start3A_102 : memref<40x128xi32, #tpu.memory_space<hbm>>) target(%arg7 : memref<40x128xi32, #tpu.memory_space<vmem>>) target_semaphore(%run_scoped3A : memref<!tpu.dma_semaphore, #tpu.memory_space<semaphore_mem>>)
      %dma_wait3A = arith.constant 0 : i32
      %dma_wait3A_103 = tpu.memref_slice %arg3[%add3A_57, %dma_wait3A] : memref<2560x128xi32, #tpu.memory_space<hbm>> -> memref<40x128xi32, #tpu.memory_space<hbm>>
      %dma_wait3A_104 = arith.constant 0 : i32
      %dma_wait3A_105 = tpu.memref_slice %arg3[%add3A_57, %dma_wait3A_104] : memref<2560x128xi32, #tpu.memory_space<hbm>> -> memref<40x128xi32, #tpu.memory_space<hbm>>
      tpu.wait_dma2 semaphore(%run_scoped3A : memref<!tpu.dma_semaphore, #tpu.memory_space<semaphore_mem>>) src(%dma_wait3A_105 : memref<40x128xi32, #tpu.memory_space<hbm>>) dst(%arg7 : memref<40x128xi32, #tpu.memory_space<vmem>>)
      tpu.yield
    }) : () -> ()
    %dma_start3A_58 = arith.constant 0 : i32
    %dma_start3A_59 = arith.constant 0 : i32
    %dma_start3A_60 = tpu.memref_slice %arg6[%dma_start3A_58, %dma_start3A_59] : memref<40x128xi32, #tpu.memory_space<vmem>> -> memref<1x128xi32, #tpu.memory_space<vmem>>
    %dma_start3A_61 = tpu.memref_squeeze %dma_start3A_60 : memref<1x128xi32, #tpu.memory_space<vmem>> -> memref<128xi32, #tpu.memory_space<vmem>>
    %dma_start3A_62 = arith.constant 0 : i32
    %dma_start3A_63 = arith.constant 0 : i32
    %dma_start3A_64 = tpu.memref_slice %arg4[%dma_start3A_62, %dma_start3A_63] : memref<10000x128xf32, #tpu.memory_space<hbm>> -> memref<10000x128xf32, #tpu.memory_space<hbm>>
    tpu.enqueue_indirect_dma source(%dma_start3A_64 : memref<10000x128xf32, #tpu.memory_space<hbm>>) target(%arg8 : memref<128x128xf32, #tpu.memory_space<vmem>>) offsets(%dma_start3A_61 : memref<128xi32, #tpu.memory_space<vmem>>) semaphore(%arg11 : memref<!tpu.dma_semaphore, #tpu.memory_space<semaphore_mem>>)
    %dma_start3A_65 = arith.constant 1 : i32
    %dma_start3A_66 = arith.constant 0 : i32
    %dma_start3A_67 = tpu.memref_slice %arg6[%dma_start3A_65, %dma_start3A_66] : memref<40x128xi32, #tpu.memory_space<vmem>> -> memref<1x128xi32, #tpu.memory_space<vmem>>
    %dma_start3A_68 = tpu.memref_squeeze %dma_start3A_67 : memref<1x128xi32, #tpu.memory_space<vmem>> -> memref<128xi32, #tpu.memory_space<vmem>>
    %dma_start3A_69 = arith.constant 0 : i32
    %dma_start3A_70 = arith.constant 0 : i32
    %dma_start3A_71 = tpu.memref_slice %arg4[%dma_start3A_69, %dma_start3A_70] : memref<10000x128xf32, #tpu.memory_space<hbm>> -> memref<10000x128xf32, #tpu.memory_space<hbm>>
    tpu.enqueue_indirect_dma source(%dma_start3A_71 : memref<10000x128xf32, #tpu.memory_space<hbm>>) target(%arg9 : memref<128x128xf32, #tpu.memory_space<vmem>>) offsets(%dma_start3A_68 : memref<128xi32, #tpu.memory_space<vmem>>) semaphore(%arg12 : memref<!tpu.dma_semaphore, #tpu.memory_space<semaphore_mem>>)
    %scan3A_72 = arith.constant 0 : i32
    %scan3A_73 = arith.constant 0 : i32
    %scan3A_74 = arith.constant 20 : i32
    %scan3A_75 = arith.addi %scan3A_73, %scan3A_74 : i32
    %scan3A_76 = arith.constant 1 : i32
    %scan3A_77 = scf.for %scan3A_99 = %scan3A_73 to %scan3A_75 step %scan3A_76 iter_args(%scan3A_100 = %scan3A_72) -> (i32)  : i32 {
      %mul3A_101 = arith.constant 2 : i32
      %mul3A_102 = arith.muli %mul3A_101, %scan3A_99 : i32
      %add3A_103 = arith.constant 1 : i32
      %add3A_104 = arith.addi %mul3A_102, %add3A_103 : i32
      %dma_wait3A = arith.constant 0 : i32
      %dma_wait3A_105 = arith.constant 0 : i32
      %dma_wait3A_106 = tpu.memref_slice %arg6[%dma_wait3A, %dma_wait3A_105] : memref<40x128xi32, #tpu.memory_space<vmem>> -> memref<1x128xi32, #tpu.memory_space<vmem>>
      %dma_wait3A_107 = tpu.memref_squeeze %dma_wait3A_106 : memref<1x128xi32, #tpu.memory_space<vmem>> -> memref<128xi32, #tpu.memory_space<vmem>>
      %dma_wait3A_108 = arith.constant 0 : i32
      %dma_wait3A_109 = arith.constant 0 : i32
      %dma_wait3A_110 = tpu.memref_slice %arg4[%dma_wait3A_108, %dma_wait3A_109] : memref<10000x128xf32, #tpu.memory_space<hbm>> -> memref<10000x128xf32, #tpu.memory_space<hbm>>
      tpu.wait_indirect_dma semaphore(%arg11 : memref<!tpu.dma_semaphore, #tpu.memory_space<semaphore_mem>>) src(%dma_wait3A_110 : memref<10000x128xf32, #tpu.memory_space<hbm>>) dst(%arg8 : memref<128x128xf32, #tpu.memory_space<vmem>>)
      "tpu.region"() ({
        %run_scoped3A = tpu.sem_alloc : memref<!tpu.dma_semaphore, #tpu.memory_space<semaphore_mem>>
        %dma_start3A_130 = arith.constant 0 : i32
        %dma_start3A_131 = tpu.memref_slice %arg7[%mul3A_102, %dma_start3A_130] : memref<40x128xi32, #tpu.memory_space<vmem>> -> memref<1x128xi32, #tpu.memory_space<vmem>>
        %dma_start3A_132 = tpu.memref_squeeze %dma_start3A_131 : memref<1x128xi32, #tpu.memory_space<vmem>> -> memref<128xi32, #tpu.memory_space<vmem>>
        %dma_start3A_133 = arith.constant 0 : i32
        %dma_start3A_134 = arith.constant 0 : i32
        %dma_start3A_135 = tpu.memref_slice %arg10[%dma_start3A_133, %dma_start3A_134] : memref<10080x128xf32, #tpu.memory_space<vmem_shared>> -> memref<10080x128xf32, #tpu.memory_space<vmem_shared>>
        tpu.enqueue_indirect_dma source(%arg8 : memref<128x128xf32, #tpu.memory_space<vmem>>) target(%dma_start3A_135 : memref<10080x128xf32, #tpu.memory_space<vmem_shared>>) offsets(%dma_start3A_132 : memref<128xi32, #tpu.memory_space<vmem>>) semaphore(%run_scoped3A : memref<!tpu.dma_semaphore, #tpu.memory_space<semaphore_mem>>) {add = true}
        %dma_wait3A_136 = arith.constant 0 : i32
        %dma_wait3A_137 = tpu.memref_slice %arg7[%mul3A_102, %dma_wait3A_136] : memref<40x128xi32, #tpu.memory_space<vmem>> -> memref<1x128xi32, #tpu.memory_space<vmem>>
        %dma_wait3A_138 = tpu.memref_squeeze %dma_wait3A_137 : memref<1x128xi32, #tpu.memory_space<vmem>> -> memref<128xi32, #tpu.memory_space<vmem>>
        %dma_wait3A_139 = arith.constant 0 : i32
        %dma_wait3A_140 = arith.constant 0 : i32
        %dma_wait3A_141 = tpu.memref_slice %arg10[%dma_wait3A_139, %dma_wait3A_140] : memref<10080x128xf32, #tpu.memory_space<vmem_shared>> -> memref<10080x128xf32, #tpu.memory_space<vmem_shared>>
        tpu.wait_indirect_dma semaphore(%run_scoped3A : memref<!tpu.dma_semaphore, #tpu.memory_space<semaphore_mem>>) src(%arg8 : memref<128x128xf32, #tpu.memory_space<vmem>>) dst(%dma_wait3A_141 : memref<10080x128xf32, #tpu.memory_space<vmem_shared>>)
        tpu.yield
      }) : () -> ()
      %add3A_111 = arith.constant 2 : i32
      %add3A_112 = arith.addi %mul3A_102, %add3A_111 : i32
      %lt3A = arith.constant 40 : i32
      %lt3A_113 = arith.cmpi slt, %add3A_112, %lt3A : i32
      %convert_element_type3A = arith.extui %lt3A_113 : i1 to i32
      %cond3A = arith.constant 0 : i32
      %cond3A_114 = arith.cmpi ne, %convert_element_type3A, %cond3A : i32
      scf.if %cond3A_114 {
        %add3A_130 = arith.constant 2 : i32
        %add3A_131 = arith.addi %mul3A_102, %add3A_130 : i32
        %dma_start3A_132 = arith.constant 0 : i32
        %dma_start3A_133 = tpu.memref_slice %arg6[%add3A_131, %dma_start3A_132] : memref<40x128xi32, #tpu.memory_space<vmem>> -> memref<1x128xi32, #tpu.memory_space<vmem>>
        %dma_start3A_134 = tpu.memref_squeeze %dma_start3A_133 : memref<1x128xi32, #tpu.memory_space<vmem>> -> memref<128xi32, #tpu.memory_space<vmem>>
        %dma_start3A_135 = arith.constant 0 : i32
        %dma_start3A_136 = arith.constant 0 : i32
        %dma_start3A_137 = tpu.memref_slice %arg4[%dma_start3A_135, %dma_start3A_136] : memref<10000x128xf32, #tpu.memory_space<hbm>> -> memref<10000x128xf32, #tpu.memory_space<hbm>>
        tpu.enqueue_indirect_dma source(%dma_start3A_137 : memref<10000x128xf32, #tpu.memory_space<hbm>>) target(%arg8 : memref<128x128xf32, #tpu.memory_space<vmem>>) offsets(%dma_start3A_134 : memref<128xi32, #tpu.memory_space<vmem>>) semaphore(%arg11 : memref<!tpu.dma_semaphore, #tpu.memory_space<semaphore_mem>>)
      } else {
      }
      %dma_wait3A_115 = arith.constant 1 : i32
      %dma_wait3A_116 = arith.constant 0 : i32
      %dma_wait3A_117 = tpu.memref_slice %arg6[%dma_wait3A_115, %dma_wait3A_116] : memref<40x128xi32, #tpu.memory_space<vmem>> -> memref<1x128xi32, #tpu.memory_space<vmem>>
      %dma_wait3A_118 = tpu.memref_squeeze %dma_wait3A_117 : memref<1x128xi32, #tpu.memory_space<vmem>> -> memref<128xi32, #tpu.memory_space<vmem>>
      %dma_wait3A_119 = arith.constant 0 : i32
      %dma_wait3A_120 = arith.constant 0 : i32
      %dma_wait3A_121 = tpu.memref_slice %arg4[%dma_wait3A_119, %dma_wait3A_120] : memref<10000x128xf32, #tpu.memory_space<hbm>> -> memref<10000x128xf32, #tpu.memory_space<hbm>>
      tpu.wait_indirect_dma semaphore(%arg12 : memref<!tpu.dma_semaphore, #tpu.memory_space<semaphore_mem>>) src(%dma_wait3A_121 : memref<10000x128xf32, #tpu.memory_space<hbm>>) dst(%arg9 : memref<128x128xf32, #tpu.memory_space<vmem>>)
      "tpu.region"() ({
        %run_scoped3A = tpu.sem_alloc : memref<!tpu.dma_semaphore, #tpu.memory_space<semaphore_mem>>
        %dma_start3A_130 = arith.constant 0 : i32
        %dma_start3A_131 = tpu.memref_slice %arg7[%add3A_104, %dma_start3A_130] : memref<40x128xi32, #tpu.memory_space<vmem>> -> memref<1x128xi32, #tpu.memory_space<vmem>>
        %dma_start3A_132 = tpu.memref_squeeze %dma_start3A_131 : memref<1x128xi32, #tpu.memory_space<vmem>> -> memref<128xi32, #tpu.memory_space<vmem>>
        %dma_start3A_133 = arith.constant 0 : i32
        %dma_start3A_134 = arith.constant 0 : i32
        %dma_start3A_135 = tpu.memref_slice %arg10[%dma_start3A_133, %dma_start3A_134] : memref<10080x128xf32, #tpu.memory_space<vmem_shared>> -> memref<10080x128xf32, #tpu.memory_space<vmem_shared>>
        tpu.enqueue_indirect_dma source(%arg9 : memref<128x128xf32, #tpu.memory_space<vmem>>) target(%dma_start3A_135 : memref<10080x128xf32, #tpu.memory_space<vmem_shared>>) offsets(%dma_start3A_132 : memref<128xi32, #tpu.memory_space<vmem>>) semaphore(%run_scoped3A : memref<!tpu.dma_semaphore, #tpu.memory_space<semaphore_mem>>) {add = true}
        %dma_wait3A_136 = arith.constant 0 : i32
        %dma_wait3A_137 = tpu.memref_slice %arg7[%add3A_104, %dma_wait3A_136] : memref<40x128xi32, #tpu.memory_space<vmem>> -> memref<1x128xi32, #tpu.memory_space<vmem>>
        %dma_wait3A_138 = tpu.memref_squeeze %dma_wait3A_137 : memref<1x128xi32, #tpu.memory_space<vmem>> -> memref<128xi32, #tpu.memory_space<vmem>>
        %dma_wait3A_139 = arith.constant 0 : i32
        %dma_wait3A_140 = arith.constant 0 : i32
        %dma_wait3A_141 = tpu.memref_slice %arg10[%dma_wait3A_139, %dma_wait3A_140] : memref<10080x128xf32, #tpu.memory_space<vmem_shared>> -> memref<10080x128xf32, #tpu.memory_space<vmem_shared>>
        tpu.wait_indirect_dma semaphore(%run_scoped3A : memref<!tpu.dma_semaphore, #tpu.memory_space<semaphore_mem>>) src(%arg9 : memref<128x128xf32, #tpu.memory_space<vmem>>) dst(%dma_wait3A_141 : memref<10080x128xf32, #tpu.memory_space<vmem_shared>>)
        tpu.yield
      }) : () -> ()
      %add3A_122 = arith.constant 2 : i32
      %add3A_123 = arith.addi %add3A_104, %add3A_122 : i32
      %lt3A_124 = arith.constant 40 : i32
      %lt3A_125 = arith.cmpi slt, %add3A_123, %lt3A_124 : i32
      %convert_element_type3A_126 = arith.extui %lt3A_125 : i1 to i32
      %cond3A_127 = arith.constant 0 : i32
      %cond3A_128 = arith.cmpi ne, %convert_element_type3A_126, %cond3A_127 : i32
      scf.if %cond3A_128 {
        %add3A_130 = arith.constant 2 : i32
        %add3A_131 = arith.addi %add3A_104, %add3A_130 : i32
        %dma_start3A_132 = arith.constant 0 : i32
        %dma_start3A_133 = tpu.memref_slice %arg6[%add3A_131, %dma_start3A_132] : memref<40x128xi32, #tpu.memory_space<vmem>> -> memref<1x128xi32, #tpu.memory_space<vmem>>
        %dma_start3A_134 = tpu.memref_squeeze %dma_start3A_133 : memref<1x128xi32, #tpu.memory_space<vmem>> -> memref<128xi32, #tpu.memory_space<vmem>>
        %dma_start3A_135 = arith.constant 0 : i32
        %dma_start3A_136 = arith.constant 0 : i32
        %dma_start3A_137 = tpu.memref_slice %arg4[%dma_start3A_135, %dma_start3A_136] : memref<10000x128xf32, #tpu.memory_space<hbm>> -> memref<10000x128xf32, #tpu.memory_space<hbm>>
        tpu.enqueue_indirect_dma source(%dma_start3A_137 : memref<10000x128xf32, #tpu.memory_space<hbm>>) target(%arg9 : memref<128x128xf32, #tpu.memory_space<vmem>>) offsets(%dma_start3A_134 : memref<128xi32, #tpu.memory_space<vmem>>) semaphore(%arg12 : memref<!tpu.dma_semaphore, #tpu.memory_space<semaphore_mem>>)
      } else {
      }
      %scan3A_129 = arith.constant 0 : i32
      scf.yield %scan3A_129 : i32
    }
    %scan3A_78 = arith.constant 20 : i32
    %barrier3A_79 = arith.constant 0 : index
    tpu.barrier barrier_id(%barrier3A_79)
    %mul3A_80 = arith.constant 640 : i32
    %mul3A_81 = arith.muli %arg1, %mul3A_80 : i32
    %eq3A_82 = arith.constant 15 : i32
    %eq3A_83 = arith.cmpi eq, %arg1, %eq3A_82 : i32
    %jit3A_84 = arith.constant 5 : i32
    %jit3A_85 = arith.constant 8 : i32
    %select_n3A_86 = arith.select %eq3A_83, %jit3A_84, %jit3A_85 : i32
    %while3A_87 = arith.constant 0 : i32
    %while3A_88 = arith.constant 0 : i32
    %while3A_89 = arith.subi %select_n3A_86, %while3A_87 : i32
    %while3A_90 = arith.addi %while3A_87, %while3A_89 : i32
    %while3A_91 = arith.constant 1 : i32
    %while3A_92 = arith.divsi %while3A_89, %while3A_91 : i32
    %while3A_93 = arith.muli %while3A_92, %while3A_91 : i32
    %while3A_94 = arith.addi %while3A_87, %while3A_93 : i32
    %while3A_95 = arith.constant 1 : i32
    %while3A_96 = scf.for %while3A_99 = %while3A_87 to %while3A_94 step %while3A_95 iter_args(%while3A_100 = %while3A_88) -> (i32)  : i32 {
      %mul3A_101 = arith.constant 80 : i32
      %mul3A_102 = arith.muli %while3A_99, %mul3A_101 : i32
      %add3A_103 = arith.addi %mul3A_81, %mul3A_102 : i32
      "tpu.region"() ({
        %run_scoped3A = tpu.sem_alloc : memref<!tpu.dma_semaphore, #tpu.memory_space<semaphore_mem>>
        %dma_start3A_108 = arith.constant 0 : i32
        %dma_start3A_109 = arith.constant 0 : i32
        %dma_start3A_110 = tpu.memref_slice %arg8[%dma_start3A_108, %dma_start3A_109] : memref<128x128xf32, #tpu.memory_space<vmem>> -> memref<80x128xf32, #tpu.memory_space<vmem>>
        %dma_start3A_111 = arith.constant 0 : i32
        %dma_start3A_112 = tpu.memref_slice %arg10[%add3A_103, %dma_start3A_111] : memref<10080x128xf32, #tpu.memory_space<vmem_shared>> -> memref<80x128xf32, #tpu.memory_space<vmem_shared>>
        %dma_start3A_113 = arith.constant 0 : i32
        %dma_start3A_114 = arith.constant 0 : i32
        %dma_start3A_115 = tpu.memref_slice %arg8[%dma_start3A_113, %dma_start3A_114] : memref<128x128xf32, #tpu.memory_space<vmem>> -> memref<80x128xf32, #tpu.memory_space<vmem>>
        %dma_start3A_116 = arith.constant 0 : i32
        %dma_start3A_117 = tpu.memref_slice %arg10[%add3A_103, %dma_start3A_116] : memref<10080x128xf32, #tpu.memory_space<vmem_shared>> -> memref<80x128xf32, #tpu.memory_space<vmem_shared>>
        tpu.enqueue_dma source(%dma_start3A_117 : memref<80x128xf32, #tpu.memory_space<vmem_shared>>) target(%dma_start3A_115 : memref<80x128xf32, #tpu.memory_space<vmem>>) target_semaphore(%run_scoped3A : memref<!tpu.dma_semaphore, #tpu.memory_space<semaphore_mem>>)
        %dma_wait3A = arith.constant 0 : i32
        %dma_wait3A_118 = arith.constant 0 : i32
        %dma_wait3A_119 = tpu.memref_slice %arg8[%dma_wait3A, %dma_wait3A_118] : memref<128x128xf32, #tpu.memory_space<vmem>> -> memref<80x128xf32, #tpu.memory_space<vmem>>
        %dma_wait3A_120 = arith.constant 0 : i32
        %dma_wait3A_121 = tpu.memref_slice %arg10[%add3A_103, %dma_wait3A_120] : memref<10080x128xf32, #tpu.memory_space<vmem_shared>> -> memref<80x128xf32, #tpu.memory_space<vmem_shared>>
        %dma_wait3A_122 = arith.constant 0 : i32
        %dma_wait3A_123 = arith.constant 0 : i32
        %dma_wait3A_124 = tpu.memref_slice %arg8[%dma_wait3A_122, %dma_wait3A_123] : memref<128x128xf32, #tpu.memory_space<vmem>> -> memref<80x128xf32, #tpu.memory_space<vmem>>
        %dma_wait3A_125 = arith.constant 0 : i32
        %dma_wait3A_126 = tpu.memref_slice %arg10[%add3A_103, %dma_wait3A_125] : memref<10080x128xf32, #tpu.memory_space<vmem_shared>> -> memref<80x128xf32, #tpu.memory_space<vmem_shared>>
        tpu.wait_dma2 semaphore(%run_scoped3A : memref<!tpu.dma_semaphore, #tpu.memory_space<semaphore_mem>>) src(%dma_wait3A_126 : memref<80x128xf32, #tpu.memory_space<vmem_shared>>) dst(%dma_wait3A_124 : memref<80x128xf32, #tpu.memory_space<vmem>>)
        tpu.yield
      }) : () -> ()
      %mul3A_104 = arith.constant 10000 : i32
      %mul3A_105 = arith.muli %arg0, %mul3A_104 : i32
      %add3A_106 = arith.addi %mul3A_105, %add3A_103 : i32
      "tpu.region"() ({
        %run_scoped3A = tpu.sem_alloc : memref<!tpu.dma_semaphore, #tpu.memory_space<semaphore_mem>>
        %dma_start3A_108 = arith.constant 0 : i32
        %dma_start3A_109 = arith.constant 0 : i32
        %dma_start3A_110 = tpu.memref_slice %arg8[%dma_start3A_108, %dma_start3A_109] : memref<128x128xf32, #tpu.memory_space<vmem>> -> memref<80x128xf32, #tpu.memory_space<vmem>>
        %dma_start3A_111 = arith.constant 0 : i32
        %dma_start3A_112 = tpu.memref_slice %arg5[%add3A_106, %dma_start3A_111] : memref<20000x128xf32, #tpu.memory_space<hbm>> -> memref<80x128xf32, #tpu.memory_space<hbm>>
        %dma_start3A_113 = arith.constant 0 : i32
        %dma_start3A_114 = tpu.memref_slice %arg5[%add3A_106, %dma_start3A_113] : memref<20000x128xf32, #tpu.memory_space<hbm>> -> memref<80x128xf32, #tpu.memory_space<hbm>>
        %dma_start3A_115 = arith.constant 0 : i32
        %dma_start3A_116 = arith.constant 0 : i32
        %dma_start3A_117 = tpu.memref_slice %arg8[%dma_start3A_115, %dma_start3A_116] : memref<128x128xf32, #tpu.memory_space<vmem>> -> memref<80x128xf32, #tpu.memory_space<vmem>>
        tpu.enqueue_dma source(%dma_start3A_117 : memref<80x128xf32, #tpu.memory_space<vmem>>) target(%dma_start3A_114 : memref<80x128xf32, #tpu.memory_space<hbm>>) target_semaphore(%run_scoped3A : memref<!tpu.dma_semaphore, #tpu.memory_space<semaphore_mem>>)
        %dma_wait3A = arith.constant 0 : i32
        %dma_wait3A_118 = arith.constant 0 : i32
        %dma_wait3A_119 = tpu.memref_slice %arg8[%dma_wait3A, %dma_wait3A_118] : memref<128x128xf32, #tpu.memory_space<vmem>> -> memref<80x128xf32, #tpu.memory_space<vmem>>
        %dma_wait3A_120 = arith.constant 0 : i32
        %dma_wait3A_121 = tpu.memref_slice %arg5[%add3A_106, %dma_wait3A_120] : memref<20000x128xf32, #tpu.memory_space<hbm>> -> memref<80x128xf32, #tpu.memory_space<hbm>>
        %dma_wait3A_122 = arith.constant 0 : i32
        %dma_wait3A_123 = tpu.memref_slice %arg5[%add3A_106, %dma_wait3A_122] : memref<20000x128xf32, #tpu.memory_space<hbm>> -> memref<80x128xf32, #tpu.memory_space<hbm>>
        %dma_wait3A_124 = arith.constant 0 : i32
        %dma_wait3A_125 = arith.constant 0 : i32
        %dma_wait3A_126 = tpu.memref_slice %arg8[%dma_wait3A_124, %dma_wait3A_125] : memref<128x128xf32, #tpu.memory_space<vmem>> -> memref<80x128xf32, #tpu.memory_space<vmem>>
        tpu.wait_dma2 semaphore(%run_scoped3A : memref<!tpu.dma_semaphore, #tpu.memory_space<semaphore_mem>>) src(%dma_wait3A_126 : memref<80x128xf32, #tpu.memory_space<vmem>>) dst(%dma_wait3A_123 : memref<80x128xf32, #tpu.memory_space<hbm>>)
        tpu.yield
      }) : () -> ()
      %while3A_107 = arith.constant 0 : i32
      scf.yield %while3A_107 : i32
    }
    %while3A_97 = arith.constant 1 : i32
    %while3A_98 = scf.for %while3A_99 = %while3A_94 to %while3A_90 step %while3A_97 iter_args(%while3A_100 = %while3A_96) -> (i32)  : i32 {
      %mul3A_101 = arith.constant 80 : i32
      %mul3A_102 = arith.muli %while3A_99, %mul3A_101 : i32
      %add3A_103 = arith.addi %mul3A_81, %mul3A_102 : i32
      "tpu.region"() ({
        %run_scoped3A = tpu.sem_alloc : memref<!tpu.dma_semaphore, #tpu.memory_space<semaphore_mem>>
        %dma_start3A_108 = arith.constant 0 : i32
        %dma_start3A_109 = arith.constant 0 : i32
        %dma_start3A_110 = tpu.memref_slice %arg8[%dma_start3A_108, %dma_start3A_109] : memref<128x128xf32, #tpu.memory_space<vmem>> -> memref<80x128xf32, #tpu.memory_space<vmem>>
        %dma_start3A_111 = arith.constant 0 : i32
        %dma_start3A_112 = tpu.memref_slice %arg10[%add3A_103, %dma_start3A_111] : memref<10080x128xf32, #tpu.memory_space<vmem_shared>> -> memref<80x128xf32, #tpu.memory_space<vmem_shared>>
        %dma_start3A_113 = arith.constant 0 : i32
        %dma_start3A_114 = arith.constant 0 : i32
        %dma_start3A_115 = tpu.memref_slice %arg8[%dma_start3A_113, %dma_start3A_114] : memref<128x128xf32, #tpu.memory_space<vmem>> -> memref<80x128xf32, #tpu.memory_space<vmem>>
        %dma_start3A_116 = arith.constant 0 : i32
        %dma_start3A_117 = tpu.memref_slice %arg10[%add3A_103, %dma_start3A_116] : memref<10080x128xf32, #tpu.memory_space<vmem_shared>> -> memref<80x128xf32, #tpu.memory_space<vmem_shared>>
        tpu.enqueue_dma source(%dma_start3A_117 : memref<80x128xf32, #tpu.memory_space<vmem_shared>>) target(%dma_start3A_115 : memref<80x128xf32, #tpu.memory_space<vmem>>) target_semaphore(%run_scoped3A : memref<!tpu.dma_semaphore, #tpu.memory_space<semaphore_mem>>)
        %dma_wait3A = arith.constant 0 : i32
        %dma_wait3A_118 = arith.constant 0 : i32
        %dma_wait3A_119 = tpu.memref_slice %arg8[%dma_wait3A, %dma_wait3A_118] : memref<128x128xf32, #tpu.memory_space<vmem>> -> memref<80x128xf32, #tpu.memory_space<vmem>>
        %dma_wait3A_120 = arith.constant 0 : i32
        %dma_wait3A_121 = tpu.memref_slice %arg10[%add3A_103, %dma_wait3A_120] : memref<10080x128xf32, #tpu.memory_space<vmem_shared>> -> memref<80x128xf32, #tpu.memory_space<vmem_shared>>
        %dma_wait3A_122 = arith.constant 0 : i32
        %dma_wait3A_123 = arith.constant 0 : i32
        %dma_wait3A_124 = tpu.memref_slice %arg8[%dma_wait3A_122, %dma_wait3A_123] : memref<128x128xf32, #tpu.memory_space<vmem>> -> memref<80x128xf32, #tpu.memory_space<vmem>>
        %dma_wait3A_125 = arith.constant 0 : i32
        %dma_wait3A_126 = tpu.memref_slice %arg10[%add3A_103, %dma_wait3A_125] : memref<10080x128xf32, #tpu.memory_space<vmem_shared>> -> memref<80x128xf32, #tpu.memory_space<vmem_shared>>
        tpu.wait_dma2 semaphore(%run_scoped3A : memref<!tpu.dma_semaphore, #tpu.memory_space<semaphore_mem>>) src(%dma_wait3A_126 : memref<80x128xf32, #tpu.memory_space<vmem_shared>>) dst(%dma_wait3A_124 : memref<80x128xf32, #tpu.memory_space<vmem>>)
        tpu.yield
      }) : () -> ()
      %mul3A_104 = arith.constant 10000 : i32
      %mul3A_105 = arith.muli %arg0, %mul3A_104 : i32
      %add3A_106 = arith.addi %mul3A_105, %add3A_103 : i32
      "tpu.region"() ({
        %run_scoped3A = tpu.sem_alloc : memref<!tpu.dma_semaphore, #tpu.memory_space<semaphore_mem>>
        %dma_start3A_108 = arith.constant 0 : i32
        %dma_start3A_109 = arith.constant 0 : i32
        %dma_start3A_110 = tpu.memref_slice %arg8[%dma_start3A_108, %dma_start3A_109] : memref<128x128xf32, #tpu.memory_space<vmem>> -> memref<80x128xf32, #tpu.memory_space<vmem>>
        %dma_start3A_111 = arith.constant 0 : i32
        %dma_start3A_112 = tpu.memref_slice %arg5[%add3A_106, %dma_start3A_111] : memref<20000x128xf32, #tpu.memory_space<hbm>> -> memref<80x128xf32, #tpu.memory_space<hbm>>
        %dma_start3A_113 = arith.constant 0 : i32
        %dma_start3A_114 = tpu.memref_slice %arg5[%add3A_106, %dma_start3A_113] : memref<20000x128xf32, #tpu.memory_space<hbm>> -> memref<80x128xf32, #tpu.memory_space<hbm>>
        %dma_start3A_115 = arith.constant 0 : i32
        %dma_start3A_116 = arith.constant 0 : i32
        %dma_start3A_117 = tpu.memref_slice %arg8[%dma_start3A_115, %dma_start3A_116] : memref<128x128xf32, #tpu.memory_space<vmem>> -> memref<80x128xf32, #tpu.memory_space<vmem>>
        tpu.enqueue_dma source(%dma_start3A_117 : memref<80x128xf32, #tpu.memory_space<vmem>>) target(%dma_start3A_114 : memref<80x128xf32, #tpu.memory_space<hbm>>) target_semaphore(%run_scoped3A : memref<!tpu.dma_semaphore, #tpu.memory_space<semaphore_mem>>)
        %dma_wait3A = arith.constant 0 : i32
        %dma_wait3A_118 = arith.constant 0 : i32
        %dma_wait3A_119 = tpu.memref_slice %arg8[%dma_wait3A, %dma_wait3A_118] : memref<128x128xf32, #tpu.memory_space<vmem>> -> memref<80x128xf32, #tpu.memory_space<vmem>>
        %dma_wait3A_120 = arith.constant 0 : i32
        %dma_wait3A_121 = tpu.memref_slice %arg5[%add3A_106, %dma_wait3A_120] : memref<20000x128xf32, #tpu.memory_space<hbm>> -> memref<80x128xf32, #tpu.memory_space<hbm>>
        %dma_wait3A_122 = arith.constant 0 : i32
        %dma_wait3A_123 = tpu.memref_slice %arg5[%add3A_106, %dma_wait3A_122] : memref<20000x128xf32, #tpu.memory_space<hbm>> -> memref<80x128xf32, #tpu.memory_space<hbm>>
        %dma_wait3A_124 = arith.constant 0 : i32
        %dma_wait3A_125 = arith.constant 0 : i32
        %dma_wait3A_126 = tpu.memref_slice %arg8[%dma_wait3A_124, %dma_wait3A_125] : memref<128x128xf32, #tpu.memory_space<vmem>> -> memref<80x128xf32, #tpu.memory_space<vmem>>
        tpu.wait_dma2 semaphore(%run_scoped3A : memref<!tpu.dma_semaphore, #tpu.memory_space<semaphore_mem>>) src(%dma_wait3A_126 : memref<80x128xf32, #tpu.memory_space<vmem>>) dst(%dma_wait3A_123 : memref<80x128xf32, #tpu.memory_space<hbm>>)
        tpu.yield
      }) : () -> ()
      %while3A_107 = arith.constant 0 : i32
      scf.yield %while3A_107 : i32
    }
    return
  }
}

module attributes {stable_mosaic.version = 14 : i64} {
  func.func @_mm1_body(%arg0: i32, %arg1: memref<1000x128xf32, #tpu.memory_space<vmem>>, %arg2: memref<128x128xf32, #tpu.memory_space<vmem>>, %arg3: memref<1000x128xf32, #tpu.memory_space<vmem>>) attributes {dimension_semantics = [#tpu.dimension_semantics<arbitrary>], iteration_bounds = array<i64: 10>, scalar_prefetch = 0 : i64, scratch_operands = 0 : i64, tpu.core_type = #tpu.core_type<tc>, window_params = [{transform_indices = @transform_0, window_bounds = array<i64: 1000, 128>}, {pipeline_mode = #tpu.pipeline_mode<synchronous>, transform_indices = @transform_1, window_bounds = array<i64: 128, 128>}, {transform_indices = @transform_2, window_bounds = array<i64: 1000, 128>}]} {
    %get3A = arith.constant 0 : index
    %get3A_0 = arith.constant 0 : index
    %get3A_1 = vector.load %arg1[%get3A, %get3A_0] : memref<1000x128xf32, #tpu.memory_space<vmem>>, vector<1000x128xf32>
    %get3A_2 = arith.constant 0 : index
    %get3A_3 = arith.constant 0 : index
    %get3A_4 = vector.load %arg2[%get3A_2, %get3A_3] : memref<128x128xf32, #tpu.memory_space<vmem>>, vector<128x128xf32>
    %dot_general3A = arith.constant dense<0.000000e+00> : vector<1000x128xf32>
    %dot_general3A_5 = tpu.matmul %get3A_1, %get3A_4, %dot_general3A {dimension_numbers = #tpu.dot_dimension_numbers<[1], [0], [0], [1], [0, 0, 1, 1], [], []>, transpose_lhs_hint = false} : vector<1000x128xf32>, vector<128x128xf32>, vector<1000x128xf32> -> vector<1000x128xf32>
    %swap3A = arith.constant 0 : index
    %swap3A_6 = arith.constant 0 : index
    %swap3A_7 = vector.load %arg3[%swap3A, %swap3A_6] : memref<1000x128xf32, #tpu.memory_space<vmem>>, vector<1000x128xf32>
    tpu.vector_store %arg3[%swap3A, %swap3A_6], %dot_general3A_5 {strides = array<i32>} : memref<1000x128xf32, #tpu.memory_space<vmem>>, vector<1000x128xf32>,
    return
  }
  func.func @transform_0(%arg0: i32) -> (i32, i32) {
    %c0_i32 = arith.constant 0 : i32
    %c0_i32_0 = arith.constant 0 : i32
    return %arg0, %c0_i32 : i32, i32
  }
  func.func @transform_1(%arg0: i32) -> (i32, i32) {
    %c0_i32 = arith.constant 0 : i32
    %c0_i32_0 = arith.constant 0 : i32
    %c0_i32_1 = arith.constant 0 : i32
    return %c0_i32, %c0_i32_0 : i32, i32
  }
  func.func @transform_2(%arg0: i32) -> (i32, i32) {
    %c0_i32 = arith.constant 0 : i32
    %c0_i32_0 = arith.constant 0 : i32
    return %arg0, %c0_i32 : i32, i32
  }
}

module attributes {stable_mosaic.version = 14 : i64} {
  func.func @_scale1_body(%arg0: i32, %arg1: memref<1000x128xf32, #tpu.memory_space<vmem>>, %arg2: memref<2x1000x128xf32, #tpu.memory_space<vmem>>, %arg3: memref<1000x128xf32, #tpu.memory_space<vmem>>, %arg4: memref<1000x1xf32, #tpu.memory_space<vmem>>) attributes {dimension_semantics = [#tpu.dimension_semantics<arbitrary>], iteration_bounds = array<i64: 10>, scalar_prefetch = 0 : i64, scratch_operands = 0 : i64, tpu.core_type = #tpu.core_type<tc>, window_params = [{transform_indices = @transform_0, window_bounds = array<i64: 1000, 128>}, {transform_indices = @transform_1, window_bounds = array<i64: 2, 1000, 128>}, {transform_indices = @transform_2, window_bounds = array<i64: 1000, 128>}, {transform_indices = @transform_3, window_bounds = array<i64: 1000, 1>}]} {
    %get3A = arith.constant 0 : index
    %get3A_0 = arith.constant 0 : index
    %get3A_1 = arith.constant 0 : index
    %get3A_2 = vector.load %arg2[%get3A, %get3A_0, %get3A_1] : memref<2x1000x128xf32, #tpu.memory_space<vmem>>, vector<1x1000x128xf32>
    %get3A_3 = vector.shape_cast %get3A_2 : vector<1x1000x128xf32> to vector<1000x128xf32>
    %slice3A = vector.extract_strided_slice %get3A_3 {offsets = [0, 0], sizes = [1000, 1], strides = [1, 1]} : vector<1000x128xf32> to vector<1000x1xf32>
    %squeeze3A = vector.shape_cast %slice3A : vector<1000x1xf32> to vector<1000xf32>
    %get3A_4 = arith.constant 1 : index
    %get3A_5 = arith.constant 0 : index
    %get3A_6 = arith.constant 0 : index
    %get3A_7 = vector.load %arg2[%get3A_4, %get3A_5, %get3A_6] : memref<2x1000x128xf32, #tpu.memory_space<vmem>>, vector<1x1000x128xf32>
    %get3A_8 = vector.shape_cast %get3A_7 : vector<1x1000x128xf32> to vector<1000x128xf32>
    %slice3A_9 = vector.extract_strided_slice %get3A_8 {offsets = [0, 0], sizes = [1000, 1], strides = [1, 1]} : vector<1000x128xf32> to vector<1000x1xf32>
    %squeeze3A_10 = vector.shape_cast %slice3A_9 : vector<1000x1xf32> to vector<1000xf32>
    %add3A = arith.addf %squeeze3A, %squeeze3A_10 : vector<1000xf32>
    %add3A_11 = arith.constant 1.000000e+00 : f32
    %add3A_12 = vector.broadcast %add3A_11 : f32 to vector<1000xf32>
    %add3A_13 = arith.addf %add3A, %add3A_12 : vector<1000xf32>
    %rsqrt3A = math.rsqrt %add3A_13 : vector<1000xf32>
    %broadcast_in_dim3A = vector.shape_cast %rsqrt3A : vector<1000xf32> to vector<1000x1xf32>
    %get3A_14 = arith.constant 0 : index
    %get3A_15 = arith.constant 0 : index
    %get3A_16 = vector.load %arg1[%get3A_14, %get3A_15] : memref<1000x128xf32, #tpu.memory_space<vmem>>, vector<1000x128xf32>
    %mul3A = vector.broadcast %broadcast_in_dim3A : vector<1000x1xf32> to vector<1000x128xf32>
    %mul3A_17 = arith.mulf %get3A_16, %mul3A : vector<1000x128xf32>
    %swap3A = arith.constant 0 : index
    %swap3A_18 = arith.constant 0 : index
    %swap3A_19 = vector.load %arg3[%swap3A, %swap3A_18] : memref<1000x128xf32, #tpu.memory_space<vmem>>, vector<1000x128xf32>
    tpu.vector_store %arg3[%swap3A, %swap3A_18], %mul3A_17 {strides = array<i32>} : memref<1000x128xf32, #tpu.memory_space<vmem>>, vector<1000x128xf32>,
    %swap3A_20 = arith.constant 0 : index
    %swap3A_21 = arith.constant 0 : index
    %swap3A_22 = vector.load %arg4[%swap3A_20, %swap3A_21] : memref<1000x1xf32, #tpu.memory_space<vmem>>, vector<1000x1xf32>
    tpu.vector_store %arg4[%swap3A_20, %swap3A_21], %broadcast_in_dim3A {strides = array<i32>} : memref<1000x1xf32, #tpu.memory_space<vmem>>, vector<1000x1xf32>,
    return
  }
  func.func @transform_0(%arg0: i32) -> (i32, i32) {
    %c0_i32 = arith.constant 0 : i32
    %c0_i32_0 = arith.constant 0 : i32
    return %arg0, %c0_i32 : i32, i32
  }
  func.func @transform_1(%arg0: i32) -> (i32, i32, i32) {
    %c0_i32 = arith.constant 0 : i32
    %c0_i32_0 = arith.constant 0 : i32
    %c0_i32_1 = arith.constant 0 : i32
    return %c0_i32, %arg0, %c0_i32_0 : i32, i32, i32
  }
  func.func @transform_2(%arg0: i32) -> (i32, i32) {
    %c0_i32 = arith.constant 0 : i32
    %c0_i32_0 = arith.constant 0 : i32
    return %arg0, %c0_i32 : i32, i32
  }
  func.func @transform_3(%arg0: i32) -> (i32, i32) {
    %c0_i32 = arith.constant 0 : i32
    %c0_i32_0 = arith.constant 0 : i32
    return %arg0, %c0_i32 : i32, i32
  }
}

module attributes {stable_mosaic.version = 14 : i64} {
  func.func @_dense2_body(%arg0: i32, %arg1: memref<2x1000x128xf32, #tpu.memory_space<vmem>>, %arg2: memref<1000x128xf32, #tpu.memory_space<vmem>>, %arg3: memref<1000x1xf32, #tpu.memory_space<vmem>>, %arg4: memref<1x128xf32, #tpu.memory_space<vmem>>, %arg5: memref<128x128xf32, #tpu.memory_space<vmem>>, %arg6: memref<1000x128xf32, #tpu.memory_space<vmem>>) attributes {dimension_semantics = [#tpu.dimension_semantics<arbitrary>], iteration_bounds = array<i64: 10>, scalar_prefetch = 0 : i64, scratch_operands = 0 : i64, tpu.core_type = #tpu.core_type<tc>, window_params = [{transform_indices = @transform_0, window_bounds = array<i64: 2, 1000, 128>}, {transform_indices = @transform_1, window_bounds = array<i64: 1000, 128>}, {transform_indices = @transform_2, window_bounds = array<i64: 1000, 1>}, {pipeline_mode = #tpu.pipeline_mode<synchronous>, transform_indices = @transform_3, window_bounds = array<i64: 1, 128>}, {pipeline_mode = #tpu.pipeline_mode<synchronous>, transform_indices = @transform_4, window_bounds = array<i64: 128, 128>}, {transform_indices = @transform_5, window_bounds = array<i64: 1000, 128>}]} {
    %get3A = arith.constant 0 : index
    %get3A_0 = arith.constant 0 : index
    %get3A_1 = vector.load %arg3[%get3A, %get3A_0] : memref<1000x1xf32, #tpu.memory_space<vmem>>, vector<1000x1xf32>
    %get3A_2 = arith.constant 0 : index
    %get3A_3 = arith.constant 0 : index
    %get3A_4 = arith.constant 0 : index
    %get3A_5 = vector.load %arg1[%get3A_2, %get3A_3, %get3A_4] : memref<2x1000x128xf32, #tpu.memory_space<vmem>>, vector<1x1000x128xf32>
    %get3A_6 = vector.shape_cast %get3A_5 : vector<1x1000x128xf32> to vector<1000x128xf32>
    %get3A_7 = arith.constant 1 : index
    %get3A_8 = arith.constant 0 : index
    %get3A_9 = arith.constant 0 : index
    %get3A_10 = vector.load %arg1[%get3A_7, %get3A_8, %get3A_9] : memref<2x1000x128xf32, #tpu.memory_space<vmem>>, vector<1x1000x128xf32>
    %get3A_11 = vector.shape_cast %get3A_10 : vector<1x1000x128xf32> to vector<1000x128xf32>
    %add3A = arith.addf %get3A_6, %get3A_11 : vector<1000x128xf32>
    %get3A_12 = arith.constant 0 : index
    %get3A_13 = arith.constant 0 : index
    %get3A_14 = vector.load %arg2[%get3A_12, %get3A_13] : memref<1000x128xf32, #tpu.memory_space<vmem>>, vector<1000x128xf32>
    %add3A_15 = arith.addf %add3A, %get3A_14 : vector<1000x128xf32>
    %mul3A = vector.broadcast %get3A_1 : vector<1000x1xf32> to vector<1000x128xf32>
    %mul3A_16 = arith.mulf %add3A_15, %mul3A : vector<1000x128xf32>
    %get3A_17 = arith.constant 0 : index
    %get3A_18 = arith.constant 0 : index
    %get3A_19 = vector.load %arg4[%get3A_17, %get3A_18] : memref<1x128xf32, #tpu.memory_space<vmem>>, vector<1x128xf32>
    %add3A_20 = vector.broadcast %get3A_19 : vector<1x128xf32> to vector<1000x128xf32>
    %add3A_21 = arith.addf %mul3A_16, %add3A_20 : vector<1000x128xf32>
    %max3A = arith.constant 0.000000e+00 : f32
    %max3A_22 = vector.broadcast %max3A : f32 to vector<1000x128xf32>
    %max3A_23 = arith.maximumf %add3A_21, %max3A_22 : vector<1000x128xf32>
    %get3A_24 = arith.constant 0 : index
    %get3A_25 = arith.constant 0 : index
    %get3A_26 = vector.load %arg5[%get3A_24, %get3A_25] : memref<128x128xf32, #tpu.memory_space<vmem>>, vector<128x128xf32>
    %dot_general3A = arith.constant dense<0.000000e+00> : vector<1000x128xf32>
    %dot_general3A_27 = tpu.matmul %max3A_23, %get3A_26, %dot_general3A {dimension_numbers = #tpu.dot_dimension_numbers<[1], [0], [0], [1], [0, 0, 1, 1], [], []>, transpose_lhs_hint = false} : vector<1000x128xf32>, vector<128x128xf32>, vector<1000x128xf32> -> vector<1000x128xf32>
    %mul3A_28 = vector.broadcast %get3A_1 : vector<1000x1xf32> to vector<1000x128xf32>
    %mul3A_29 = arith.mulf %dot_general3A_27, %mul3A_28 : vector<1000x128xf32>
    %swap3A = arith.constant 0 : index
    %swap3A_30 = arith.constant 0 : index
    %swap3A_31 = vector.load %arg6[%swap3A, %swap3A_30] : memref<1000x128xf32, #tpu.memory_space<vmem>>, vector<1000x128xf32>
    tpu.vector_store %arg6[%swap3A, %swap3A_30], %mul3A_29 {strides = array<i32>} : memref<1000x128xf32, #tpu.memory_space<vmem>>, vector<1000x128xf32>,
    return
  }
  func.func @transform_0(%arg0: i32) -> (i32, i32, i32) {
    %c0_i32 = arith.constant 0 : i32
    %c0_i32_0 = arith.constant 0 : i32
    %c0_i32_1 = arith.constant 0 : i32
    return %c0_i32, %arg0, %c0_i32_0 : i32, i32, i32
  }
  func.func @transform_1(%arg0: i32) -> (i32, i32) {
    %c0_i32 = arith.constant 0 : i32
    %c0_i32_0 = arith.constant 0 : i32
    return %arg0, %c0_i32 : i32, i32
  }
  func.func @transform_2(%arg0: i32) -> (i32, i32) {
    %c0_i32 = arith.constant 0 : i32
    %c0_i32_0 = arith.constant 0 : i32
    return %arg0, %c0_i32 : i32, i32
  }
  func.func @transform_3(%arg0: i32) -> (i32, i32) {
    %c0_i32 = arith.constant 0 : i32
    %c0_i32_0 = arith.constant 0 : i32
    %c0_i32_1 = arith.constant 0 : i32
    return %c0_i32, %c0_i32_0 : i32, i32
  }
  func.func @transform_4(%arg0: i32) -> (i32, i32) {
    %c0_i32 = arith.constant 0 : i32
    %c0_i32_0 = arith.constant 0 : i32
    %c0_i32_1 = arith.constant 0 : i32
    return %c0_i32, %c0_i32_0 : i32, i32
  }
  func.func @transform_5(%arg0: i32) -> (i32, i32) {
    %c0_i32 = arith.constant 0 : i32
    %c0_i32_0 = arith.constant 0 : i32
    return %arg0, %c0_i32 : i32, i32
  }
}

module attributes {stable_mosaic.version = 14 : i64} {
  func.func @_dense3_body(%arg0: i32, %arg1: memref<2x1000x128xf32, #tpu.memory_space<vmem>>, %arg2: memref<1000x128xf32, #tpu.memory_space<vmem>>, %arg3: memref<1000x1xf32, #tpu.memory_space<vmem>>, %arg4: memref<1x128xf32, #tpu.memory_space<vmem>>, %arg5: memref<1000x128xf32, #tpu.memory_space<vmem>>) attributes {dimension_semantics = [#tpu.dimension_semantics<arbitrary>], iteration_bounds = array<i64: 10>, scalar_prefetch = 0 : i64, scratch_operands = 0 : i64, tpu.core_type = #tpu.core_type<tc>, window_params = [{transform_indices = @transform_0, window_bounds = array<i64: 2, 1000, 128>}, {transform_indices = @transform_1, window_bounds = array<i64: 1000, 128>}, {transform_indices = @transform_2, window_bounds = array<i64: 1000, 1>}, {pipeline_mode = #tpu.pipeline_mode<synchronous>, transform_indices = @transform_3, window_bounds = array<i64: 1, 128>}, {transform_indices = @transform_4, window_bounds = array<i64: 1000, 128>}]} {
    %get3A = arith.constant 0 : index
    %get3A_0 = arith.constant 0 : index
    %get3A_1 = arith.constant 0 : index
    %get3A_2 = vector.load %arg1[%get3A, %get3A_0, %get3A_1] : memref<2x1000x128xf32, #tpu.memory_space<vmem>>, vector<1x1000x128xf32>
    %get3A_3 = vector.shape_cast %get3A_2 : vector<1x1000x128xf32> to vector<1000x128xf32>
    %get3A_4 = arith.constant 1 : index
    %get3A_5 = arith.constant 0 : index
    %get3A_6 = arith.constant 0 : index
    %get3A_7 = vector.load %arg1[%get3A_4, %get3A_5, %get3A_6] : memref<2x1000x128xf32, #tpu.memory_space<vmem>>, vector<1x1000x128xf32>
    %get3A_8 = vector.shape_cast %get3A_7 : vector<1x1000x128xf32> to vector<1000x128xf32>
    %add3A = arith.addf %get3A_3, %get3A_8 : vector<1000x128xf32>
    %get3A_9 = arith.constant 0 : index
    %get3A_10 = arith.constant 0 : index
    %get3A_11 = vector.load %arg2[%get3A_9, %get3A_10] : memref<1000x128xf32, #tpu.memory_space<vmem>>, vector<1000x128xf32>
    %add3A_12 = arith.addf %add3A, %get3A_11 : vector<1000x128xf32>
    %get3A_13 = arith.constant 0 : index
    %get3A_14 = arith.constant 0 : index
    %get3A_15 = vector.load %arg3[%get3A_13, %get3A_14] : memref<1000x1xf32, #tpu.memory_space<vmem>>, vector<1000x1xf32>
    %mul3A = vector.broadcast %get3A_15 : vector<1000x1xf32> to vector<1000x128xf32>
    %mul3A_16 = arith.mulf %add3A_12, %mul3A : vector<1000x128xf32>
    %get3A_17 = arith.constant 0 : index
    %get3A_18 = arith.constant 0 : index
    %get3A_19 = vector.load %arg4[%get3A_17, %get3A_18] : memref<1x128xf32, #tpu.memory_space<vmem>>, vector<1x128xf32>
    %add3A_20 = vector.broadcast %get3A_19 : vector<1x128xf32> to vector<1000x128xf32>
    %add3A_21 = arith.addf %mul3A_16, %add3A_20 : vector<1000x128xf32>
    %max3A = arith.constant 0.000000e+00 : f32
    %max3A_22 = vector.broadcast %max3A : f32 to vector<1000x128xf32>
    %max3A_23 = arith.maximumf %add3A_21, %max3A_22 : vector<1000x128xf32>
    %swap3A = arith.constant 0 : index
    %swap3A_24 = arith.constant 0 : index
    %swap3A_25 = vector.load %arg5[%swap3A, %swap3A_24] : memref<1000x128xf32, #tpu.memory_space<vmem>>, vector<1000x128xf32>
    tpu.vector_store %arg5[%swap3A, %swap3A_24], %max3A_23 {strides = array<i32>} : memref<1000x128xf32, #tpu.memory_space<vmem>>, vector<1000x128xf32>,
    return
  }
  func.func @transform_0(%arg0: i32) -> (i32, i32, i32) {
    %c0_i32 = arith.constant 0 : i32
    %c0_i32_0 = arith.constant 0 : i32
    %c0_i32_1 = arith.constant 0 : i32
    return %c0_i32, %arg0, %c0_i32_0 : i32, i32, i32
  }
  func.func @transform_1(%arg0: i32) -> (i32, i32) {
    %c0_i32 = arith.constant 0 : i32
    %c0_i32_0 = arith.constant 0 : i32
    return %arg0, %c0_i32 : i32, i32
  }
  func.func @transform_2(%arg0: i32) -> (i32, i32) {
    %c0_i32 = arith.constant 0 : i32
    %c0_i32_0 = arith.constant 0 : i32
    return %arg0, %c0_i32 : i32, i32
  }
  func.func @transform_3(%arg0: i32) -> (i32, i32) {
    %c0_i32 = arith.constant 0 : i32
    %c0_i32_0 = arith.constant 0 : i32
    %c0_i32_1 = arith.constant 0 : i32
    return %c0_i32, %c0_i32_0 : i32, i32
  }
  func.func @transform_4(%arg0: i32) -> (i32, i32) {
    %c0_i32 = arith.constant 0 : i32
    %c0_i32_0 = arith.constant 0 : i32
    return %arg0, %c0_i32 : i32, i32
  }
}

</mosaic_0001>

<sc_bundles>
// kernel: kernel.12.cloned.1.call-start
scs
__scs_entry_jumppad:
0x0: {  	(pc) =	sbr.rel $0x88, $3  }
0x1: {  	(tag) =	ssettag $0x0;
	lr =	simm.s32 $0x1  }
0x2: {  	[smem:$0x3F9B] =	sst lr;
	_ =	strace $0xD0000000  }
0x3: {  	_ = 	snop  }
0x4: {  	_ = 	snop  }
0x5: {  	_ = 	snop  }
0x6: {  	_ = 	snop  }
0x7: {  	_ = 	snop  }
__scs_overlays_trampoline_lowered:
0x8: {  	[smem:$0x3FAA] =	sst s0  }
0x9: {  	[smem:$0x3FAB] =	sst s1  }
0xa: {  	[smem:$0x3FAC] =	sst s2  }
0xb: {  	[smem:$0x3FAD] =	sst s3  }
0xc: {  	[smem:$0x3FAE] =	sst s4  }
0xd: {  	[smem:$0x3FAF] =	sst s5  }
0xe: {  	[smem:$0x3FB0] =	sst s6  }
0xf: {  	[smem:$0x3FB1] =	sst s7  }
0x10: {  	[smem:$0x3FB2] =	sst s8  }
0x11: {  	[smem:$0x3FB3] =	sst s9;
	s0 =	simm.s32 @!p0 $0x0  }
0x12: {  	s1 =	sld [smem:$0x3F99];
	s0 =	simm.s32 @p0 $0x1  }
0x13: {  	[smem:$0x3FB4] =	sst s0;
	s0 =	simm.s32 @!p1 $0x0  }
0x14: {  	s2 =	sld [smem:$0x3F98];
	s0 =	simm.s32 @p1 $0x1  }
0x15: {  	[smem:$0x3FB5] =	sst s0;
	s0 =	simm.s32 @!p2 $0x0  }
0x16: {  	s3 =	sld [smem:$0x3FDB];
	s0 =	simm.s32 @p2 $0x1  }
0x17: {  	s4 =	simm.s32 $0x1BF5;
	[smem:$0x3FB7] =	sst s0  }
0x18: {  	s0 =	sld [smem:$0x3F9A];
	_ =	swait.ge [sflag:s4], $0x0  }
0x19: {  	s7 =	sld [smem:$0x3F9B]  }
0x1a: {  	s8 =	sadd.s32 $0xFFFFE003, lr  }
0x1b: {  	s9 =	sadd.s32 $0xFFFFFEF7, lr;
	s5 =	simm.s32 $0xFFFFFFFF;
	p2 =	slt.u32 s8, $0xFFFFF086  }
0x1c: {  	p1 =	slt.u32 s9, $0xF7A;
	s5 =	simm.s32 @!p2 $0x0  }
0x1d: {  	s5 =	simm.s32 @p1 $0x1;
	p0 =	seq.s32 s7, s2  }
0x1e: {  	s7 =	smul.u32 @!p0 $0xF7A, s2;
	p2 =	seq.s32 @!p0 s5, $0x0  }
0x1f: {  	s9 =	smul.u32 $0xF7A, s1;
	s8 =	simm.s32 @!p0 $0x1BF5;
	p2 =	por !p2, p0  }
0x20: {  	[sflag:s8] =	ssyncset.s32 @!p0 $0xFFFFF086;
	s6 =	sadd.s32 @!p0 s3, s7;
	s7 =	simm.s32 @!p0 $0x108  }
0x21: {  	s3 =	sadd.s32 s3, s9;
	s6 =	sadd.s32 @!p0 $0x88, s6;
	s7 =	simm.s32 @p2 $0x1082  }
0x22: {  	[simem:s7], [sflag:s8] =	dma.local @!p0 [hbm:s6], $0xF7A  }
0x23: {  	s9 =	sor.u32 $0xD0000000, s2;
	s6 =	simm.s32 $0x108;
	_ =	swait.ge @!p0 [sflag:s8], $0x0  }
0x24: {  	s3 =	sadd.s32 $0x88, s3;
	s6 =	simm.s32 @!p1 $0x1082;
	[sflag:s4] =	ssyncset.s32 $0xFFFFF086  }
0x25: {  	[simem:s6], [sflag:s4] =	dma.local [hbm:s3], $0xF7A  }
0x26: {  	[smem:$0x3F9B] =	sst s1;
	(tag) =	ssettag s2;
	_ =	strace s9  }
0x27: {  	s1 =	sld [smem:$0x3FAB]  }
0x28: {  	s2 =	sld [smem:$0x3FAC]  }
0x29: {  	s4 =	sld [smem:$0x3FAE]  }
0x2a: {  	p0 =	seq.s32 s5, $0x0;
	s5 =	sld [smem:$0x3FAF]  }
0x2b: {  	s6 =	sld [smem:$0x3FB0]  }
0x2c: {  	s7 =	sld [smem:$0x3FB1]  }
0x2d: {  	s3 =	simm.s32 $0x108;
	s8 =	sld [smem:$0x3FB2]  }
0x2e: {  	s3 =	simm.s32 @!p0 $0x1082;
	s9 =	sld [smem:$0x3FB3]  }
0x2f: {  	lr =	sadd.s32 s0, s3;
	s0 =	sld [smem:$0x3FAA]  }
0x30: {  	s3 =	sld [smem:$0x3FAD]  }
0x31: {  	[smem:$0x3FB6] =	sst s10  }
0x32: {  	s10 =	sld [smem:$0x3FB4];
	_ =	sdelay $0x3  }
0x33: {  	p0 =	seq.s32 s10, $0x1;
	s10 =	sld [smem:$0x3FB6];
	_ =	sdelay $0x3  }
0x34: {  	[smem:$0x3FB6] =	sst s10  }
0x35: {  	s10 =	sld [smem:$0x3FB5];
	_ =	sdelay $0x3  }
0x36: {  	p1 =	seq.s32 s10, $0x1;
	s10 =	sld [smem:$0x3FB6];
	_ =	sdelay $0x3  }
0x37: {  	[smem:$0x3FB6] =	sst s10  }
0x38: {  	s10 =	sld [smem:$0x3FB7]  }
0x39: {  	_ = 	snop;
	(pc) =	sbr.ind lr, $3  }
0x3a: {  	_ = 	snop  }
0x3b: {  	_ = 	snop  }
0x3c: {  	p2 =	seq.s32 s10, $0x1;
	s10 =	sld [smem:$0x3FB6]  }
0x3d: {  	_ =	shalt  }
0x3e: {  	_ =	shalt  }
0x3f: {  	_ =	shalt  }
0x40: {  	_ =	shalt  }
0x41: {  	_ =	shalt  }
0x42: {  	_ =	shalt  }
0x43: {  	_ =	shalt  }
0x44: {  	_ =	shalt  }
0x45: {  	_ =	shalt  }
0x46: {  	_ =	shalt  }
0x47: {  	_ =	shalt  }
0x48: {  	_ =	shalt  }
0x49: {  	_ =	shalt  }
0x4a: {  	_ =	shalt  }
0x4b: {  	_ =	shalt  }
0x4c: {  	_ =	shalt  }
0x4d: {  	_ =	shalt  }
0x4e: {  	_ =	shalt  }
0x4f: {  	_ =	shalt  }
0x50: {  	_ =	shalt  }
0x51: {  	_ =	shalt  }
0x52: {  	_ =	shalt  }
0x53: {  	_ =	shalt  }
0x54: {  	_ =	shalt  }
0x55: {  	_ =	shalt  }
0x56: {  	_ =	shalt  }
0x57: {  	_ =	shalt  }
0x58: {  	_ =	shalt  }
0x59: {  	_ =	shalt  }
0x5a: {  	_ =	shalt  }
0x5b: {  	_ =	shalt  }
0x5c: {  	_ =	shalt  }
0x5d: {  	_ =	shalt  }
0x5e: {  	_ =	shalt  }
0x5f: {  	_ =	shalt  }
0x60: {  	_ =	shalt  }
0x61: {  	_ =	shalt  }
0x62: {  	_ =	shalt  }
0x63: {  	_ =	shalt  }
0x64: {  	_ =	shalt  }
0x65: {  	_ =	shalt  }
0x66: {  	_ =	shalt  }
0x67: {  	_ =	shalt  }
0x68: {  	_ =	shalt  }
0x69: {  	_ =	shalt  }
0x6a: {  	_ =	shalt  }
0x6b: {  	_ =	shalt  }
0x6c: {  	_ =	shalt  }
0x6d: {  	_ =	shalt  }
0x6e: {  	_ =	shalt  }
0x6f: {  	_ =	shalt  }
0x70: {  	_ =	shalt  }
0x71: {  	_ =	shalt  }
0x72: {  	_ =	shalt  }
0x73: {  	_ =	shalt  }
0x74: {  	_ =	shalt  }
0x75: {  	_ =	shalt  }
0x76: {  	_ =	shalt  }
0x77: {  	_ =	shalt  }
0x78: {  	_ =	shalt  }
0x79: {  	_ =	shalt  }
0x7a: {  	_ =	shalt  }
0x7b: {  	_ =	shalt  }
0x7c: {  	_ =	shalt  }
0x7d: {  	_ =	shalt  }
0x7e: {  	_ =	shalt  }
0x7f: {  	_ =	shalt  }
0x80: {  	_ =	shalt  }
0x81: {  	_ =	shalt  }
0x82: {  	_ =	shalt  }
0x83: {  	_ =	shalt  }
0x84: {  	_ =	shalt  }
0x85: {  	_ =	shalt  }
0x86: {  	_ =	shalt  }
0x87: {  	_ =	shalt  }
.Lfunc_end0:
.L_simem_size_0:
called_computation.1_lowered:
.L_overlay_start_0:
0x88: {  	s2 =	sld [smem:$0x3FD9]  }
0x89: {  	s3 =	sld [smem:$0x3FFE];
	_ =	sdelay $0x1  }
0x8a: {  	s1 =	srdreg.scid  }
0x8b: {  	s0 =	sand.u32 $0x1, s1  }
0x8c: {  	s17 =	sshll.u32 s0, $0xA;
	s2 =	sadd.s32 s3, s2  }
0x8d: {  	s2 =	sadd.s32 s2, s17  }
0x8e: {  	[smem:$0x3FC2] =	sst s2  }
0x8f: {  	_ = 	snop  }
0x90: {  	s2 =	sld [smem:$0x3FD0];
	(tm) =	ssettm $0x1  }
0x91: {  	s18 =	sld [smem:$0x3FFB];
	_ =	sdelay $0x3  }
0x92: {  	_ =	strace s18  }
0x93: {  	s3 =	sld [smem:$0x3FFC];
	_ =	sdelay $0x3  }
0x94: {  	_ =	strace s3  }
0x95: {  	s3 =	sld [smem:$0x3FFD];
	_ =	sdelay $0x3  }
0x96: {  	_ =	strace s3  }
0x97: {  	_ =	strace $0x8FFFFFFF  }
0x98: {  	s19 =	sld [smem:$0x3FDB];
	_ =	sdelay $0x1  }
0x99: {  	s4 =	simm.s32 $_scs_section_size  }
0x9a: {  	s5 =	simm.s32 $_size__tile_overlayer_lowered;
	s6 =	simm.s32 $_tile_overlayer_lowered  }
0x9b: {  	s22 =	simm.s32 $0x1BFF;
	s21 =	sshll.u32 s6, $0x1;
	s3 =	sadd.s32 s4, s19  }
0x9c: {  	s7 =	simm.s32 $0x0;
	s20 =	sshll.u32 s5, $0x1;
	s5 =	sadd.s32 s21, s3  }
0x9d: {  	[timem:s7], [sflag:s22] =	dma.local [hbm:s5], s20  }
0x9e: {  	_ =	swait.ge [sflag:s22], s20  }
0x9f: {  	s4 =	ssub.s32 $0x0, s20;
	[sflag:s22] =	ssyncset.done $0x0  }
0xa0: {  	[sflag:s22] =	ssyncadd.s32 s4;
	_ =	sdelay $0x1  }
0xa1: {  	s23 =	simm.s32 $0x1B8B  }
0xa2: {  	_ =	swait.ge [sflag:s23], $0x1  }
0xa3: {  	[sflag:s23] =	ssyncset.done $0x0  }
0xa4: {  	s25 =	simm.s32 $0x1B8E;
	s24 =	sld [smem:$0x3FFE];
	[sflag:s23] =	ssyncadd.s32 $0xFFFFFFFF  }
0xa5: {  	s26 =	simm.s32 $execute0_lowered;
	[smem:$0x3FD2] =	sst s25  }
0xa6: {  	s5 =	sshll.u32 s26, $0x1;
	_ =	strace $0x80000049;
	[dreg:$0x1] =	wrdreg $0xFFFFFFFF  }
0xa7: {  	s28 =	simm.s32 $_size_execute0_lowered;
	s3 =	sadd.s32 s3, s5;
	[dreg:$0x0] =	wrdreg $0x0  }
0xa8: {  	s5 =	sshll.u32 s28, $0x1;
	[dreg:$0x2] =	wrdreg s3  }
0xa9: {  	[dreg:$0x3] =	wrdreg s5  }
0xaa: {  	[dreg:$0x4] =	wrdreg $0xC0  }
0xab: {  	_ =	task [dreg:s7], $0x5FFFF  }
0xac: {  	[dreg:$0x1] =	wrdreg $0xFFFFFFFF  }
0xad: {  	[dreg:$0x0] =	wrdreg $0x60  }
0xae: {  	[dreg:$0x2] =	wrdreg s24  }
0xaf: {  	[dreg:$0x3] =	wrdreg s2  }
0xb0: {  	[dreg:$0x4] =	wrdreg $0xA8000  }
0xb1: {  	[dreg:$0x5] =	wrdreg $0x9  }
0xb2: {  	_ =	task.clear_ibuf [dreg:s7], $0x6FFFF;
	_ =	strace $0x90000049  }
0xb3: {  	s29 =	simm.s32 $0x9;
	_ =	strace $0x8000004B  }
0xb4: {  	_ =	swait.ge [sflag:s29], $0x1  }
0xb5: {  	[sflag:s29] =	ssyncadd.s32 $0xFFFFFFFF  }
0xb6: {  	_ =	strace $0x9000004B  }
0xb7: {  	_ =	sfence  }
0xb8: {  	s30 =	sld [smem:$0x0];
	_ =	sdelay $0x2  }
0xb9: {  	s31 =	sshll.u32 s1, $0xD;
	s1 =	sshrl.u32 s1, $0x2  }
0xba: {  	s3 =	sand.u32 $0x4000, s31;
	s1 =	sadd.s32 s1, s30  }
0xbb: {  	s0 =	sor.u32 s3, s0;
	s1 =	sshll.u32 s1, $0x11  }
0xbc: {  	s0 =	sor.u32 s1, s0  }
0xbd: {  	s0 =	sadd.s32 $0x8F2B, s0  }
0xbe: {  	[sflag:s0] =	ssyncadd.remote.s32 $0x1  }
0xbf: {  	_ =	sfence.sel $0xFFFF  }
0xc0: {  	[dreg:$0x0] =	wrdreg $0xFFFFFFFF;
	(pc) =	sbr.abs _section_cstart, $3  }
0xc1: {  	[dreg:$0x1] =	wrdreg $0xFFFFFFFF  }
0xc2: {  	_ =	task.clear_ibuf [dreg:s7], $0x2FFFF;
	_ =	strace $0x9FFFFFFF  }
0xc3: {  	(tm) =	ssettm $0x7FFFFFFF  }
tec
execute0_lowered:
.L_overlay_start_1:
0x0: {  	(tag) =	ssettag $0x1  }
0x1: {  	s5 =	rddreg [dreg:$0x0]  }
0x2: {  	s1 =	rddreg [dreg:$0x1]  }
0x3: {  	s2 =	rddreg [dreg:$0x2]  }
0x4: {  	s0 =	rddreg [dreg:$0x3]  }
0x5: {  	s3 =	simm.s32 $0x0;
	s4 =	srdreg.scid;
	s16 =	simm.s32 $0x1400  }
0x6: {  	s17 =	simm.s32 $0x80;
	s18 =	simm.s32 $0x6800;
	s19 =	simm.s32 $0x1  }
0x7: {  	s20 =	simm.s32 $0x2;
	s21 =	simm.s32 $0x2700;
	s22 =	simm.s32 $0x2780  }
0x8: {  	s23 =	simm.s32 $0x0;
	[smem:$0x7FF] =	sst s3;
	s9 =	sadd.s32 $0x2A00, s5  }
0x9: {  	s6 =	sand.u32 $0x1, s4;
	s4 =	stileid.u32;
	s10 =	sadd.s32 $0xCA00, s5  }
0xa: {  	_ =	strace $0x8000004A;
	s7 =	smul.u32 $0x27100, s6;
	s8 =	sshll.u32 s6, $0x4  }
0xb: {  	s6 =	ssub.s32 $0x2, s6;
	p0 =	seq.s32 s4, $0xF;
	s14 =	smul.u32 $0x50000, s4  }
0xc: {  	s15 =	smul.u32 $0x2800, s4;
	s8 =	sor.u32 s4, s8;
	s28 =	sshrl.u32 s6, $0x1  }
0xd: {  	s12 =	sadd.s32 s7, s5;
	s11 =	smul.u32 $0x500, s8;
	s5 =	simm.s32 $0x6  }
0xe: {  	s8 =	smul.u32 $0x2800, s8;
	s13 =	ssub.s32 s6, s28;
	s30 =	sshrl.u32 s14, $0x2  }
0xf: {  	s14 =	simm.s32 $0x2800;
	s5 =	simm.s32 @!p0 $0x8;
	s31 =	sadd.s32 s15, s12  }
0x10: {  	s12 =	sadd.s32 s30, s2;
	s15 =	simm.s32 $0x3;
	s6 =	sadd.s32 s9, s11  }
0x11: {  	s7 =	sadd.s32 s10, s11;
	s8 =	sshrl.u32 s8, $0x3;
	s11 =	smax.u32 s13, $0x1  }
0x12: {  	s13 =	sadd.s32 $0x16A00, s31;
	s29 =	sadd.s32 $0x280, s8;
	s8 =	simm.s32 $0x5  }
0x13: {  	v0 =	vimm.f32 $0.0e+00;
	s9 =	sadd.s32 s9, s29;
	s10 =	sadd.s32 s10, s29;
	s8 =	simm.s32 @!p0 $0x8  }
.LBB2_1:
0x14: {  	s24 =	simm.s32 $0x0;
	s25 =	simm.s32 $0x200  }
.LBB2_2:
0x15: {  	p0 =	sne.s32 s25, $0x9E00;
	[tilespmem:s24+$0x2870] =	vst v0  }
0x16: {  	[tilespmem:s24+$0x2800] =	vst v0  }
0x17: {  	[tilespmem:s24+$0x2810] =	vst v0  }
.Ltmp0:
0x18: {  	[tilespmem:s24+$0x2820] =	vst v0;
	(pc) =	sbr.rel @p0 .LBB2_2-.Ltmp0, $4  }
0x19: {  	[tilespmem:s24+$0x2830] =	vst v0  }
0x1a: {  	[tilespmem:s24+$0x2840] =	vst v0  }
0x1b: {  	[tilespmem:s24+$0x2850] =	vst v0  }
0x1c: {  	[tilespmem:s24+$0x2860] =	vst v0;
	s24 =	sshra.s32 s25, $0x2;
	s25 =	sadd.s32 $0x200, s25  }
0x1d: {  	[tilespmem:s24+$0x2870] =	vst v0  }
0x1e: {  	[tilespmem:s24+$0x2800] =	vst v0  }
0x1f: {  	[tilespmem:s24+$0x2810] =	vst v0  }
0x20: {  	[tilespmem:s24+$0x2820] =	vst v0  }
0x21: {  	[tilespmem:s24+$0x2830] =	vst v0  }
0x22: {  	[tilespmem:s24+$0x2840] =	vst v0;
	p0 =	sne.s32 s5, $0x1  }
.Ltmp1:
0x23: {  	[tilespmem:s24+$0x2850] =	vst v0;
	(pc) =	sbr.rel @!p0 .LBB2_5-.Ltmp1, $4  }
0x24: {  	[tilespmem:s24+$0x2860] =	vst v0  }
0x25: {  	[spmem:s12] =	stream.linear.scatter [tilespmem:s14], [sflag:$0x3], $0x2800, $0x38;
	[tilespmem:$0x1E300] =	vst v63  }
0x26: {  	_ =	swait.ge [sflag:s15], $0x2800  }
0x27: {  	s24 =	sadd.s32 $0xFFFFFFFF, s5;
	s25 =	smov.u32 s12;
	[sflag:s15] =	ssyncset.done $0x0  }
.LBB2_4:
0x28: {  	p0 =	sne.s32 s24, $0x1;
	[sflag:s15] =	ssyncadd.s32 $0xFFFFD800;
	s25 =	sadd.s32 $0x2800, s25  }
.Ltmp2:
0x29: {  	s24 =	sadd.s32 $0xFFFFFFFF, s24;
	(pc) =	sbr.rel @p0 .LBB2_4-.Ltmp2, $4  }
0x2a: {  	_ = 	snop  }
0x2b: {  	[spmem:s25] =	stream.linear.scatter [tilespmem:s14], [sflag:$0x3], $0x2800, $0x38;
	[tilespmem:$0x1E300] =	vst v63  }
0x2c: {  	_ =	swait.ge [sflag:s15], $0x2800  }
0x2d: {  	[sflag:s15] =	ssyncset.done $0x0  }
.LBB2_5:
0x2e: {  	[sflag:s15] =	ssyncadd.s32 $0xFFFFD800  }
0x2f: {  	s24 =	simm.s32 $0x0;
	[bflag:$0x0] =	sbarrier.arrive $0xFFFF  }
0x30: {  	[tilespmem:s24], [sflag:$0x3] =	stream.linear.gather [hbm4b:s6+s24], $0x1400, $0x38;
	[tilespmem:$0x1E300] =	vst v63  }
0x31: {  	_ =	swait.ge [sflag:s15], $0x1400  }
0x32: {  	[sflag:s15] =	ssyncset.done $0x0  }
0x33: {  	[sflag:s15] =	ssyncadd.s32 $0xFFFFEC00  }
0x34: {  	[tilespmem:s16], [sflag:$0x3] =	stream.linear.gather [hbm4b:s7+s24], $0x1400, $0x38;
	[tilespmem:$0x1E300] =	vst v63  }
0x35: {  	_ =	swait.ge [sflag:s15], $0x1400  }
0x36: {  	[sflag:s15] =	ssyncset.done $0x0  }
0x37: {  	[sflag:s15] =	ssyncadd.s32 $0xFFFFEC00  }
0x38: {  	[tilespmem:s14], [sflag:$0x1] =	stream.indirect.gather [hbm4b:s1+s17], $0x80, s24, s17, $0xb8;
	[tilespmem:$0x1E300] =	vst v63  }
0x39: {  	_ = 	snop  }
0x3a: {  	[tilespmem:s18], [sflag:$0x2] =	stream.indirect.gather [hbm4b:s1+s17], $0x80, s17, s17, $0xb8;
	[tilespmem:$0x1E300] =	vst v63  }
0x3b: {  	_ =	swait.ge [sflag:s19], $0x4000  }
0x3c: {  	[sflag:s19] =	ssyncset.done $0x0  }
0x3d: {  	s29 =	simm.s32 $0x1400;
	[sflag:s19] =	ssyncadd.s32 $0xFFFFC000  }
0x3e: {  	[spmem:s2] =	stream.indirect.scatter.add.f32 [tilespmem:s14], [sflag:$0x3], $0x80, s29, s17, $0xb8;
	[tilespmem:$0x1E300] =	vst v63  }
0x3f: {  	_ =	swait.ge [sflag:s15], $0x4000  }
0x40: {  	[sflag:s15] =	ssyncset.done $0x0  }
0x41: {  	s30 =	simm.s32 $0x100;
	[sflag:s15] =	ssyncadd.s32 $0xFFFFC000  }
0x42: {  	[tilespmem:s14], [sflag:$0x1] =	stream.indirect.gather [hbm4b:s1+s17], $0x80, s30, s17, $0xb8;
	[tilespmem:$0x1E300] =	vst v63  }
0x43: {  	_ =	swait.ge [sflag:s20], $0x4000  }
0x44: {  	[sflag:s20] =	ssyncset.done $0x0  }
0x45: {  	s31 =	simm.s32 $0x1480;
	[sflag:s20] =	ssyncadd.s32 $0xFFFFC000  }
0x46: {  	[spmem:s2] =	stream.indirect.scatter.add.f32 [tilespmem:s18], [sflag:$0x3], $0x80, s31, s17, $0xb8;
	[tilespmem:$0x1E300] =	vst v63  }
0x47: {  	_ =	swait.ge [sflag:s15], $0x4000  }
0x48: {  	[sflag:s15] =	ssyncset.done $0x0  }
0x49: {  	s25 =	simm.s32 $0x180;
	s24 =	simm.s32 $0x400;
	[sflag:s15] =	ssyncadd.s32 $0xFFFFC000  }
.LBB2_6:
0x4a: {  	[tilespmem:s18], [sflag:$0x2] =	stream.indirect.gather [hbm4b:s1+s17], $0x80, s25, s17, $0xb8;
	[tilespmem:$0x1E300] =	vst v63  }
0x4b: {  	s25 =	smov.u32 s24  }
0x4c: {  	p0 =	sne.s32 s24, $0x4800;
	s24 =	sadd.s32 $0x400, s24;
	_ =	swait.ge [sflag:s19], $0x4000  }
0x4d: {  	s25 =	sshra.s32 s25, $0x2;
	[sflag:s19] =	ssyncset.done $0x0  }
0x4e: {  	s26 =	sadd.s32 $0x1400, s25;
	[sflag:s19] =	ssyncadd.s32 $0xFFFFC000  }
0x4f: {  	[spmem:s2] =	stream.indirect.scatter.add.f32 [tilespmem:s14], [sflag:$0x3], $0x80, s26, s17, $0xb8;
	[tilespmem:$0x1E300] =	vst v63  }
0x50: {  	_ =	swait.ge [sflag:s15], $0x4000  }
0x51: {  	[sflag:s15] =	ssyncset.done $0x0  }
0x52: {  	s26 =	sadd.s32 $0x100, s25;
	[sflag:s15] =	ssyncadd.s32 $0xFFFFC000  }
0x53: {  	[tilespmem:s14], [sflag:$0x1] =	stream.indirect.gather [hbm4b:s1+s17], $0x80, s26, s17, $0xb8;
	[tilespmem:$0x1E300] =	vst v63  }
0x54: {  	_ =	swait.ge [sflag:s20], $0x4000  }
0x55: {  	[sflag:s20] =	ssyncset.done $0x0  }
.Ltmp3:
0x56: {  	s26 =	sadd.s32 $0x1480, s25;
	[sflag:s20] =	ssyncadd.s32 $0xFFFFC000;
	(pc) =	sbr.rel @p0 .LBB2_6-.Ltmp3, $4  }
0x57: {  	[spmem:s2] =	stream.indirect.scatter.add.f32 [tilespmem:s18], [sflag:$0x3], $0x80, s26, s17, $0xb8;
	[tilespmem:$0x1E300] =	vst v63  }
0x58: {  	_ =	swait.ge [sflag:s15], $0x4000  }
0x59: {  	[sflag:s15] =	ssyncset.done $0x0  }
0x5a: {  	s25 =	sadd.s32 $0x180, s25;
	[sflag:s15] =	ssyncadd.s32 $0xFFFFC000  }
0x5b: {  	[tilespmem:s18], [sflag:$0x2] =	stream.indirect.gather [hbm4b:s1+s17], $0x80, s25, s17, $0xb8;
	[tilespmem:$0x1E300] =	vst v63  }
0x5c: {  	_ =	swait.ge [sflag:s19], $0x4000  }
0x5d: {  	[sflag:s19] =	ssyncset.done $0x0  }
0x5e: {  	[sflag:s19] =	ssyncadd.s32 $0xFFFFC000  }
0x5f: {  	[spmem:s2] =	stream.indirect.scatter.add.f32 [tilespmem:s14], [sflag:$0x3], $0x80, s21, s17, $0xb8;
	[tilespmem:$0x1E300] =	vst v63  }
0x60: {  	_ =	swait.ge [sflag:s15], $0x4000  }
0x61: {  	[sflag:s15] =	ssyncset.done $0x0  }
0x62: {  	[sflag:s15] =	ssyncadd.s32 $0xFFFFC000  }
0x63: {  	_ =	swait.ge [sflag:s20], $0x4000  }
0x64: {  	[sflag:s20] =	ssyncset.done $0x0  }
0x65: {  	[sflag:s20] =	ssyncadd.s32 $0xFFFFC000  }
0x66: {  	[spmem:s2] =	stream.indirect.scatter.add.f32 [tilespmem:s18], [sflag:$0x3], $0x80, s22, s17, $0xb8;
	[tilespmem:$0x1E300] =	vst v63  }
0x67: {  	_ =	swait.ge [sflag:s15], $0x4000  }
0x68: {  	[sflag:s15] =	ssyncset.done $0x0  }
0x69: {  	s24 =	simm.s32 $0x0;
	[sflag:s15] =	ssyncadd.s32 $0xFFFFC000  }
0x6a: {  	[tilespmem:s24], [sflag:$0x3] =	stream.linear.gather [hbm4b:s9+s24], $0x1400, $0x38;
	[tilespmem:$0x1E300] =	vst v63  }
0x6b: {  	_ =	swait.ge [sflag:s15], $0x1400  }
0x6c: {  	[sflag:s15] =	ssyncset.done $0x0  }
0x6d: {  	[sflag:s15] =	ssyncadd.s32 $0xFFFFEC00  }
0x6e: {  	[tilespmem:s16], [sflag:$0x3] =	stream.linear.gather [hbm4b:s10+s24], $0x1400, $0x38;
	[tilespmem:$0x1E300] =	vst v63  }
0x6f: {  	_ =	swait.ge [sflag:s15], $0x1400  }
0x70: {  	[sflag:s15] =	ssyncset.done $0x0  }
0x71: {  	[sflag:s15] =	ssyncadd.s32 $0xFFFFEC00  }
0x72: {  	[tilespmem:s14], [sflag:$0x1] =	stream.indirect.gather [hbm4b:s1+s17], $0x80, s24, s17, $0xb8;
	[tilespmem:$0x1E300] =	vst v63  }
0x73: {  	_ = 	snop  }
0x74: {  	[tilespmem:s18], [sflag:$0x2] =	stream.indirect.gather [hbm4b:s1+s17], $0x80, s17, s17, $0xb8;
	[tilespmem:$0x1E300] =	vst v63  }
0x75: {  	_ =	swait.ge [sflag:s19], $0x4000  }
0x76: {  	[sflag:s19] =	ssyncset.done $0x0  }
0x77: {  	s29 =	simm.s32 $0x1400;
	[sflag:s19] =	ssyncadd.s32 $0xFFFFC000  }
0x78: {  	[spmem:s2] =	stream.indirect.scatter.add.f32 [tilespmem:s14], [sflag:$0x3], $0x80, s29, s17, $0xb8;
	[tilespmem:$0x1E300] =	vst v63  }
0x79: {  	_ =	swait.ge [sflag:s15], $0x4000  }
0x7a: {  	[sflag:s15] =	ssyncset.done $0x0  }
0x7b: {  	s30 =	simm.s32 $0x100;
	[sflag:s15] =	ssyncadd.s32 $0xFFFFC000  }
0x7c: {  	[tilespmem:s14], [sflag:$0x1] =	stream.indirect.gather [hbm4b:s1+s17], $0x80, s30, s17, $0xb8;
	[tilespmem:$0x1E300] =	vst v63  }
0x7d: {  	_ =	swait.ge [sflag:s20], $0x4000  }
0x7e: {  	[sflag:s20] =	ssyncset.done $0x0  }
0x7f: {  	s31 =	simm.s32 $0x1480;
	[sflag:s20] =	ssyncadd.s32 $0xFFFFC000  }
0x80: {  	[spmem:s2] =	stream.indirect.scatter.add.f32 [tilespmem:s18], [sflag:$0x3], $0x80, s31, s17, $0xb8;
	[tilespmem:$0x1E300] =	vst v63  }
0x81: {  	_ =	swait.ge [sflag:s15], $0x4000  }
0x82: {  	[sflag:s15] =	ssyncset.done $0x0  }
0x83: {  	s25 =	simm.s32 $0x180;
	s24 =	simm.s32 $0x400;
	[sflag:s15] =	ssyncadd.s32 $0xFFFFC000  }
.LBB2_8:
0x84: {  	[tilespmem:s18], [sflag:$0x2] =	stream.indirect.gather [hbm4b:s1+s17], $0x80, s25, s17, $0xb8;
	[tilespmem:$0x1E300] =	vst v63  }
0x85: {  	s25 =	smov.u32 s24  }
0x86: {  	p0 =	sne.s32 s24, $0x4800;
	s24 =	sadd.s32 $0x400, s24;
	_ =	swait.ge [sflag:s19], $0x4000  }
0x87: {  	s25 =	sshra.s32 s25, $0x2;
	[sflag:s19] =	ssyncset.done $0x0  }
0x88: {  	s26 =	sadd.s32 $0x1400, s25;
	[sflag:s19] =	ssyncadd.s32 $0xFFFFC000  }
0x89: {  	[spmem:s2] =	stream.indirect.scatter.add.f32 [tilespmem:s14], [sflag:$0x3], $0x80, s26, s17, $0xb8;
	[tilespmem:$0x1E300] =	vst v63  }
0x8a: {  	_ =	swait.ge [sflag:s15], $0x4000  }
0x8b: {  	[sflag:s15] =	ssyncset.done $0x0  }
0x8c: {  	s26 =	sadd.s32 $0x100, s25;
	[sflag:s15] =	ssyncadd.s32 $0xFFFFC000  }
0x8d: {  	[tilespmem:s14], [sflag:$0x1] =	stream.indirect.gather [hbm4b:s1+s17], $0x80, s26, s17, $0xb8;
	[tilespmem:$0x1E300] =	vst v63  }
0x8e: {  	_ =	swait.ge [sflag:s20], $0x4000  }
0x8f: {  	[sflag:s20] =	ssyncset.done $0x0  }
.Ltmp4:
0x90: {  	s26 =	sadd.s32 $0x1480, s25;
	[sflag:s20] =	ssyncadd.s32 $0xFFFFC000;
	(pc) =	sbr.rel @p0 .LBB2_8-.Ltmp4, $4  }
0x91: {  	[spmem:s2] =	stream.indirect.scatter.add.f32 [tilespmem:s18], [sflag:$0x3], $0x80, s26, s17, $0xb8;
	[tilespmem:$0x1E300] =	vst v63  }
0x92: {  	_ =	swait.ge [sflag:s15], $0x4000  }
0x93: {  	[sflag:s15] =	ssyncset.done $0x0  }
0x94: {  	s25 =	sadd.s32 $0x180, s25;
	[sflag:s15] =	ssyncadd.s32 $0xFFFFC000  }
0x95: {  	[tilespmem:s18], [sflag:$0x2] =	stream.indirect.gather [hbm4b:s1+s17], $0x80, s25, s17, $0xb8;
	[tilespmem:$0x1E300] =	vst v63  }
0x96: {  	_ =	swait.ge [sflag:s19], $0x4000  }
0x97: {  	[sflag:s19] =	ssyncset.done $0x0  }
0x98: {  	[sflag:s19] =	ssyncadd.s32 $0xFFFFC000  }
0x99: {  	[spmem:s2] =	stream.indirect.scatter.add.f32 [tilespmem:s14], [sflag:$0x3], $0x80, s21, s17, $0xb8;
	[tilespmem:$0x1E300] =	vst v63  }
0x9a: {  	_ =	swait.ge [sflag:s15], $0x4000  }
0x9b: {  	[sflag:s15] =	ssyncset.done $0x0  }
0x9c: {  	[sflag:s15] =	ssyncadd.s32 $0xFFFFC000  }
0x9d: {  	_ =	swait.ge [sflag:s20], $0x4000  }
0x9e: {  	[sflag:s20] =	ssyncset.done $0x0  }
0x9f: {  	[sflag:s20] =	ssyncadd.s32 $0xFFFFC000  }
0xa0: {  	[spmem:s2] =	stream.indirect.scatter.add.f32 [tilespmem:s18], [sflag:$0x3], $0x80, s22, s17, $0xb8;
	[tilespmem:$0x1E300] =	vst v63  }
0xa1: {  	_ =	swait.ge [sflag:s15], $0x4000  }
0xa2: {  	[sflag:s15] =	ssyncset.done $0x0  }
0xa3: {  	[sflag:s15] =	ssyncadd.s32 $0xFFFFC000  }
0xa4: {  	[bflag:$0x0] =	sbarrier.arrive $0xFFFF  }
0xa5: {  	[tilespmem:s14], [sflag:$0x3] =	stream.linear.gather [spmem:s12], $0x2800, $0x38;
	[tilespmem:$0x1E300] =	vst v63  }
0xa6: {  	p0 =	sne.s32 s8, $0x1;
	_ =	swait.ge [sflag:s15], $0x2800  }
.Ltmp5:
0xa7: {  	[sflag:s15] =	ssyncset.done $0x0;
	(pc) =	sbr.rel @!p0 .LBB2_11-.Ltmp5, $4  }
0xa8: {  	[sflag:s15] =	ssyncadd.s32 $0xFFFFD800  }
0xa9: {  	[hbm4b:s13+s3] =	stream.linear.scatter [tilespmem:s14], [sflag:$0x3], $0x2800, $0x38;
	[tilespmem:$0x1E300] =	vst v63  }
0xaa: {  	s24 =	sadd.s32 $0xFFFFFFFF, s8;
	_ =	swait.ge [sflag:s15], $0x2800  }
0xab: {  	s25 =	smov.u32 s12;
	s26 =	smov.u32 s13;
	[sflag:s15] =	ssyncset.done $0x0  }
.LBB2_10:
0xac: {  	[sflag:s15] =	ssyncadd.s32 $0xFFFFD800;
	s25 =	sadd.s32 $0x2800, s25;
	s26 =	sadd.s32 $0x500, s26  }
0xad: {  	[tilespmem:s14], [sflag:$0x3] =	stream.linear.gather [spmem:s25], $0x2800, $0x38;
	[tilespmem:$0x1E300] =	vst v63  }
0xae: {  	p0 =	sne.s32 s24, $0x1;
	s24 =	sadd.s32 $0xFFFFFFFF, s24;
	_ =	swait.ge [sflag:s15], $0x2800  }
.Ltmp6:
0xaf: {  	[sflag:s15] =	ssyncset.done $0x0;
	(pc) =	sbr.rel @p0 .LBB2_10-.Ltmp6, $4  }
0xb0: {  	[sflag:s15] =	ssyncadd.s32 $0xFFFFD800  }
0xb1: {  	[hbm4b:s26+s3] =	stream.linear.scatter [tilespmem:s14], [sflag:$0x3], $0x2800, $0x38;
	[tilespmem:$0x1E300] =	vst v63  }
0xb2: {  	_ =	swait.ge [sflag:s15], $0x2800  }
0xb3: {  	[sflag:s15] =	ssyncset.done $0x0  }
.LBB2_11:
0xb4: {  	s23 =	sadd.s32 $0x1, s23  }
0xb5: {  	p0 =	sne.s32 s23, s11  }
.Ltmp7:
0xb6: {  	_ = 	snop;
	(pc) =	sbr.rel @p0 .LBB2_1-.Ltmp7, $2  }
0xb7: {  	_ =	sdelay $0x2  }
0xb8: {  	[sflag:s15] =	ssyncadd.s32 $0xFFFFD800  }
0xb9: {  	_ =	sfence.sel $0x180000  }
0xba: {  	[bflag:$0x0] =	sbarrier.arrive $0xFFFF  }
0xbb: {  	p0 =	sne.s32 s4, $0x0;
	_ =	strace $0x9000004A  }
0xbc: {  	s0 =	sadd.s32 @!p0 $0x100000, s0;
	[bflag:$0x2] =	sbarrier.arrive $0xFFFF  }
0xbd: {  	[sflag:s0] =	ssyncadd.tile.s32 @!p0 $0x1;
	_ =	shalt  }
.Lfunc_end2:
_tile_overlayer_lowered:
.L_overlay_start_2:
0xbe: {  	(tag) =	ssettag $0x2  }
0xbf: {  	s0 =	rddreg [dreg:$0x0];
	s2 =	stileid.u32  }
0xc0: {  	s1 =	rddreg [dreg:$0x1];
	p0 =	sne.s32 s2, $0x0  }
0xc1: {  	s3 =	rddreg [dreg:$0x2];
	[bflag:$0x3] =	sbarrier.arrive $0xFFFF;
	s2 =	simm.s32 @!p0 $0x1C03  }
0xc2: {  	[timem:s3], [sflag:s2] =	dma.local @!p0 [hbm:s0], s1  }
0xc3: {  	s0 =	simm.s32 @!p0 $0x3  }
0xc4: {  	_ =	swait.ge @!p0 [sflag:s0], s1  }
0xc5: {  	s1 =	ssub.s32 @!p0 $0x0, s1;
	[sflag:s0] =	ssyncset.done @!p0 $0x0  }
0xc6: {  	[sflag:s0] =	ssyncadd.s32 @!p0 s1  }
0xc7: {  	[bflag:$0x3] =	sbarrier.arrive $0xFFFF  }
0xc8: {  	_ =	shalt  }

// kernel: kernel.15.cloned.1.call-start
scs
__scs_entry_jumppad:
0x0: {  	(pc) =	sbr.rel $0x88, $3  }
0x1: {  	(tag) =	ssettag $0x0;
	lr =	simm.s32 $0x1  }
0x2: {  	[smem:$0x3F9B] =	sst lr;
	_ =	strace $0xD0000000  }
0x3: {  	_ = 	snop  }
0x4: {  	_ = 	snop  }
0x5: {  	_ = 	snop  }
0x6: {  	_ = 	snop  }
0x7: {  	_ = 	snop  }
__scs_overlays_trampoline_lowered:
0x8: {  	[smem:$0x3FAA] =	sst s0  }
0x9: {  	[smem:$0x3FAB] =	sst s1  }
0xa: {  	[smem:$0x3FAC] =	sst s2  }
0xb: {  	[smem:$0x3FAD] =	sst s3  }
0xc: {  	[smem:$0x3FAE] =	sst s4  }
0xd: {  	[smem:$0x3FAF] =	sst s5  }
0xe: {  	[smem:$0x3FB0] =	sst s6  }
0xf: {  	[smem:$0x3FB1] =	sst s7  }
0x10: {  	[smem:$0x3FB2] =	sst s8  }
0x11: {  	[smem:$0x3FB3] =	sst s9;
	s0 =	simm.s32 @!p0 $0x0  }
0x12: {  	s1 =	sld [smem:$0x3F99];
	s0 =	simm.s32 @p0 $0x1  }
0x13: {  	[smem:$0x3FB4] =	sst s0;
	s0 =	simm.s32 @!p1 $0x0  }
0x14: {  	s2 =	sld [smem:$0x3F98];
	s0 =	simm.s32 @p1 $0x1  }
0x15: {  	[smem:$0x3FB5] =	sst s0;
	s0 =	simm.s32 @!p2 $0x0  }
0x16: {  	s3 =	sld [smem:$0x3FDB];
	s0 =	simm.s32 @p2 $0x1  }
0x17: {  	s4 =	simm.s32 $0x1BF5;
	[smem:$0x3FB7] =	sst s0  }
0x18: {  	s0 =	sld [smem:$0x3F9A];
	_ =	swait.ge [sflag:s4], $0x0  }
0x19: {  	s7 =	sld [smem:$0x3F9B]  }
0x1a: {  	s8 =	sadd.s32 $0xFFFFE003, lr  }
0x1b: {  	s9 =	sadd.s32 $0xFFFFFEF7, lr;
	s5 =	simm.s32 $0xFFFFFFFF;
	p2 =	slt.u32 s8, $0xFFFFF086  }
0x1c: {  	p1 =	slt.u32 s9, $0xF7A;
	s5 =	simm.s32 @!p2 $0x0  }
0x1d: {  	s5 =	simm.s32 @p1 $0x1;
	p0 =	seq.s32 s7, s2  }
0x1e: {  	s7 =	smul.u32 @!p0 $0xF7A, s2;
	p2 =	seq.s32 @!p0 s5, $0x0  }
0x1f: {  	s9 =	smul.u32 $0xF7A, s1;
	s8 =	simm.s32 @!p0 $0x1BF5;
	p2 =	por !p2, p0  }
0x20: {  	[sflag:s8] =	ssyncset.s32 @!p0 $0xFFFFF086;
	s6 =	sadd.s32 @!p0 s3, s7;
	s7 =	simm.s32 @!p0 $0x108  }
0x21: {  	s3 =	sadd.s32 s3, s9;
	s6 =	sadd.s32 @!p0 $0x88, s6;
	s7 =	simm.s32 @p2 $0x1082  }
0x22: {  	[simem:s7], [sflag:s8] =	dma.local @!p0 [hbm:s6], $0xF7A  }
0x23: {  	s9 =	sor.u32 $0xD0000000, s2;
	s6 =	simm.s32 $0x108;
	_ =	swait.ge @!p0 [sflag:s8], $0x0  }
0x24: {  	s3 =	sadd.s32 $0x88, s3;
	s6 =	simm.s32 @!p1 $0x1082;
	[sflag:s4] =	ssyncset.s32 $0xFFFFF086  }
0x25: {  	[simem:s6], [sflag:s4] =	dma.local [hbm:s3], $0xF7A  }
0x26: {  	[smem:$0x3F9B] =	sst s1;
	(tag) =	ssettag s2;
	_ =	strace s9  }
0x27: {  	s1 =	sld [smem:$0x3FAB]  }
0x28: {  	s2 =	sld [smem:$0x3FAC]  }
0x29: {  	s4 =	sld [smem:$0x3FAE]  }
0x2a: {  	p0 =	seq.s32 s5, $0x0;
	s5 =	sld [smem:$0x3FAF]  }
0x2b: {  	s6 =	sld [smem:$0x3FB0]  }
0x2c: {  	s7 =	sld [smem:$0x3FB1]  }
0x2d: {  	s3 =	simm.s32 $0x108;
	s8 =	sld [smem:$0x3FB2]  }
0x2e: {  	s3 =	simm.s32 @!p0 $0x1082;
	s9 =	sld [smem:$0x3FB3]  }
0x2f: {  	lr =	sadd.s32 s0, s3;
	s0 =	sld [smem:$0x3FAA]  }
0x30: {  	s3 =	sld [smem:$0x3FAD]  }
0x31: {  	[smem:$0x3FB6] =	sst s10  }
0x32: {  	s10 =	sld [smem:$0x3FB4];
	_ =	sdelay $0x3  }
0x33: {  	p0 =	seq.s32 s10, $0x1;
	s10 =	sld [smem:$0x3FB6];
	_ =	sdelay $0x3  }
0x34: {  	[smem:$0x3FB6] =	sst s10  }
0x35: {  	s10 =	sld [smem:$0x3FB5];
	_ =	sdelay $0x3  }
0x36: {  	p1 =	seq.s32 s10, $0x1;
	s10 =	sld [smem:$0x3FB6];
	_ =	sdelay $0x3  }
0x37: {  	[smem:$0x3FB6] =	sst s10  }
0x38: {  	s10 =	sld [smem:$0x3FB7]  }
0x39: {  	_ = 	snop;
	(pc) =	sbr.ind lr, $3  }
0x3a: {  	_ = 	snop  }
0x3b: {  	_ = 	snop  }
0x3c: {  	p2 =	seq.s32 s10, $0x1;
	s10 =	sld [smem:$0x3FB6]  }
0x3d: {  	_ =	shalt  }
0x3e: {  	_ =	shalt  }
0x3f: {  	_ =	shalt  }
0x40: {  	_ =	shalt  }
0x41: {  	_ =	shalt  }
0x42: {  	_ =	shalt  }
0x43: {  	_ =	shalt  }
0x44: {  	_ =	shalt  }
0x45: {  	_ =	shalt  }
0x46: {  	_ =	shalt  }
0x47: {  	_ =	shalt  }
0x48: {  	_ =	shalt  }
0x49: {  	_ =	shalt  }
0x4a: {  	_ =	shalt  }
0x4b: {  	_ =	shalt  }
0x4c: {  	_ =	shalt  }
0x4d: {  	_ =	shalt  }
0x4e: {  	_ =	shalt  }
0x4f: {  	_ =	shalt  }
0x50: {  	_ =	shalt  }
0x51: {  	_ =	shalt  }
0x52: {  	_ =	shalt  }
0x53: {  	_ =	shalt  }
0x54: {  	_ =	shalt  }
0x55: {  	_ =	shalt  }
0x56: {  	_ =	shalt  }
0x57: {  	_ =	shalt  }
0x58: {  	_ =	shalt  }
0x59: {  	_ =	shalt  }
0x5a: {  	_ =	shalt  }
0x5b: {  	_ =	shalt  }
0x5c: {  	_ =	shalt  }
0x5d: {  	_ =	shalt  }
0x5e: {  	_ =	shalt  }
0x5f: {  	_ =	shalt  }
0x60: {  	_ =	shalt  }
0x61: {  	_ =	shalt  }
0x62: {  	_ =	shalt  }
0x63: {  	_ =	shalt  }
0x64: {  	_ =	shalt  }
0x65: {  	_ =	shalt  }
0x66: {  	_ =	shalt  }
0x67: {  	_ =	shalt  }
0x68: {  	_ =	shalt  }
0x69: {  	_ =	shalt  }
0x6a: {  	_ =	shalt  }
0x6b: {  	_ =	shalt  }
0x6c: {  	_ =	shalt  }
0x6d: {  	_ =	shalt  }
0x6e: {  	_ =	shalt  }
0x6f: {  	_ =	shalt  }
0x70: {  	_ =	shalt  }
0x71: {  	_ =	shalt  }
0x72: {  	_ =	shalt  }
0x73: {  	_ =	shalt  }
0x74: {  	_ =	shalt  }
0x75: {  	_ =	shalt  }
0x76: {  	_ =	shalt  }
0x77: {  	_ =	shalt  }
0x78: {  	_ =	shalt  }
0x79: {  	_ =	shalt  }
0x7a: {  	_ =	shalt  }
0x7b: {  	_ =	shalt  }
0x7c: {  	_ =	shalt  }
0x7d: {  	_ =	shalt  }
0x7e: {  	_ =	shalt  }
0x7f: {  	_ =	shalt  }
0x80: {  	_ =	shalt  }
0x81: {  	_ =	shalt  }
0x82: {  	_ =	shalt  }
0x83: {  	_ =	shalt  }
0x84: {  	_ =	shalt  }
0x85: {  	_ =	shalt  }
0x86: {  	_ =	shalt  }
0x87: {  	_ =	shalt  }
.Lfunc_end0:
.L_simem_size_0:
called_computation.2_lowered:
.L_overlay_start_0:
0x88: {  	s2 =	sld [smem:$0x3FD9]  }
0x89: {  	s3 =	sld [smem:$0x3FFE];
	_ =	sdelay $0x1  }
0x8a: {  	s1 =	srdreg.scid  }
0x8b: {  	s0 =	sand.u32 $0x1, s1  }
0x8c: {  	s17 =	sshll.u32 s0, $0xA;
	s2 =	sadd.s32 s3, s2  }
0x8d: {  	s2 =	sadd.s32 s2, s17  }
0x8e: {  	[smem:$0x3FC2] =	sst s2  }
0x8f: {  	_ = 	snop  }
0x90: {  	s2 =	sld [smem:$0x3FD0];
	(tm) =	ssettm $0x1  }
0x91: {  	s18 =	sld [smem:$0x3FFB];
	_ =	sdelay $0x3  }
0x92: {  	_ =	strace s18  }
0x93: {  	s3 =	sld [smem:$0x3FFC];
	_ =	sdelay $0x3  }
0x94: {  	_ =	strace s3  }
0x95: {  	s3 =	sld [smem:$0x3FFD];
	_ =	sdelay $0x3  }
0x96: {  	_ =	strace s3  }
0x97: {  	_ =	strace $0x8FFFFFFF  }
0x98: {  	s19 =	sld [smem:$0x3FDB];
	_ =	sdelay $0x1  }
0x99: {  	s4 =	simm.s32 $_scs_section_size  }
0x9a: {  	s5 =	simm.s32 $_size__tile_overlayer_lowered;
	s6 =	simm.s32 $_tile_overlayer_lowered  }
0x9b: {  	s22 =	simm.s32 $0x1BFF;
	s21 =	sshll.u32 s6, $0x1;
	s3 =	sadd.s32 s4, s19  }
0x9c: {  	s7 =	simm.s32 $0x0;
	s20 =	sshll.u32 s5, $0x1;
	s5 =	sadd.s32 s21, s3  }
0x9d: {  	[timem:s7], [sflag:s22] =	dma.local [hbm:s5], s20  }
0x9e: {  	_ =	swait.ge [sflag:s22], s20  }
0x9f: {  	s4 =	ssub.s32 $0x0, s20;
	[sflag:s22] =	ssyncset.done $0x0  }
0xa0: {  	[sflag:s22] =	ssyncadd.s32 s4;
	_ =	sdelay $0x1  }
0xa1: {  	s23 =	simm.s32 $0x1B8B  }
0xa2: {  	_ =	swait.ge [sflag:s23], $0x1  }
0xa3: {  	[sflag:s23] =	ssyncset.done $0x0  }
0xa4: {  	s25 =	simm.s32 $0x1B8E;
	s24 =	sld [smem:$0x3FFE];
	[sflag:s23] =	ssyncadd.s32 $0xFFFFFFFF  }
0xa5: {  	s26 =	simm.s32 $execute0_lowered;
	[smem:$0x3FD2] =	sst s25  }
0xa6: {  	s5 =	sshll.u32 s26, $0x1;
	_ =	strace $0x8000004C;
	[dreg:$0x1] =	wrdreg $0xFFFFFFFF  }
0xa7: {  	s28 =	simm.s32 $_size_execute0_lowered;
	s3 =	sadd.s32 s3, s5;
	[dreg:$0x0] =	wrdreg $0x0  }
0xa8: {  	s5 =	sshll.u32 s28, $0x1;
	[dreg:$0x2] =	wrdreg s3  }
0xa9: {  	[dreg:$0x3] =	wrdreg s5  }
0xaa: {  	[dreg:$0x4] =	wrdreg $0xC0  }
0xab: {  	_ =	task [dreg:s7], $0x5FFFF  }
0xac: {  	[dreg:$0x1] =	wrdreg $0xFFFFFFFF  }
0xad: {  	[dreg:$0x0] =	wrdreg $0x60  }
0xae: {  	[dreg:$0x2] =	wrdreg s24  }
0xaf: {  	[dreg:$0x3] =	wrdreg s2  }
0xb0: {  	[dreg:$0x4] =	wrdreg $0xA8000  }
0xb1: {  	[dreg:$0x5] =	wrdreg $0x9  }
0xb2: {  	_ =	task.clear_ibuf [dreg:s7], $0x6FFFF;
	_ =	strace $0x9000004C  }
0xb3: {  	s29 =	simm.s32 $0x9;
	_ =	strace $0x8000004E  }
0xb4: {  	_ =	swait.ge [sflag:s29], $0x1  }
0xb5: {  	[sflag:s29] =	ssyncadd.s32 $0xFFFFFFFF  }
0xb6: {  	_ =	strace $0x9000004E  }
0xb7: {  	_ =	sfence  }
0xb8: {  	s30 =	sld [smem:$0x0];
	_ =	sdelay $0x2  }
0xb9: {  	s31 =	sshll.u32 s1, $0xD;
	s1 =	sshrl.u32 s1, $0x2  }
0xba: {  	s3 =	sand.u32 $0x4000, s31;
	s1 =	sadd.s32 s1, s30  }
0xbb: {  	s0 =	sor.u32 s3, s0;
	s1 =	sshll.u32 s1, $0x11  }
0xbc: {  	s0 =	sor.u32 s1, s0  }
0xbd: {  	s0 =	sadd.s32 $0x8F2B, s0  }
0xbe: {  	[sflag:s0] =	ssyncadd.remote.s32 $0x1  }
0xbf: {  	_ =	sfence.sel $0xFFFF  }
0xc0: {  	[dreg:$0x0] =	wrdreg $0xFFFFFFFF;
	(pc) =	sbr.abs _section_cstart, $3  }
0xc1: {  	[dreg:$0x1] =	wrdreg $0xFFFFFFFF  }
0xc2: {  	_ =	task.clear_ibuf [dreg:s7], $0x2FFFF;
	_ =	strace $0x9FFFFFFF  }
0xc3: {  	(tm) =	ssettm $0x7FFFFFFF  }
tec
execute0_lowered:
.L_overlay_start_1:
0x0: {  	(tag) =	ssettag $0x1  }
0x1: {  	s5 =	rddreg [dreg:$0x0]  }
0x2: {  	s1 =	rddreg [dreg:$0x1]  }
0x3: {  	s2 =	rddreg [dreg:$0x2]  }
0x4: {  	s0 =	rddreg [dreg:$0x3]  }
0x5: {  	s3 =	simm.s32 $0x0;
	s4 =	srdreg.scid;
	s16 =	simm.s32 $0x1400  }
0x6: {  	s17 =	simm.s32 $0x80;
	s18 =	simm.s32 $0x6800;
	s19 =	simm.s32 $0x1  }
0x7: {  	s20 =	simm.s32 $0x2;
	s21 =	simm.s32 $0x2700;
	s22 =	simm.s32 $0x2780  }
0x8: {  	s23 =	simm.s32 $0x0;
	[smem:$0x7FF] =	sst s3;
	s9 =	sadd.s32 $0x2A00, s5  }
0x9: {  	s6 =	sand.u32 $0x1, s4;
	s4 =	stileid.u32;
	s10 =	sadd.s32 $0xCA00, s5  }
0xa: {  	_ =	strace $0x8000004D;
	s7 =	smul.u32 $0x27100, s6;
	s8 =	sshll.u32 s6, $0x4  }
0xb: {  	s6 =	ssub.s32 $0x2, s6;
	p0 =	seq.s32 s4, $0xF;
	s14 =	smul.u32 $0x50000, s4  }
0xc: {  	s15 =	smul.u32 $0x2800, s4;
	s8 =	sor.u32 s4, s8;
	s28 =	sshrl.u32 s6, $0x1  }
0xd: {  	s12 =	sadd.s32 s7, s5;
	s11 =	smul.u32 $0x500, s8;
	s5 =	simm.s32 $0x6  }
0xe: {  	s8 =	smul.u32 $0x2800, s8;
	s13 =	ssub.s32 s6, s28;
	s30 =	sshrl.u32 s14, $0x2  }
0xf: {  	s14 =	simm.s32 $0x2800;
	s5 =	simm.s32 @!p0 $0x8;
	s31 =	sadd.s32 s15, s12  }
0x10: {  	s12 =	sadd.s32 s30, s2;
	s15 =	simm.s32 $0x3;
	s6 =	sadd.s32 s9, s11  }
0x11: {  	s7 =	sadd.s32 s10, s11;
	s8 =	sshrl.u32 s8, $0x3;
	s11 =	smax.u32 s13, $0x1  }
0x12: {  	s13 =	sadd.s32 $0x16A00, s31;
	s29 =	sadd.s32 $0x280, s8;
	s8 =	simm.s32 $0x5  }
0x13: {  	v0 =	vimm.f32 $0.0e+00;
	s9 =	sadd.s32 s9, s29;
	s10 =	sadd.s32 s10, s29;
	s8 =	simm.s32 @!p0 $0x8  }
.LBB2_1:
0x14: {  	s24 =	simm.s32 $0x0;
	s25 =	simm.s32 $0x200  }
.LBB2_2:
0x15: {  	p0 =	sne.s32 s25, $0x9E00;
	[tilespmem:s24+$0x2870] =	vst v0  }
0x16: {  	[tilespmem:s24+$0x2800] =	vst v0  }
0x17: {  	[tilespmem:s24+$0x2810] =	vst v0  }
.Ltmp0:
0x18: {  	[tilespmem:s24+$0x2820] =	vst v0;
	(pc) =	sbr.rel @p0 .LBB2_2-.Ltmp0, $4  }
0x19: {  	[tilespmem:s24+$0x2830] =	vst v0  }
0x1a: {  	[tilespmem:s24+$0x2840] =	vst v0  }
0x1b: {  	[tilespmem:s24+$0x2850] =	vst v0  }
0x1c: {  	[tilespmem:s24+$0x2860] =	vst v0;
	s24 =	sshra.s32 s25, $0x2;
	s25 =	sadd.s32 $0x200, s25  }
0x1d: {  	[tilespmem:s24+$0x2870] =	vst v0  }
0x1e: {  	[tilespmem:s24+$0x2800] =	vst v0  }
0x1f: {  	[tilespmem:s24+$0x2810] =	vst v0  }
0x20: {  	[tilespmem:s24+$0x2820] =	vst v0  }
0x21: {  	[tilespmem:s24+$0x2830] =	vst v0  }
0x22: {  	[tilespmem:s24+$0x2840] =	vst v0;
	p0 =	sne.s32 s5, $0x1  }
.Ltmp1:
0x23: {  	[tilespmem:s24+$0x2850] =	vst v0;
	(pc) =	sbr.rel @!p0 .LBB2_5-.Ltmp1, $4  }
0x24: {  	[tilespmem:s24+$0x2860] =	vst v0  }
0x25: {  	[spmem:s12] =	stream.linear.scatter [tilespmem:s14], [sflag:$0x3], $0x2800, $0x38;
	[tilespmem:$0x1E300] =	vst v63  }
0x26: {  	_ =	swait.ge [sflag:s15], $0x2800  }
0x27: {  	s24 =	sadd.s32 $0xFFFFFFFF, s5;
	s25 =	smov.u32 s12;
	[sflag:s15] =	ssyncset.done $0x0  }
.LBB2_4:
0x28: {  	p0 =	sne.s32 s24, $0x1;
	[sflag:s15] =	ssyncadd.s32 $0xFFFFD800;
	s25 =	sadd.s32 $0x2800, s25  }
.Ltmp2:
0x29: {  	s24 =	sadd.s32 $0xFFFFFFFF, s24;
	(pc) =	sbr.rel @p0 .LBB2_4-.Ltmp2, $4  }
0x2a: {  	_ = 	snop  }
0x2b: {  	[spmem:s25] =	stream.linear.scatter [tilespmem:s14], [sflag:$0x3], $0x2800, $0x38;
	[tilespmem:$0x1E300] =	vst v63  }
0x2c: {  	_ =	swait.ge [sflag:s15], $0x2800  }
0x2d: {  	[sflag:s15] =	ssyncset.done $0x0  }
.LBB2_5:
0x2e: {  	[sflag:s15] =	ssyncadd.s32 $0xFFFFD800  }
0x2f: {  	s24 =	simm.s32 $0x0;
	[bflag:$0x0] =	sbarrier.arrive $0xFFFF  }
0x30: {  	[tilespmem:s24], [sflag:$0x3] =	stream.linear.gather [hbm4b:s6+s24], $0x1400, $0x38;
	[tilespmem:$0x1E300] =	vst v63  }
0x31: {  	_ =	swait.ge [sflag:s15], $0x1400  }
0x32: {  	[sflag:s15] =	ssyncset.done $0x0  }
0x33: {  	[sflag:s15] =	ssyncadd.s32 $0xFFFFEC00  }
0x34: {  	[tilespmem:s16], [sflag:$0x3] =	stream.linear.gather [hbm4b:s7+s24], $0x1400, $0x38;
	[tilespmem:$0x1E300] =	vst v63  }
0x35: {  	_ =	swait.ge [sflag:s15], $0x1400  }
0x36: {  	[sflag:s15] =	ssyncset.done $0x0  }
0x37: {  	[sflag:s15] =	ssyncadd.s32 $0xFFFFEC00  }
0x38: {  	[tilespmem:s14], [sflag:$0x1] =	stream.indirect.gather [hbm4b:s1+s17], $0x80, s24, s17, $0xb8;
	[tilespmem:$0x1E300] =	vst v63  }
0x39: {  	_ = 	snop  }
0x3a: {  	[tilespmem:s18], [sflag:$0x2] =	stream.indirect.gather [hbm4b:s1+s17], $0x80, s17, s17, $0xb8;
	[tilespmem:$0x1E300] =	vst v63  }
0x3b: {  	_ =	swait.ge [sflag:s19], $0x4000  }
0x3c: {  	[sflag:s19] =	ssyncset.done $0x0  }
0x3d: {  	s29 =	simm.s32 $0x1400;
	[sflag:s19] =	ssyncadd.s32 $0xFFFFC000  }
0x3e: {  	[spmem:s2] =	stream.indirect.scatter.add.f32 [tilespmem:s14], [sflag:$0x3], $0x80, s29, s17, $0xb8;
	[tilespmem:$0x1E300] =	vst v63  }
0x3f: {  	_ =	swait.ge [sflag:s15], $0x4000  }
0x40: {  	[sflag:s15] =	ssyncset.done $0x0  }
0x41: {  	s30 =	simm.s32 $0x100;
	[sflag:s15] =	ssyncadd.s32 $0xFFFFC000  }
0x42: {  	[tilespmem:s14], [sflag:$0x1] =	stream.indirect.gather [hbm4b:s1+s17], $0x80, s30, s17, $0xb8;
	[tilespmem:$0x1E300] =	vst v63  }
0x43: {  	_ =	swait.ge [sflag:s20], $0x4000  }
0x44: {  	[sflag:s20] =	ssyncset.done $0x0  }
0x45: {  	s31 =	simm.s32 $0x1480;
	[sflag:s20] =	ssyncadd.s32 $0xFFFFC000  }
0x46: {  	[spmem:s2] =	stream.indirect.scatter.add.f32 [tilespmem:s18], [sflag:$0x3], $0x80, s31, s17, $0xb8;
	[tilespmem:$0x1E300] =	vst v63  }
0x47: {  	_ =	swait.ge [sflag:s15], $0x4000  }
0x48: {  	[sflag:s15] =	ssyncset.done $0x0  }
0x49: {  	s25 =	simm.s32 $0x180;
	s24 =	simm.s32 $0x400;
	[sflag:s15] =	ssyncadd.s32 $0xFFFFC000  }
.LBB2_6:
0x4a: {  	[tilespmem:s18], [sflag:$0x2] =	stream.indirect.gather [hbm4b:s1+s17], $0x80, s25, s17, $0xb8;
	[tilespmem:$0x1E300] =	vst v63  }
0x4b: {  	s25 =	smov.u32 s24  }
0x4c: {  	p0 =	sne.s32 s24, $0x4800;
	s24 =	sadd.s32 $0x400, s24;
	_ =	swait.ge [sflag:s19], $0x4000  }
0x4d: {  	s25 =	sshra.s32 s25, $0x2;
	[sflag:s19] =	ssyncset.done $0x0  }
0x4e: {  	s26 =	sadd.s32 $0x1400, s25;
	[sflag:s19] =	ssyncadd.s32 $0xFFFFC000  }
0x4f: {  	[spmem:s2] =	stream.indirect.scatter.add.f32 [tilespmem:s14], [sflag:$0x3], $0x80, s26, s17, $0xb8;
	[tilespmem:$0x1E300] =	vst v63  }
0x50: {  	_ =	swait.ge [sflag:s15], $0x4000  }
0x51: {  	[sflag:s15] =	ssyncset.done $0x0  }
0x52: {  	s26 =	sadd.s32 $0x100, s25;
	[sflag:s15] =	ssyncadd.s32 $0xFFFFC000  }
0x53: {  	[tilespmem:s14], [sflag:$0x1] =	stream.indirect.gather [hbm4b:s1+s17], $0x80, s26, s17, $0xb8;
	[tilespmem:$0x1E300] =	vst v63  }
0x54: {  	_ =	swait.ge [sflag:s20], $0x4000  }
0x55: {  	[sflag:s20] =	ssyncset.done $0x0  }
.Ltmp3:
0x56: {  	s26 =	sadd.s32 $0x1480, s25;
	[sflag:s20] =	ssyncadd.s32 $0xFFFFC000;
	(pc) =	sbr.rel @p0 .LBB2_6-.Ltmp3, $4  }
0x57: {  	[spmem:s2] =	stream.indirect.scatter.add.f32 [tilespmem:s18], [sflag:$0x3], $0x80, s26, s17, $0xb8;
	[tilespmem:$0x1E300] =	vst v63  }
0x58: {  	_ =	swait.ge [sflag:s15], $0x4000  }
0x59: {  	[sflag:s15] =	ssyncset.done $0x0  }
0x5a: {  	s25 =	sadd.s32 $0x180, s25;
	[sflag:s15] =	ssyncadd.s32 $0xFFFFC000  }
0x5b: {  	[tilespmem:s18], [sflag:$0x2] =	stream.indirect.gather [hbm4b:s1+s17], $0x80, s25, s17, $0xb8;
	[tilespmem:$0x1E300] =	vst v63  }
0x5c: {  	_ =	swait.ge [sflag:s19], $0x4000  }
0x5d: {  	[sflag:s19] =	ssyncset.done $0x0  }
0x5e: {  	[sflag:s19] =	ssyncadd.s32 $0xFFFFC000  }
0x5f: {  	[spmem:s2] =	stream.indirect.scatter.add.f32 [tilespmem:s14], [sflag:$0x3], $0x80, s21, s17, $0xb8;
	[tilespmem:$0x1E300] =	vst v63  }
0x60: {  	_ =	swait.ge [sflag:s15], $0x4000  }
0x61: {  	[sflag:s15] =	ssyncset.done $0x0  }
0x62: {  	[sflag:s15] =	ssyncadd.s32 $0xFFFFC000  }
0x63: {  	_ =	swait.ge [sflag:s20], $0x4000  }
0x64: {  	[sflag:s20] =	ssyncset.done $0x0  }
0x65: {  	[sflag:s20] =	ssyncadd.s32 $0xFFFFC000  }
0x66: {  	[spmem:s2] =	stream.indirect.scatter.add.f32 [tilespmem:s18], [sflag:$0x3], $0x80, s22, s17, $0xb8;
	[tilespmem:$0x1E300] =	vst v63  }
0x67: {  	_ =	swait.ge [sflag:s15], $0x4000  }
0x68: {  	[sflag:s15] =	ssyncset.done $0x0  }
0x69: {  	s24 =	simm.s32 $0x0;
	[sflag:s15] =	ssyncadd.s32 $0xFFFFC000  }
0x6a: {  	[tilespmem:s24], [sflag:$0x3] =	stream.linear.gather [hbm4b:s9+s24], $0x1400, $0x38;
	[tilespmem:$0x1E300] =	vst v63  }
0x6b: {  	_ =	swait.ge [sflag:s15], $0x1400  }
0x6c: {  	[sflag:s15] =	ssyncset.done $0x0  }
0x6d: {  	[sflag:s15] =	ssyncadd.s32 $0xFFFFEC00  }
0x6e: {  	[tilespmem:s16], [sflag:$0x3] =	stream.linear.gather [hbm4b:s10+s24], $0x1400, $0x38;
	[tilespmem:$0x1E300] =	vst v63  }
0x6f: {  	_ =	swait.ge [sflag:s15], $0x1400  }
0x70: {  	[sflag:s15] =	ssyncset.done $0x0  }
0x71: {  	[sflag:s15] =	ssyncadd.s32 $0xFFFFEC00  }
0x72: {  	[tilespmem:s14], [sflag:$0x1] =	stream.indirect.gather [hbm4b:s1+s17], $0x80, s24, s17, $0xb8;
	[tilespmem:$0x1E300] =	vst v63  }
0x73: {  	_ = 	snop  }
0x74: {  	[tilespmem:s18], [sflag:$0x2] =	stream.indirect.gather [hbm4b:s1+s17], $0x80, s17, s17, $0xb8;
	[tilespmem:$0x1E300] =	vst v63  }
0x75: {  	_ =	swait.ge [sflag:s19], $0x4000  }
0x76: {  	[sflag:s19] =	ssyncset.done $0x0  }
0x77: {  	s29 =	simm.s32 $0x1400;
	[sflag:s19] =	ssyncadd.s32 $0xFFFFC000  }
0x78: {  	[spmem:s2] =	stream.indirect.scatter.add.f32 [tilespmem:s14], [sflag:$0x3], $0x80, s29, s17, $0xb8;
	[tilespmem:$0x1E300] =	vst v63  }
0x79: {  	_ =	swait.ge [sflag:s15], $0x4000  }
0x7a: {  	[sflag:s15] =	ssyncset.done $0x0  }
0x7b: {  	s30 =	simm.s32 $0x100;
	[sflag:s15] =	ssyncadd.s32 $0xFFFFC000  }
0x7c: {  	[tilespmem:s14], [sflag:$0x1] =	stream.indirect.gather [hbm4b:s1+s17], $0x80, s30, s17, $0xb8;
	[tilespmem:$0x1E300] =	vst v63  }
0x7d: {  	_ =	swait.ge [sflag:s20], $0x4000  }
0x7e: {  	[sflag:s20] =	ssyncset.done $0x0  }
0x7f: {  	s31 =	simm.s32 $0x1480;
	[sflag:s20] =	ssyncadd.s32 $0xFFFFC000  }
0x80: {  	[spmem:s2] =	stream.indirect.scatter.add.f32 [tilespmem:s18], [sflag:$0x3], $0x80, s31, s17, $0xb8;
	[tilespmem:$0x1E300] =	vst v63  }
0x81: {  	_ =	swait.ge [sflag:s15], $0x4000  }
0x82: {  	[sflag:s15] =	ssyncset.done $0x0  }
0x83: {  	s25 =	simm.s32 $0x180;
	s24 =	simm.s32 $0x400;
	[sflag:s15] =	ssyncadd.s32 $0xFFFFC000  }
.LBB2_8:
0x84: {  	[tilespmem:s18], [sflag:$0x2] =	stream.indirect.gather [hbm4b:s1+s17], $0x80, s25, s17, $0xb8;
	[tilespmem:$0x1E300] =	vst v63  }
0x85: {  	s25 =	smov.u32 s24  }
0x86: {  	p0 =	sne.s32 s24, $0x4800;
	s24 =	sadd.s32 $0x400, s24;
	_ =	swait.ge [sflag:s19], $0x4000  }
0x87: {  	s25 =	sshra.s32 s25, $0x2;
	[sflag:s19] =	ssyncset.done $0x0  }
0x88: {  	s26 =	sadd.s32 $0x1400, s25;
	[sflag:s19] =	ssyncadd.s32 $0xFFFFC000  }
0x89: {  	[spmem:s2] =	stream.indirect.scatter.add.f32 [tilespmem:s14], [sflag:$0x3], $0x80, s26, s17, $0xb8;
	[tilespmem:$0x1E300] =	vst v63  }
0x8a: {  	_ =	swait.ge [sflag:s15], $0x4000  }
0x8b: {  	[sflag:s15] =	ssyncset.done $0x0  }
0x8c: {  	s26 =	sadd.s32 $0x100, s25;
	[sflag:s15] =	ssyncadd.s32 $0xFFFFC000  }
0x8d: {  	[tilespmem:s14], [sflag:$0x1] =	stream.indirect.gather [hbm4b:s1+s17], $0x80, s26, s17, $0xb8;
	[tilespmem:$0x1E300] =	vst v63  }
0x8e: {  	_ =	swait.ge [sflag:s20], $0x4000  }
0x8f: {  	[sflag:s20] =	ssyncset.done $0x0  }
.Ltmp4:
0x90: {  	s26 =	sadd.s32 $0x1480, s25;
	[sflag:s20] =	ssyncadd.s32 $0xFFFFC000;
	(pc) =	sbr.rel @p0 .LBB2_8-.Ltmp4, $4  }
0x91: {  	[spmem:s2] =	stream.indirect.scatter.add.f32 [tilespmem:s18], [sflag:$0x3], $0x80, s26, s17, $0xb8;
	[tilespmem:$0x1E300] =	vst v63  }
0x92: {  	_ =	swait.ge [sflag:s15], $0x4000  }
0x93: {  	[sflag:s15] =	ssyncset.done $0x0  }
0x94: {  	s25 =	sadd.s32 $0x180, s25;
	[sflag:s15] =	ssyncadd.s32 $0xFFFFC000  }
0x95: {  	[tilespmem:s18], [sflag:$0x2] =	stream.indirect.gather [hbm4b:s1+s17], $0x80, s25, s17, $0xb8;
	[tilespmem:$0x1E300] =	vst v63  }
0x96: {  	_ =	swait.ge [sflag:s19], $0x4000  }
0x97: {  	[sflag:s19] =	ssyncset.done $0x0  }
0x98: {  	[sflag:s19] =	ssyncadd.s32 $0xFFFFC000  }
0x99: {  	[spmem:s2] =	stream.indirect.scatter.add.f32 [tilespmem:s14], [sflag:$0x3], $0x80, s21, s17, $0xb8;
	[tilespmem:$0x1E300] =	vst v63  }
0x9a: {  	_ =	swait.ge [sflag:s15], $0x4000  }
0x9b: {  	[sflag:s15] =	ssyncset.done $0x0  }
0x9c: {  	[sflag:s15] =	ssyncadd.s32 $0xFFFFC000  }
0x9d: {  	_ =	swait.ge [sflag:s20], $0x4000  }
0x9e: {  	[sflag:s20] =	ssyncset.done $0x0  }
0x9f: {  	[sflag:s20] =	ssyncadd.s32 $0xFFFFC000  }
0xa0: {  	[spmem:s2] =	stream.indirect.scatter.add.f32 [tilespmem:s18], [sflag:$0x3], $0x80, s22, s17, $0xb8;
	[tilespmem:$0x1E300] =	vst v63  }
0xa1: {  	_ =	swait.ge [sflag:s15], $0x4000  }
0xa2: {  	[sflag:s15] =	ssyncset.done $0x0  }
0xa3: {  	[sflag:s15] =	ssyncadd.s32 $0xFFFFC000  }
0xa4: {  	[bflag:$0x0] =	sbarrier.arrive $0xFFFF  }
0xa5: {  	[tilespmem:s14], [sflag:$0x3] =	stream.linear.gather [spmem:s12], $0x2800, $0x38;
	[tilespmem:$0x1E300] =	vst v63  }
0xa6: {  	p0 =	sne.s32 s8, $0x1;
	_ =	swait.ge [sflag:s15], $0x2800  }
.Ltmp5:
0xa7: {  	[sflag:s15] =	ssyncset.done $0x0;
	(pc) =	sbr.rel @!p0 .LBB2_11-.Ltmp5, $4  }
0xa8: {  	[sflag:s15] =	ssyncadd.s32 $0xFFFFD800  }
0xa9: {  	[hbm4b:s13+s3] =	stream.linear.scatter [tilespmem:s14], [sflag:$0x3], $0x2800, $0x38;
	[tilespmem:$0x1E300] =	vst v63  }
0xaa: {  	s24 =	sadd.s32 $0xFFFFFFFF, s8;
	_ =	swait.ge [sflag:s15], $0x2800  }
0xab: {  	s25 =	smov.u32 s12;
	s26 =	smov.u32 s13;
	[sflag:s15] =	ssyncset.done $0x0  }
.LBB2_10:
0xac: {  	[sflag:s15] =	ssyncadd.s32 $0xFFFFD800;
	s25 =	sadd.s32 $0x2800, s25;
	s26 =	sadd.s32 $0x500, s26  }
0xad: {  	[tilespmem:s14], [sflag:$0x3] =	stream.linear.gather [spmem:s25], $0x2800, $0x38;
	[tilespmem:$0x1E300] =	vst v63  }
0xae: {  	p0 =	sne.s32 s24, $0x1;
	s24 =	sadd.s32 $0xFFFFFFFF, s24;
	_ =	swait.ge [sflag:s15], $0x2800  }
.Ltmp6:
0xaf: {  	[sflag:s15] =	ssyncset.done $0x0;
	(pc) =	sbr.rel @p0 .LBB2_10-.Ltmp6, $4  }
0xb0: {  	[sflag:s15] =	ssyncadd.s32 $0xFFFFD800  }
0xb1: {  	[hbm4b:s26+s3] =	stream.linear.scatter [tilespmem:s14], [sflag:$0x3], $0x2800, $0x38;
	[tilespmem:$0x1E300] =	vst v63  }
0xb2: {  	_ =	swait.ge [sflag:s15], $0x2800  }
0xb3: {  	[sflag:s15] =	ssyncset.done $0x0  }
.LBB2_11:
0xb4: {  	s23 =	sadd.s32 $0x1, s23  }
0xb5: {  	p0 =	sne.s32 s23, s11  }
.Ltmp7:
0xb6: {  	_ = 	snop;
	(pc) =	sbr.rel @p0 .LBB2_1-.Ltmp7, $2  }
0xb7: {  	_ =	sdelay $0x2  }
0xb8: {  	[sflag:s15] =	ssyncadd.s32 $0xFFFFD800  }
0xb9: {  	_ =	sfence.sel $0x180000  }
0xba: {  	[bflag:$0x0] =	sbarrier.arrive $0xFFFF  }
0xbb: {  	p0 =	sne.s32 s4, $0x0;
	_ =	strace $0x9000004D  }
0xbc: {  	s0 =	sadd.s32 @!p0 $0x100000, s0;
	[bflag:$0x2] =	sbarrier.arrive $0xFFFF  }
0xbd: {  	[sflag:s0] =	ssyncadd.tile.s32 @!p0 $0x1;
	_ =	shalt  }
.Lfunc_end2:
_tile_overlayer_lowered:
.L_overlay_start_2:
0xbe: {  	(tag) =	ssettag $0x2  }
0xbf: {  	s0 =	rddreg [dreg:$0x0];
	s2 =	stileid.u32  }
0xc0: {  	s1 =	rddreg [dreg:$0x1];
	p0 =	sne.s32 s2, $0x0  }
0xc1: {  	s3 =	rddreg [dreg:$0x2];
	[bflag:$0x3] =	sbarrier.arrive $0xFFFF;
	s2 =	simm.s32 @!p0 $0x1C03  }
0xc2: {  	[timem:s3], [sflag:s2] =	dma.local @!p0 [hbm:s0], s1  }
0xc3: {  	s0 =	simm.s32 @!p0 $0x3  }
0xc4: {  	_ =	swait.ge @!p0 [sflag:s0], s1  }
0xc5: {  	s1 =	ssub.s32 @!p0 $0x0, s1;
	[sflag:s0] =	ssyncset.done @!p0 $0x0  }
0xc6: {  	[sflag:s0] =	ssyncadd.s32 @!p0 s1  }
0xc7: {  	[bflag:$0x3] =	sbarrier.arrive $0xFFFF  }
0xc8: {  	_ =	shalt  }

// kernel: kernel.9.cloned.1.call-start
scs
__scs_entry_jumppad:
0x0: {  	(pc) =	sbr.rel $0x88, $3  }
0x1: {  	(tag) =	ssettag $0x0;
	lr =	simm.s32 $0x1  }
0x2: {  	[smem:$0x3F9B] =	sst lr;
	_ =	strace $0xD0000000  }
0x3: {  	_ = 	snop  }
0x4: {  	_ = 	snop  }
0x5: {  	_ = 	snop  }
0x6: {  	_ = 	snop  }
0x7: {  	_ = 	snop  }
__scs_overlays_trampoline_lowered:
0x8: {  	[smem:$0x3FAA] =	sst s0  }
0x9: {  	[smem:$0x3FAB] =	sst s1  }
0xa: {  	[smem:$0x3FAC] =	sst s2  }
0xb: {  	[smem:$0x3FAD] =	sst s3  }
0xc: {  	[smem:$0x3FAE] =	sst s4  }
0xd: {  	[smem:$0x3FAF] =	sst s5  }
0xe: {  	[smem:$0x3FB0] =	sst s6  }
0xf: {  	[smem:$0x3FB1] =	sst s7  }
0x10: {  	[smem:$0x3FB2] =	sst s8  }
0x11: {  	[smem:$0x3FB3] =	sst s9;
	s0 =	simm.s32 @!p0 $0x0  }
0x12: {  	s1 =	sld [smem:$0x3F99];
	s0 =	simm.s32 @p0 $0x1  }
0x13: {  	[smem:$0x3FB4] =	sst s0;
	s0 =	simm.s32 @!p1 $0x0  }
0x14: {  	s2 =	sld [smem:$0x3F98];
	s0 =	simm.s32 @p1 $0x1  }
0x15: {  	[smem:$0x3FB5] =	sst s0;
	s0 =	simm.s32 @!p2 $0x0  }
0x16: {  	s3 =	sld [smem:$0x3FDB];
	s0 =	simm.s32 @p2 $0x1  }
0x17: {  	s4 =	simm.s32 $0x1BF5;
	[smem:$0x3FB7] =	sst s0  }
0x18: {  	s0 =	sld [smem:$0x3F9A];
	_ =	swait.ge [sflag:s4], $0x0  }
0x19: {  	s7 =	sld [smem:$0x3F9B]  }
0x1a: {  	s8 =	sadd.s32 $0xFFFFE003, lr  }
0x1b: {  	s9 =	sadd.s32 $0xFFFFFEF7, lr;
	s5 =	simm.s32 $0xFFFFFFFF;
	p2 =	slt.u32 s8, $0xFFFFF086  }
0x1c: {  	p1 =	slt.u32 s9, $0xF7A;
	s5 =	simm.s32 @!p2 $0x0  }
0x1d: {  	s5 =	simm.s32 @p1 $0x1;
	p0 =	seq.s32 s7, s2  }
0x1e: {  	s7 =	smul.u32 @!p0 $0xF7A, s2;
	p2 =	seq.s32 @!p0 s5, $0x0  }
0x1f: {  	s9 =	smul.u32 $0xF7A, s1;
	s8 =	simm.s32 @!p0 $0x1BF5;
	p2 =	por !p2, p0  }
0x20: {  	[sflag:s8] =	ssyncset.s32 @!p0 $0xFFFFF086;
	s6 =	sadd.s32 @!p0 s3, s7;
	s7 =	simm.s32 @!p0 $0x108  }
0x21: {  	s3 =	sadd.s32 s3, s9;
	s6 =	sadd.s32 @!p0 $0x88, s6;
	s7 =	simm.s32 @p2 $0x1082  }
0x22: {  	[simem:s7], [sflag:s8] =	dma.local @!p0 [hbm:s6], $0xF7A  }
0x23: {  	s9 =	sor.u32 $0xD0000000, s2;
	s6 =	simm.s32 $0x108;
	_ =	swait.ge @!p0 [sflag:s8], $0x0  }
0x24: {  	s3 =	sadd.s32 $0x88, s3;
	s6 =	simm.s32 @!p1 $0x1082;
	[sflag:s4] =	ssyncset.s32 $0xFFFFF086  }
0x25: {  	[simem:s6], [sflag:s4] =	dma.local [hbm:s3], $0xF7A  }
0x26: {  	[smem:$0x3F9B] =	sst s1;
	(tag) =	ssettag s2;
	_ =	strace s9  }
0x27: {  	s1 =	sld [smem:$0x3FAB]  }
0x28: {  	s2 =	sld [smem:$0x3FAC]  }
0x29: {  	s4 =	sld [smem:$0x3FAE]  }
0x2a: {  	p0 =	seq.s32 s5, $0x0;
	s5 =	sld [smem:$0x3FAF]  }
0x2b: {  	s6 =	sld [smem:$0x3FB0]  }
0x2c: {  	s7 =	sld [smem:$0x3FB1]  }
0x2d: {  	s3 =	simm.s32 $0x108;
	s8 =	sld [smem:$0x3FB2]  }
0x2e: {  	s3 =	simm.s32 @!p0 $0x1082;
	s9 =	sld [smem:$0x3FB3]  }
0x2f: {  	lr =	sadd.s32 s0, s3;
	s0 =	sld [smem:$0x3FAA]  }
0x30: {  	s3 =	sld [smem:$0x3FAD]  }
0x31: {  	[smem:$0x3FB6] =	sst s10  }
0x32: {  	s10 =	sld [smem:$0x3FB4];
	_ =	sdelay $0x3  }
0x33: {  	p0 =	seq.s32 s10, $0x1;
	s10 =	sld [smem:$0x3FB6];
	_ =	sdelay $0x3  }
0x34: {  	[smem:$0x3FB6] =	sst s10  }
0x35: {  	s10 =	sld [smem:$0x3FB5];
	_ =	sdelay $0x3  }
0x36: {  	p1 =	seq.s32 s10, $0x1;
	s10 =	sld [smem:$0x3FB6];
	_ =	sdelay $0x3  }
0x37: {  	[smem:$0x3FB6] =	sst s10  }
0x38: {  	s10 =	sld [smem:$0x3FB7]  }
0x39: {  	_ = 	snop;
	(pc) =	sbr.ind lr, $3  }
0x3a: {  	_ = 	snop  }
0x3b: {  	_ = 	snop  }
0x3c: {  	p2 =	seq.s32 s10, $0x1;
	s10 =	sld [smem:$0x3FB6]  }
0x3d: {  	_ =	shalt  }
0x3e: {  	_ =	shalt  }
0x3f: {  	_ =	shalt  }
0x40: {  	_ =	shalt  }
0x41: {  	_ =	shalt  }
0x42: {  	_ =	shalt  }
0x43: {  	_ =	shalt  }
0x44: {  	_ =	shalt  }
0x45: {  	_ =	shalt  }
0x46: {  	_ =	shalt  }
0x47: {  	_ =	shalt  }
0x48: {  	_ =	shalt  }
0x49: {  	_ =	shalt  }
0x4a: {  	_ =	shalt  }
0x4b: {  	_ =	shalt  }
0x4c: {  	_ =	shalt  }
0x4d: {  	_ =	shalt  }
0x4e: {  	_ =	shalt  }
0x4f: {  	_ =	shalt  }
0x50: {  	_ =	shalt  }
0x51: {  	_ =	shalt  }
0x52: {  	_ =	shalt  }
0x53: {  	_ =	shalt  }
0x54: {  	_ =	shalt  }
0x55: {  	_ =	shalt  }
0x56: {  	_ =	shalt  }
0x57: {  	_ =	shalt  }
0x58: {  	_ =	shalt  }
0x59: {  	_ =	shalt  }
0x5a: {  	_ =	shalt  }
0x5b: {  	_ =	shalt  }
0x5c: {  	_ =	shalt  }
0x5d: {  	_ =	shalt  }
0x5e: {  	_ =	shalt  }
0x5f: {  	_ =	shalt  }
0x60: {  	_ =	shalt  }
0x61: {  	_ =	shalt  }
0x62: {  	_ =	shalt  }
0x63: {  	_ =	shalt  }
0x64: {  	_ =	shalt  }
0x65: {  	_ =	shalt  }
0x66: {  	_ =	shalt  }
0x67: {  	_ =	shalt  }
0x68: {  	_ =	shalt  }
0x69: {  	_ =	shalt  }
0x6a: {  	_ =	shalt  }
0x6b: {  	_ =	shalt  }
0x6c: {  	_ =	shalt  }
0x6d: {  	_ =	shalt  }
0x6e: {  	_ =	shalt  }
0x6f: {  	_ =	shalt  }
0x70: {  	_ =	shalt  }
0x71: {  	_ =	shalt  }
0x72: {  	_ =	shalt  }
0x73: {  	_ =	shalt  }
0x74: {  	_ =	shalt  }
0x75: {  	_ =	shalt  }
0x76: {  	_ =	shalt  }
0x77: {  	_ =	shalt  }
0x78: {  	_ =	shalt  }
0x79: {  	_ =	shalt  }
0x7a: {  	_ =	shalt  }
0x7b: {  	_ =	shalt  }
0x7c: {  	_ =	shalt  }
0x7d: {  	_ =	shalt  }
0x7e: {  	_ =	shalt  }
0x7f: {  	_ =	shalt  }
0x80: {  	_ =	shalt  }
0x81: {  	_ =	shalt  }
0x82: {  	_ =	shalt  }
0x83: {  	_ =	shalt  }
0x84: {  	_ =	shalt  }
0x85: {  	_ =	shalt  }
0x86: {  	_ =	shalt  }
0x87: {  	_ =	shalt  }
.Lfunc_end0:
.L_simem_size_0:
called_computation_lowered:
.L_overlay_start_0:
0x88: {  	s2 =	sld [smem:$0x3FD9]  }
0x89: {  	s3 =	sld [smem:$0x3FFE];
	_ =	sdelay $0x1  }
0x8a: {  	s1 =	srdreg.scid  }
0x8b: {  	s0 =	sand.u32 $0x1, s1  }
0x8c: {  	s16 =	sshll.u32 s0, $0xA;
	s2 =	sadd.s32 s3, s2  }
0x8d: {  	s2 =	sadd.s32 s2, s16  }
0x8e: {  	[smem:$0x3FC2] =	sst s2  }
0x8f: {  	_ = 	snop  }
0x90: {  	(tm) =	ssettm $0x1  }
0x91: {  	s17 =	sld [smem:$0x3FFB];
	_ =	sdelay $0x3  }
0x92: {  	_ =	strace s17  }
0x93: {  	s2 =	sld [smem:$0x3FFC];
	_ =	sdelay $0x3  }
0x94: {  	_ =	strace s2  }
0x95: {  	s2 =	sld [smem:$0x3FFD];
	_ =	sdelay $0x3  }
0x96: {  	_ =	strace s2  }
0x97: {  	_ =	strace $0x8FFFFFFF  }
0x98: {  	s18 =	sld [smem:$0x3FDB];
	_ =	sdelay $0x1  }
0x99: {  	s19 =	simm.s32 $_scs_section_size  }
0x9a: {  	s4 =	simm.s32 $_size__tile_overlayer_lowered;
	s5 =	simm.s32 $_tile_overlayer_lowered  }
0x9b: {  	s22 =	simm.s32 $0x1BFF;
	s21 =	sshll.u32 s5, $0x1;
	s2 =	sadd.s32 s19, s18  }
0x9c: {  	s6 =	simm.s32 $0x0;
	s20 =	sshll.u32 s4, $0x1;
	s4 =	sadd.s32 s21, s2  }
0x9d: {  	[timem:s6], [sflag:s22] =	dma.local [hbm:s4], s20  }
0x9e: {  	_ =	swait.ge [sflag:s22], s20  }
0x9f: {  	s3 =	ssub.s32 $0x0, s20;
	[sflag:s22] =	ssyncset.done $0x0  }
0xa0: {  	[sflag:s22] =	ssyncadd.s32 s3;
	_ =	sdelay $0x1  }
0xa1: {  	s23 =	simm.s32 $0x1B8B  }
0xa2: {  	_ =	swait.ge [sflag:s23], $0x1  }
0xa3: {  	[sflag:s23] =	ssyncset.done $0x0  }
0xa4: {  	s25 =	simm.s32 $0x1B8E;
	s24 =	sld [smem:$0x3FFE];
	[sflag:s23] =	ssyncadd.s32 $0xFFFFFFFF  }
0xa5: {  	s26 =	simm.s32 $execute0_lowered;
	[smem:$0x3FD2] =	sst s25  }
0xa6: {  	s4 =	sshll.u32 s26, $0x1;
	_ =	strace $0x80000046;
	[dreg:$0x1] =	wrdreg $0xFFFFFFFF  }
0xa7: {  	s28 =	simm.s32 $_size_execute0_lowered;
	s2 =	sadd.s32 s2, s4;
	[dreg:$0x0] =	wrdreg $0x0  }
0xa8: {  	s4 =	sshll.u32 s28, $0x1;
	[dreg:$0x2] =	wrdreg s2  }
0xa9: {  	[dreg:$0x3] =	wrdreg s4  }
0xaa: {  	[dreg:$0x4] =	wrdreg $0xC0  }
0xab: {  	_ =	task [dreg:s6], $0x5FFFF  }
0xac: {  	[dreg:$0x1] =	wrdreg $0xFFFFFFFF  }
0xad: {  	[dreg:$0x0] =	wrdreg $0x60  }
0xae: {  	[dreg:$0x2] =	wrdreg s24  }
0xaf: {  	[dreg:$0x3] =	wrdreg $0x7C000  }
0xb0: {  	[dreg:$0x4] =	wrdreg $0x9  }
0xb1: {  	_ =	task.clear_ibuf [dreg:s6], $0x5FFFF;
	_ =	strace $0x90000046  }
0xb2: {  	s29 =	simm.s32 $0x9;
	_ =	strace $0x80000048  }
0xb3: {  	_ =	swait.ge [sflag:s29], $0x1  }
0xb4: {  	[sflag:s29] =	ssyncadd.s32 $0xFFFFFFFF  }
0xb5: {  	_ =	strace $0x90000048  }
0xb6: {  	_ =	sfence  }
0xb7: {  	s30 =	sld [smem:$0x0];
	_ =	sdelay $0x2  }
0xb8: {  	s31 =	sshll.u32 s1, $0xD;
	s1 =	sshrl.u32 s1, $0x2  }
0xb9: {  	s3 =	sand.u32 $0x4000, s31;
	s1 =	sadd.s32 s1, s30  }
0xba: {  	s0 =	sor.u32 s3, s0;
	s1 =	sshll.u32 s1, $0x11  }
0xbb: {  	s0 =	sor.u32 s1, s0  }
0xbc: {  	s0 =	sadd.s32 $0x8F2B, s0  }
0xbd: {  	[sflag:s0] =	ssyncadd.remote.s32 $0x1  }
0xbe: {  	_ =	sfence.sel $0xFFFF  }
0xbf: {  	[dreg:$0x0] =	wrdreg $0xFFFFFFFF;
	(pc) =	sbr.abs _section_cstart, $3  }
0xc0: {  	[dreg:$0x1] =	wrdreg $0xFFFFFFFF  }
0xc1: {  	_ =	task.clear_ibuf [dreg:s6], $0x2FFFF;
	_ =	strace $0x9FFFFFFF  }
0xc2: {  	(tm) =	ssettm $0x7FFFFFFF  }
0xc3: {  	_ =	shalt  }
tec
execute0_lowered:
.L_overlay_start_1:
0x0: {  	(tag) =	ssettag $0x1  }
0x1: {  	s5 =	rddreg [dreg:$0x0]  }
0x2: {  	s1 =	rddreg [dreg:$0x1]  }
0x3: {  	s0 =	rddreg [dreg:$0x2];
	s2 =	simm.s32 $0x0  }
0x4: {  	s3 =	srdreg.scid;
	s13 =	simm.s32 $0x80;
	s14 =	simm.s32 $0x1400  }
0x5: {  	s15 =	simm.s32 $0x0;
	[smem:$0x7FF] =	sst s2;
	s4 =	sand.u32 $0x1, s3  }
0x6: {  	s3 =	stileid.u32;
	s9 =	sadd.s32 $0xCA00, s5;
	s7 =	smul.u32 $0x27100, s4  }
0x7: {  	_ =	strace $0x80000047;
	s6 =	sshll.u32 s4, $0x4;
	s26 =	smul.u32 $0x50000, s3  }
0x8: {  	s8 =	ssub.s32 $0x2, s4;
	s29 =	smul.u32 $0x2800, s3;
	s6 =	sor.u32 s3, s6  }
0x9: {  	p0 =	seq.s32 s3, $0xF;
	s4 =	simm.s32 $0x6;
	s11 =	smul.u32 $0x500, s6  }
0xa: {  	s10 =	sshrl.u32 s8, $0x1;
	s4 =	simm.s32 @!p0 $0x8;
	s6 =	smul.u32 $0x2800, s6  }
0xb: {  	s12 =	sadd.s32 s7, s5;
	s8 =	ssub.s32 s8, s10;
	s30 =	sshrl.u32 s26, $0x2  }
0xc: {  	s8 =	smax.u32 s8, $0x1;
	s31 =	sadd.s32 s29, s12;
	s12 =	simm.s32 $0x1  }
0xd: {  	s5 =	sadd.s32 s9, s11;
	s6 =	sshrl.u32 s6, $0x3;
	s10 =	sadd.s32 $0x16A00, s31  }
0xe: {  	s11 =	simm.s32 $0x5400;
	s28 =	sadd.s32 s9, s6;
	s6 =	simm.s32 $0x5  }
0xf: {  	v0 =	vimm.f32 $0.0e+00;
	v1 =	vimm.f32 $1.000000000e+00;
	s9 =	sadd.s32 s30, s1;
	s7 =	sadd.s32 $0x280, s28;
	s6 =	simm.s32 @!p0 $0x8  }
.LBB2_1:
0x10: {  	s16 =	simm.s32 $0x0;
	s17 =	simm.s32 $0x200  }
.LBB2_2:
0x11: {  	p0 =	sne.s32 s17, $0x9E00;
	[tilespmem:s16+$0x5470] =	vst v0  }
0x12: {  	[tilespmem:s16+$0x5400] =	vst v0  }
0x13: {  	[tilespmem:s16+$0x5410] =	vst v0  }
.Ltmp0:
0x14: {  	[tilespmem:s16+$0x5420] =	vst v0;
	(pc) =	sbr.rel @p0 .LBB2_2-.Ltmp0, $4  }
0x15: {  	[tilespmem:s16+$0x5430] =	vst v0  }
0x16: {  	[tilespmem:s16+$0x5440] =	vst v0  }
0x17: {  	[tilespmem:s16+$0x5450] =	vst v0  }
0x18: {  	[tilespmem:s16+$0x5460] =	vst v0;
	s16 =	sshra.s32 s17, $0x2;
	s17 =	sadd.s32 $0x200, s17  }
0x19: {  	[tilespmem:s16+$0x5470] =	vst v0  }
0x1a: {  	[tilespmem:s16+$0x5400] =	vst v0  }
0x1b: {  	[tilespmem:s16+$0x5410] =	vst v0  }
0x1c: {  	[tilespmem:s16+$0x5420] =	vst v0  }
0x1d: {  	[tilespmem:s16+$0x5430] =	vst v0  }
0x1e: {  	[tilespmem:s16+$0x5440] =	vst v0  }
0x1f: {  	[tilespmem:s16+$0x5450] =	vst v0  }
0x20: {  	[tilespmem:s16+$0x5460] =	vst v0;
	s16 =	simm.s32 $0x0;
	s17 =	simm.s32 $0x200  }
.LBB2_4:
0x21: {  	p0 =	sne.s32 s17, $0xFE00;
	[tilespmem:s16+$0x1470] =	vst v1  }
0x22: {  	[tilespmem:s16+$0x1400] =	vst v1  }
0x23: {  	[tilespmem:s16+$0x1410] =	vst v1  }
.Ltmp1:
0x24: {  	[tilespmem:s16+$0x1420] =	vst v1;
	(pc) =	sbr.rel @p0 .LBB2_4-.Ltmp1, $4  }
0x25: {  	[tilespmem:s16+$0x1430] =	vst v1  }
0x26: {  	[tilespmem:s16+$0x1440] =	vst v1  }
0x27: {  	[tilespmem:s16+$0x1450] =	vst v1  }
0x28: {  	[tilespmem:s16+$0x1460] =	vst v1;
	s16 =	sshra.s32 s17, $0x2;
	s17 =	sadd.s32 $0x200, s17  }
0x29: {  	[tilespmem:s16+$0x1470] =	vst v1  }
0x2a: {  	[tilespmem:s16+$0x1400] =	vst v1  }
0x2b: {  	[tilespmem:s16+$0x1410] =	vst v1  }
0x2c: {  	[tilespmem:s16+$0x1420] =	vst v1  }
0x2d: {  	[tilespmem:s16+$0x1430] =	vst v1  }
0x2e: {  	[tilespmem:s16+$0x1440] =	vst v1;
	p0 =	sne.s32 s4, $0x1  }
.Ltmp2:
0x2f: {  	[tilespmem:s16+$0x1450] =	vst v1;
	(pc) =	sbr.rel @!p0 .LBB2_7-.Ltmp2, $4  }
0x30: {  	[tilespmem:s16+$0x1460] =	vst v1  }
0x31: {  	[spmem:s9] =	stream.linear.scatter [tilespmem:s11], [sflag:$0x1], $0x2800, $0x38;
	[tilespmem:$0x1B700] =	vst v63  }
0x32: {  	_ =	swait.ge [sflag:s12], $0x2800  }
0x33: {  	s16 =	sadd.s32 $0xFFFFFFFF, s4;
	s17 =	smov.u32 s9;
	[sflag:s12] =	ssyncset.done $0x0  }
.LBB2_6:
0x34: {  	p0 =	sne.s32 s16, $0x1;
	[sflag:s12] =	ssyncadd.s32 $0xFFFFD800;
	s17 =	sadd.s32 $0x2800, s17  }
.Ltmp3:
0x35: {  	s16 =	sadd.s32 $0xFFFFFFFF, s16;
	(pc) =	sbr.rel @p0 .LBB2_6-.Ltmp3, $4  }
0x36: {  	_ = 	snop  }
0x37: {  	[spmem:s17] =	stream.linear.scatter [tilespmem:s11], [sflag:$0x1], $0x2800, $0x38;
	[tilespmem:$0x1B700] =	vst v63  }
0x38: {  	_ =	swait.ge [sflag:s12], $0x2800  }
0x39: {  	[sflag:s12] =	ssyncset.done $0x0  }
.LBB2_7:
0x3a: {  	[sflag:s12] =	ssyncadd.s32 $0xFFFFD800  }
0x3b: {  	s16 =	simm.s32 $0x0;
	[bflag:$0x0] =	sbarrier.arrive $0xFFFF  }
0x3c: {  	[tilespmem:s16], [sflag:$0x1] =	stream.linear.gather [hbm4b:s5+s16], $0x1400, $0x38;
	[tilespmem:$0x1B700] =	vst v63  }
0x3d: {  	_ =	swait.ge [sflag:s12], $0x1400  }
0x3e: {  	[sflag:s12] =	ssyncset.done $0x0  }
0x3f: {  	s31 =	simm.s32 $0x0;
	[sflag:s12] =	ssyncadd.s32 $0xFFFFEC00  }
0x40: {  	[spmem:s1] =	stream.indirect.scatter.add.f32 [tilespmem:s14], [sflag:$0x1], $0x80, s31, s13, $0xb8;
	[tilespmem:$0x1B700] =	vst v63  }
0x41: {  	_ =	swait.ge [sflag:s12], $0x4000  }
0x42: {  	s16 =	simm.s32 $0x200;
	[sflag:s12] =	ssyncset.done $0x0  }
.LBB2_8:
0x43: {  	s17 =	sshra.s32 s16, $0x2;
	[sflag:s12] =	ssyncadd.s32 $0xFFFFC000;
	p0 =	sne.s32 s16, $0x4E00  }
0x44: {  	[spmem:s1] =	stream.indirect.scatter.add.f32 [tilespmem:s14], [sflag:$0x1], $0x80, s17, s13, $0xb8;
	[tilespmem:$0x1B700] =	vst v63  }
.Ltmp4:
0x45: {  	_ = 	snop;
	(pc) =	sbr.rel @p0 .LBB2_8-.Ltmp4, $4  }
0x46: {  	_ = 	snop  }
0x47: {  	s16 =	sadd.s32 $0x200, s16  }
0x48: {  	_ =	swait.ge [sflag:s12], $0x4000  }
0x49: {  	[sflag:s12] =	ssyncset.done $0x0  }
0x4a: {  	[sflag:s12] =	ssyncadd.s32 $0xFFFFC000;
	s16 =	simm.s32 $0x0  }
0x4b: {  	[tilespmem:s16], [sflag:$0x1] =	stream.linear.gather [hbm4b:s7+s16], $0x1400, $0x38;
	[tilespmem:$0x1B700] =	vst v63  }
0x4c: {  	_ =	swait.ge [sflag:s12], $0x1400  }
0x4d: {  	[sflag:s12] =	ssyncset.done $0x0  }
0x4e: {  	s31 =	simm.s32 $0x0;
	[sflag:s12] =	ssyncadd.s32 $0xFFFFEC00  }
0x4f: {  	[spmem:s1] =	stream.indirect.scatter.add.f32 [tilespmem:s14], [sflag:$0x1], $0x80, s31, s13, $0xb8;
	[tilespmem:$0x1B700] =	vst v63  }
0x50: {  	_ =	swait.ge [sflag:s12], $0x4000  }
0x51: {  	s16 =	simm.s32 $0x200;
	[sflag:s12] =	ssyncset.done $0x0  }
.LBB2_10:
0x52: {  	s17 =	sshra.s32 s16, $0x2;
	[sflag:s12] =	ssyncadd.s32 $0xFFFFC000;
	p0 =	sne.s32 s16, $0x4E00  }
0x53: {  	[spmem:s1] =	stream.indirect.scatter.add.f32 [tilespmem:s14], [sflag:$0x1], $0x80, s17, s13, $0xb8;
	[tilespmem:$0x1B700] =	vst v63  }
.Ltmp5:
0x54: {  	_ = 	snop;
	(pc) =	sbr.rel @p0 .LBB2_10-.Ltmp5, $4  }
0x55: {  	_ = 	snop  }
0x56: {  	s16 =	sadd.s32 $0x200, s16  }
0x57: {  	_ =	swait.ge [sflag:s12], $0x4000  }
0x58: {  	[sflag:s12] =	ssyncset.done $0x0  }
0x59: {  	[sflag:s12] =	ssyncadd.s32 $0xFFFFC000  }
0x5a: {  	[bflag:$0x0] =	sbarrier.arrive $0xFFFF  }
0x5b: {  	[tilespmem:s11], [sflag:$0x1] =	stream.linear.gather [spmem:s9], $0x2800, $0x38;
	[tilespmem:$0x1B700] =	vst v63  }
0x5c: {  	p0 =	sne.s32 s6, $0x1;
	_ =	swait.ge [sflag:s12], $0x2800  }
.Ltmp6:
0x5d: {  	[sflag:s12] =	ssyncset.done $0x0;
	(pc) =	sbr.rel @!p0 .LBB2_13-.Ltmp6, $4  }
0x5e: {  	[sflag:s12] =	ssyncadd.s32 $0xFFFFD800  }
0x5f: {  	[hbm4b:s10+s2] =	stream.linear.scatter [tilespmem:s11], [sflag:$0x1], $0x2800, $0x38;
	[tilespmem:$0x1B700] =	vst v63  }
0x60: {  	s16 =	sadd.s32 $0xFFFFFFFF, s6;
	_ =	swait.ge [sflag:s12], $0x2800  }
0x61: {  	s17 =	smov.u32 s9;
	s18 =	smov.u32 s10;
	[sflag:s12] =	ssyncset.done $0x0  }
.LBB2_12:
0x62: {  	[sflag:s12] =	ssyncadd.s32 $0xFFFFD800;
	s17 =	sadd.s32 $0x2800, s17;
	s18 =	sadd.s32 $0x500, s18  }
0x63: {  	[tilespmem:s11], [sflag:$0x1] =	stream.linear.gather [spmem:s17], $0x2800, $0x38;
	[tilespmem:$0x1B700] =	vst v63  }
0x64: {  	p0 =	sne.s32 s16, $0x1;
	s16 =	sadd.s32 $0xFFFFFFFF, s16;
	_ =	swait.ge [sflag:s12], $0x2800  }
.Ltmp7:
0x65: {  	[sflag:s12] =	ssyncset.done $0x0;
	(pc) =	sbr.rel @p0 .LBB2_12-.Ltmp7, $4  }
0x66: {  	[sflag:s12] =	ssyncadd.s32 $0xFFFFD800  }
0x67: {  	[hbm4b:s18+s2] =	stream.linear.scatter [tilespmem:s11], [sflag:$0x1], $0x2800, $0x38;
	[tilespmem:$0x1B700] =	vst v63  }
0x68: {  	_ =	swait.ge [sflag:s12], $0x2800  }
0x69: {  	[sflag:s12] =	ssyncset.done $0x0  }
.LBB2_13:
0x6a: {  	s15 =	sadd.s32 $0x1, s15  }
0x6b: {  	p0 =	sne.s32 s15, s8  }
.Ltmp8:
0x6c: {  	_ = 	snop;
	(pc) =	sbr.rel @p0 .LBB2_1-.Ltmp8, $2  }
0x6d: {  	_ =	sdelay $0x2  }
0x6e: {  	[sflag:s12] =	ssyncadd.s32 $0xFFFFD800  }
0x6f: {  	_ =	sfence.sel $0x180000  }
0x70: {  	[bflag:$0x0] =	sbarrier.arrive $0xFFFF  }
0x71: {  	p0 =	sne.s32 s3, $0x0;
	_ =	strace $0x90000047  }
0x72: {  	s0 =	sadd.s32 @!p0 $0x100000, s0;
	[bflag:$0x2] =	sbarrier.arrive $0xFFFF  }
0x73: {  	[sflag:s0] =	ssyncadd.tile.s32 @!p0 $0x1;
	_ =	shalt  }
.Lfunc_end2:
_tile_overlayer_lowered:
.L_overlay_start_2:
0x74: {  	(tag) =	ssettag $0x2  }
0x75: {  	s0 =	rddreg [dreg:$0x0];
	s2 =	stileid.u32  }
0x76: {  	s1 =	rddreg [dreg:$0x1];
	p0 =	sne.s32 s2, $0x0  }
0x77: {  	s3 =	rddreg [dreg:$0x2];
	[bflag:$0x3] =	sbarrier.arrive $0xFFFF;
	s2 =	simm.s32 @!p0 $0x1C01  }
0x78: {  	[timem:s3], [sflag:s2] =	dma.local @!p0 [hbm:s0], s1  }
0x79: {  	s0 =	simm.s32 @!p0 $0x1  }
0x7a: {  	_ =	swait.ge @!p0 [sflag:s0], s1  }
0x7b: {  	s1 =	ssub.s32 @!p0 $0x0, s1;
	[sflag:s0] =	ssyncset.done @!p0 $0x0  }
0x7c: {  	[sflag:s0] =	ssyncadd.s32 @!p0 s1  }
0x7d: {  	[bflag:$0x3] =	sbarrier.arrive $0xFFFF  }
0x7e: {  	_ =	shalt  }

</sc_bundles>
